<compile_context>
chip_gen: v7x
topology: tpu7x:2x2x1
jax: 0.10.2.dev20260603
libtpu: 0.0.44.dev20260713+nightly
codegen_flags: <defaults>
</compile_context>

<pallas_src>
import jax
import jax.numpy as jnp
from jax import lax
from jax.experimental import pallas as pl
from jax.experimental.pallas import tpu as pltpu
from jax.experimental.pallas import tpu_sc as plsc

N = 100000
E = 3200000
F = 16
NC, NS = 2, 16
NW = NC * NS

ROWS = E // 128
H0_ROWS = 12504
H1_ROWS = ROWS - H0_ROWS
MKB = 8
H0_CHUNKS = H0_ROWS // MKB
H1_CHUNKS = H1_ROWS // MKB
NPAIR = H1_CHUNKS // 2

TILE_ROWS = 784
LAST_ROWS = ROWS - (NW - 1) * TILE_ROWS
CNT_CHUNKS = TILE_ROWS // MKB
LAST_CNT_CHUNKS = LAST_ROWS // MKB
CNT_PAIRS = CNT_CHUNKS // 2
LAST_CNT_PAIRS = LAST_CNT_CHUNKS // 2

NPAD = 100096
NEG = -3.0e38


def _sc_all_body(attrT_hbm, col2_hbm, sum_hbm, max_hbm, cnt_hbm,
                 acc, vbufA, ibufA, vbufB, ibufB, semA, semB):
    c = lax.axis_index("c")
    s = lax.axis_index("s")
    wid = c * NS + s
    obase = wid * NPAD

    def _fill(value):
        @plsc.parallel_loop(0, NPAD // 16, unroll=8)
        def _f(i):
            acc[pl.ds(i * 16, 16)] = jnp.full((16,), value, jnp.float32)

    row0 = c * H0_ROWS

    def _startA(r0):
        pltpu.async_copy(attrT_hbm.at[s, pl.ds(r0, MKB)], vbufA, semA)
        pltpu.async_copy(col2_hbm.at[pl.ds(r0, MKB)], ibufA, semA)

    def _startB(r0):
        pltpu.async_copy(attrT_hbm.at[s, pl.ds(r0, MKB)], vbufB, semB)
        pltpu.async_copy(col2_hbm.at[pl.ds(r0, MKB)], ibufB, semB)

    def _waitA():
        pltpu.make_async_copy(attrT_hbm.at[s, pl.ds(row0, MKB)], vbufA,
                              semA).wait()
        pltpu.make_async_copy(col2_hbm.at[pl.ds(row0, MKB)], ibufA,
                              semA).wait()

    def _waitB():
        pltpu.make_async_copy(attrT_hbm.at[s, pl.ds(row0, MKB)], vbufB,
                              semB).wait()
        pltpu.make_async_copy(col2_hbm.at[pl.ds(row0, MKB)], ibufB,
                              semB).wait()

    def _feature_phase(process):
        nch = jnp.where(c == 0, H0_CHUNKS, H1_CHUNKS)
        _startA(row0)

        def _pair(jj, _):
            j1 = 2 * jj + 1
            _startB(row0 + j1 * MKB)
            _waitA()
            process(vbufA, ibufA)

            @pl.when(jj < NPAIR - 1)
            def _():
                _startA(row0 + (j1 + 1) * MKB)
            _waitB()
            process(vbufB, ibufB)
            return 0

        lax.fori_loop(0, NPAIR, _pair, 0)

        @pl.when(nch > 2 * NPAIR)
        def _():
            r0 = row0 + 2 * NPAIR * MKB
            pltpu.sync_copy(attrT_hbm.at[s, pl.ds(r0, MKB)], vbufA)
            pltpu.sync_copy(col2_hbm.at[pl.ds(r0, MKB)], ibufA)
            process(vbufA, ibufA)

    def _proc_sum(vbuf, ibuf):
        @plsc.parallel_loop(0, 64, unroll=8)
        def _vreg(v):
            r = v // 8
            k = v % 8
            i16 = ibuf[r, pl.ds(k * 16, 16)]
            v16 = vbuf[r, pl.ds(k * 16, 16)]
            plsc.addupdate_scatter(acc, [i16], v16)

    _fill(0.0)
    _feature_phase(_proc_sum)
    pltpu.sync_copy(acc, sum_hbm.at[pl.ds(obase, NPAD)])

    GV = 8

    def _retry_vreg(i16, v16):
        def _cond(bad):
            return lax.reduce_max(bad.astype(jnp.int32), axes=(0,)) > 0

        def _body(bad):
            cur = plsc.load_gather(acc, [i16])
            plsc.store_scatter(acc, [i16], jnp.maximum(cur, v16),
                               mask=bad)
            chk = plsc.load_gather(acc, [i16])
            return chk < v16

        chk0 = plsc.load_gather(acc, [i16])
        lax.while_loop(_cond, _body, chk0 < v16)

    def _proc_max(vbuf, ibuf):
        def _group(g, _):
            r = g // 2
            k0 = (g % 2) * GV
            i16s = [ibuf[r, pl.ds((k0 + t) * 16, 16)] for t in range(GV)]
            v16s = [vbuf[r, pl.ds((k0 + t) * 16, 16)] for t in range(GV)]
            curs = [plsc.load_gather(acc, [i16s[t]]) for t in range(GV)]
            for t in range(GV):
                plsc.store_scatter(acc, [i16s[t]],
                                   jnp.maximum(curs[t], v16s[t]))
            chks = [plsc.load_gather(acc, [i16s[t]]) for t in range(GV)]
            bad = (chks[0] < v16s[0]).astype(jnp.int32)
            for t in range(1, GV):
                bad = jnp.maximum(bad, (chks[t] < v16s[t]).astype(jnp.int32))
            anybad = lax.reduce_max(bad, axes=(0,))

            @pl.when(anybad > 0)
            def _():
                for t in range(GV):
                    _retry_vreg(i16s[t], v16s[t])
            return 0

        lax.fori_loop(0, 64 // GV, _group, 0)

    _fill(NEG)
    _feature_phase(_proc_max)
    pltpu.sync_copy(acc, max_hbm.at[pl.ds(obase, NPAD)])

    def _proc_cnt(ibuf):
        ones = jnp.ones((16,), jnp.float32)

        @plsc.parallel_loop(0, 64, unroll=8)
        def _vreg(v):
            r = v // 8
            k = v % 8
            i16 = ibuf[r, pl.ds(k * 16, 16)]
            plsc.addupdate_scatter(acc, [i16], ones)

    _fill(0.0)
    crow = wid * TILE_ROWS
    npc = jnp.where(wid == NW - 1, LAST_CNT_PAIRS, CNT_PAIRS)

    def _cstartA(r0):
        pltpu.async_copy(col2_hbm.at[pl.ds(r0, MKB)], ibufA, semA)

    def _cstartB(r0):
        pltpu.async_copy(col2_hbm.at[pl.ds(r0, MKB)], ibufB, semB)

    def _cwaitA():
        pltpu.make_async_copy(col2_hbm.at[pl.ds(crow, MKB)], ibufA,
                              semA).wait()

    def _cwaitB():
        pltpu.make_async_copy(col2_hbm.at[pl.ds(crow, MKB)], ibufB,
                              semB).wait()

    _cstartA(crow)

    def _cpair(jj, _):
        j1 = 2 * jj + 1
        _cstartB(crow + j1 * MKB)
        _cwaitA()
        _proc_cnt(ibufA)

        @pl.when(jj < npc - 1)
        def _():
            _cstartA(crow + (j1 + 1) * MKB)
        _cwaitB()
        _proc_cnt(ibufB)
        return 0

    lax.fori_loop(0, npc, _cpair, 0)

    @pl.when(wid == NW - 1)
    def _():
        r0 = crow + 2 * LAST_CNT_PAIRS * MKB
        pltpu.sync_copy(col2_hbm.at[pl.ds(r0, MKB)], ibufA)
        _proc_cnt(ibufA)

    pltpu.sync_copy(acc, cnt_hbm.at[pl.ds(obase, NPAD)])


_sc_all = pl.kernel(
    _sc_all_body,
    out_type=(jax.ShapeDtypeStruct((NW * NPAD,), jnp.float32),
              jax.ShapeDtypeStruct((NW * NPAD,), jnp.float32),
              jax.ShapeDtypeStruct((NW * NPAD,), jnp.float32)),
    mesh=plsc.VectorSubcoreMesh(core_axis_name="c", subcore_axis_name="s"),
    compiler_params=pltpu.CompilerParams(use_tc_tiling_on_sc=False,
                                         needs_layout_passes=False),
    scratch_types=[
        pltpu.VMEM((NPAD,), jnp.float32),
        pltpu.VMEM((MKB, 128), jnp.float32),
        pltpu.VMEM((MKB, 128), jnp.int32),
        pltpu.VMEM((MKB, 128), jnp.float32),
        pltpu.VMEM((MKB, 128), jnp.int32),
        pltpu.SemaphoreType.DMA,
        pltpu.SemaphoreType.DMA,
    ],
)


TB = 3200


def _tr_body(in_ref, o_ref):
    o_ref[...] = in_ref[...].T


def _transpose(attr):
    return pl.pallas_call(
        _tr_body,
        grid=(E // TB,),
        in_specs=[pl.BlockSpec((TB, F), lambda i: (i, 0))],
        out_specs=pl.BlockSpec((F, TB), lambda i: (0, i)),
        out_shape=jax.ShapeDtypeStruct((F, E), jnp.float32),
    )(attr)


BLK = 2000


def _mlp_body(sum_ref, cnt_ref, max_ref, u_ref, w1_ref, b1_ref, w2_ref,
              b2_ref, o_ref):
    sm = sum_ref[...]
    cn = cnt_ref[...]
    mx = max_ref[...]
    out2 = jnp.where(cn > 0, mx, 0.0)
    out3 = sm / jnp.maximum(cn, 1.0)
    ucol = jnp.full((BLK, 1), u_ref[0, 0], jnp.float32)
    zpad = jnp.zeros((BLK, 15), jnp.float32)
    h = jnp.concatenate([sm, out2, out3, ucol, zpad], axis=1)
    a = jnp.dot(h, w1_ref[...], preferred_element_type=jnp.float32)
    a = a + b1_ref[...]
    g = 0.5 * a * (1.0 + lax.erf(a * (2.0 ** -0.5)))
    o = jnp.dot(g, w2_ref[...], preferred_element_type=jnp.float32)
    o_ref[...] = o + b2_ref[...]


def _mlp(sm, cnt, mx, u, w1p, b1, w2, b2):
    grid = (N // BLK,)
    return pl.pallas_call(
        _mlp_body,
        grid=grid,
        in_specs=[
            pl.BlockSpec((BLK, F), lambda i: (i, 0)),
            pl.BlockSpec((BLK, 1), lambda i: (i, 0)),
            pl.BlockSpec((BLK, F), lambda i: (i, 0)),
            pl.BlockSpec((1, 1), lambda i: (0, 0)),
            pl.BlockSpec((64, 256), lambda i: (0, 0)),
            pl.BlockSpec((1, 256), lambda i: (0, 0)),
            pl.BlockSpec((256, 128), lambda i: (0, 0)),
            pl.BlockSpec((1, 128), lambda i: (0, 0)),
        ],
        out_specs=pl.BlockSpec((BLK, 128), lambda i: (i, 0)),
        out_shape=jax.ShapeDtypeStruct((N, 128), jnp.float32),
    )(sm, cnt, mx, u, w1p, b1, w2, b2)


def kernel(x, edge_index, edge_attr, u, batch, W1, b1, W2, b2):
    col = edge_index[1]
    col2 = col.reshape(ROWS, 128)
    attrT = _transpose(edge_attr).reshape(F, ROWS, 128)
    sump, maxp, cntp = _sc_all(attrT, col2)
    sm = jnp.sum(sump.reshape(2, NS, NPAD), axis=0)[:, :N].T
    mx = jnp.max(maxp.reshape(2, NS, NPAD), axis=0)[:, :N].T
    cnt = jnp.sum(cntp.reshape(NW, NPAD), axis=0)[:N, None]
    w1p = jnp.pad(W1, ((0, 15), (0, 0)))
    return _mlp(sm, cnt, mx, u, w1p, b1[None, :], W2, b2[None, :])

# --- scband reference (transcript-rebuilt; emitter-appended) ---
"""Pipeline reference for scband-node-model-in-43843026158106 (READ-ONLY COPY).

The authoritative reference and input builder live on the scoring server;
editing this copy changes nothing except your own understanding.
"""

import jax, jax.numpy as jnp
import numpy as np

N = 100000
E = 3200000
EDGE_OUT = 16
NODE_IN = 128
NODE_OUT = 128
HID = 256


def setup_inputs(seed: int = 0) -> dict:
    key = jax.random.key(seed)
    ks = jax.random.split(key, 8)
    x = jax.random.normal(ks[0], (N, NODE_IN), dtype=jnp.float32)
    edge_index = jax.random.randint(ks[1], (2, E), 0, N, dtype=jnp.int32)
    edge_attr = jax.random.normal(ks[2], (E, EDGE_OUT), dtype=jnp.float32)
    u = jax.random.normal(ks[3], (1, 1), dtype=jnp.float32)
    batch = jnp.zeros((N,), dtype=jnp.int32)
    # node_mlp parameters: Linear(3*edge_out+1 -> hid), GELU, Dropout(0.0), Linear(hid -> node_out)
    W1 = jax.random.normal(ks[4], (3 * EDGE_OUT + 1, HID), dtype=jnp.float32) * 0.05
    b1 = jnp.zeros((HID,), dtype=jnp.float32)
    W2 = jax.random.normal(ks[5], (HID, NODE_OUT), dtype=jnp.float32) * 0.05
    b2 = jnp.zeros((NODE_OUT,), dtype=jnp.float32)
    return {"x": x, "edge_index": edge_index, "edge_attr": edge_attr, "u": u,
            "batch": batch, "W1": W1, "b1": b1, "W2": W2, "b2": b2}


def reference(x, edge_index, edge_attr, u, batch, W1, b1, W2, b2):
    row, col = edge_index[0], edge_index[1]
    n = x.shape[0]
    # scatter_add over dst nodes
    out1 = jax.ops.segment_sum(edge_attr, col, num_segments=n)
    # scatter_max (torch_scatter leaves untouched rows at 0)
    out_max = jax.ops.segment_max(edge_attr, col, num_segments=n)
    cnt = jax.ops.segment_sum(jnp.ones((edge_attr.shape[0], 1), jnp.float32), col, num_segments=n)
    out2 = jnp.where(cnt > 0, out_max, 0.0)
    # scatter_mean
    out3 = out1 / jnp.maximum(cnt, 1.0)
    h = jnp.concatenate([out1, out2, out3, u[batch]], axis=1)
    h = jax.nn.gelu(h @ W1 + b1, approximate=False)
    out = h @ W2 + b2  # dropout_rate=0.0 -> identity; norm=False
    return out

if __name__ == "__main__":
    import jax
    _d = setup_inputs()
    print(jax.jit(kernel)(*tuple(_d.values())))

</pallas_src>

<mosaic_0001>
#map = affine_map<(d0, d1) -> (0, 0, 0)>
#map1 = affine_map<(d0, d1) -> (0, 0)>
#map2 = affine_map<(d0, d1) -> (0)>
module attributes {stable_mosaic.version = 14 : i64} {
  func.func @_sc_all_body(%arg0: i32, %arg1: i32, %arg2: memref<16x25000x128xf32, #tpu.memory_space<hbm>>, %arg3: memref<25000x128xi32, #tpu.memory_space<hbm>>, %arg4: memref<3203072xf32, #tpu.memory_space<hbm>>, %arg5: memref<3203072xf32, #tpu.memory_space<hbm>>, %arg6: memref<3203072xf32, #tpu.memory_space<hbm>>, %arg7: memref<100096xf32, #tpu.memory_space<vmem>>, %arg8: memref<8x128xf32, #tpu.memory_space<vmem>>, %arg9: memref<8x128xi32, #tpu.memory_space<vmem>>, %arg10: memref<8x128xf32, #tpu.memory_space<vmem>>, %arg11: memref<8x128xi32, #tpu.memory_space<vmem>>, %arg12: memref<!tpu.dma_semaphore, #tpu.memory_space<semaphore_mem>>, %arg13: memref<!tpu.dma_semaphore, #tpu.memory_space<semaphore_mem>>) attributes {dimension_semantics = [#tpu.dimension_semantics<core_parallel>, #tpu.dimension_semantics<subcore_parallel>], iteration_bounds = array<i64: 2, 16>, scalar_prefetch = 0 : i64, scratch_operands = 7 : i64, tpu.core_type = #tpu.core_type<sc_vector_subcore>, window_params = [{transform_indices = #map}, {transform_indices = #map1}, {transform_indices = #map2}, {transform_indices = #map2}, {transform_indices = #map2}]} {
    %mul3A = arith.constant 16 : i32
    %mul3A_0 = arith.muli %arg0, %mul3A : i32
    %add3A = arith.addi %mul3A_0, %arg1 : i32
    %mul3A_1 = arith.constant 100096 : i32
    %mul3A_2 = arith.muli %add3A, %mul3A_1 : i32
    %mul3A_3 = arith.constant 12504 : i32
    %mul3A_4 = arith.muli %arg0, %mul3A_3 : i32
    %parallel_loop3A = arith.constant 0 : i32
    %parallel_loop3A_5 = arith.constant 6256 : i32
    %parallel_loop3A_6 = arith.constant 1 : i32
    scf.for %parallel_loop3A_86 = %parallel_loop3A to %parallel_loop3A_5 step %parallel_loop3A_6  : i32 {
      %parallel_loop3A_87 = arith.constant 0.000000e+00 : f32
      %parallel_loop3A_88 = vector.broadcast %parallel_loop3A_87 : f32 to vector<16xf32>
      %parallel_loop3A_89 = arith.constant 16 : i32
      %parallel_loop3A_90 = arith.muli %parallel_loop3A_86, %parallel_loop3A_89 : i32
      %parallel_loop3A_91 = arith.index_cast %parallel_loop3A_90 : i32 to index
      %parallel_loop3A_92 = tpu.vector_load %arg7[%parallel_loop3A_91] {strides = array<i32>} : memref<100096xf32, #tpu.memory_space<vmem>>, vector<16xf32>,
      tpu.vector_store %arg7[%parallel_loop3A_91], %parallel_loop3A_88 {strides = array<i32>} : memref<100096xf32, #tpu.memory_space<vmem>>, vector<16xf32>,
    } {sc.loop_unroll_factor = 8 : i64, sc.parallel_access}
    %eq3A = arith.constant 0 : i32
    %eq3A_7 = arith.cmpi eq, %arg0, %eq3A : i32
    %jit3A = arith.constant 1563 : i32
    %jit3A_8 = arith.constant 1562 : i32
    %select_n3A = arith.select %eq3A_7, %jit3A, %jit3A_8 : i32
    %dma_start3A = arith.constant 0 : i32
    %dma_start3A_9 = tpu.memref_slice %arg2[%arg1, %mul3A_4, %dma_start3A] : memref<16x25000x128xf32, #tpu.memory_space<hbm>> -> memref<1x8x128xf32, #tpu.memory_space<hbm>>
    %dma_start3A_10 = tpu.memref_squeeze %dma_start3A_9 : memref<1x8x128xf32, #tpu.memory_space<hbm>> -> memref<8x128xf32, #tpu.memory_space<hbm>>
    %dma_start3A_11 = arith.constant 0 : i32
    %dma_start3A_12 = tpu.memref_slice %arg2[%arg1, %mul3A_4, %dma_start3A_11] : memref<16x25000x128xf32, #tpu.memory_space<hbm>> -> memref<1x8x128xf32, #tpu.memory_space<hbm>>
    %dma_start3A_13 = tpu.memref_squeeze %dma_start3A_12 : memref<1x8x128xf32, #tpu.memory_space<hbm>> -> memref<8x128xf32, #tpu.memory_space<hbm>>
    tpu.enqueue_dma source(%dma_start3A_13 : memref<8x128xf32, #tpu.memory_space<hbm>>) target(%arg8 : memref<8x128xf32, #tpu.memory_space<vmem>>) target_semaphore(%arg12 : memref<!tpu.dma_semaphore, #tpu.memory_space<semaphore_mem>>)
    %dma_start3A_14 = arith.constant 0 : i32
    %dma_start3A_15 = tpu.memref_slice %arg3[%mul3A_4, %dma_start3A_14] : memref<25000x128xi32, #tpu.memory_space<hbm>> -> memref<8x128xi32, #tpu.memory_space<hbm>>
    %dma_start3A_16 = arith.constant 0 : i32
    %dma_start3A_17 = tpu.memref_slice %arg3[%mul3A_4, %dma_start3A_16] : memref<25000x128xi32, #tpu.memory_space<hbm>> -> memref<8x128xi32, #tpu.memory_space<hbm>>
    tpu.enqueue_dma source(%dma_start3A_17 : memref<8x128xi32, #tpu.memory_space<hbm>>) target(%arg9 : memref<8x128xi32, #tpu.memory_space<vmem>>) target_semaphore(%arg12 : memref<!tpu.dma_semaphore, #tpu.memory_space<semaphore_mem>>)
    %scan3A = arith.constant 0 : i32
    %scan3A_18 = arith.constant 0 : i32
    %scan3A_19 = arith.constant 781 : i32
    %scan3A_20 = arith.addi %scan3A_18, %scan3A_19 : i32
    %scan3A_21 = arith.constant 1 : i32
    %scan3A_22 = scf.for %scan3A_86 = %scan3A_18 to %scan3A_20 step %scan3A_21 iter_args(%scan3A_87 = %scan3A) -> (i32)  : i32 {
      %mul3A_88 = arith.constant 2 : i32
      %mul3A_89 = arith.muli %mul3A_88, %scan3A_86 : i32
      %add3A_90 = arith.constant 1 : i32
      %add3A_91 = arith.addi %mul3A_89, %add3A_90 : i32
      %mul3A_92 = arith.constant 8 : i32
      %mul3A_93 = arith.muli %add3A_91, %mul3A_92 : i32
      %add3A_94 = arith.addi %mul3A_4, %mul3A_93 : i32
      %dma_start3A_95 = arith.constant 0 : i32
      %dma_start3A_96 = tpu.memref_slice %arg2[%arg1, %add3A_94, %dma_start3A_95] : memref<16x25000x128xf32, #tpu.memory_space<hbm>> -> memref<1x8x128xf32, #tpu.memory_space<hbm>>
      %dma_start3A_97 = tpu.memref_squeeze %dma_start3A_96 : memref<1x8x128xf32, #tpu.memory_space<hbm>> -> memref<8x128xf32, #tpu.memory_space<hbm>>
      %dma_start3A_98 = arith.constant 0 : i32
      %dma_start3A_99 = tpu.memref_slice %arg2[%arg1, %add3A_94, %dma_start3A_98] : memref<16x25000x128xf32, #tpu.memory_space<hbm>> -> memref<1x8x128xf32, #tpu.memory_space<hbm>>
      %dma_start3A_100 = tpu.memref_squeeze %dma_start3A_99 : memref<1x8x128xf32, #tpu.memory_space<hbm>> -> memref<8x128xf32, #tpu.memory_space<hbm>>
      tpu.enqueue_dma source(%dma_start3A_100 : memref<8x128xf32, #tpu.memory_space<hbm>>) target(%arg10 : memref<8x128xf32, #tpu.memory_space<vmem>>) target_semaphore(%arg13 : memref<!tpu.dma_semaphore, #tpu.memory_space<semaphore_mem>>)
      %dma_start3A_101 = arith.constant 0 : i32
      %dma_start3A_102 = tpu.memref_slice %arg3[%add3A_94, %dma_start3A_101] : memref<25000x128xi32, #tpu.memory_space<hbm>> -> memref<8x128xi32, #tpu.memory_space<hbm>>
      %dma_start3A_103 = arith.constant 0 : i32
      %dma_start3A_104 = tpu.memref_slice %arg3[%add3A_94, %dma_start3A_103] : memref<25000x128xi32, #tpu.memory_space<hbm>> -> memref<8x128xi32, #tpu.memory_space<hbm>>
      tpu.enqueue_dma source(%dma_start3A_104 : memref<8x128xi32, #tpu.memory_space<hbm>>) target(%arg11 : memref<8x128xi32, #tpu.memory_space<vmem>>) target_semaphore(%arg13 : memref<!tpu.dma_semaphore, #tpu.memory_space<semaphore_mem>>)
      %dma_wait3A = arith.constant 0 : i32
      %dma_wait3A_105 = tpu.memref_slice %arg2[%arg1, %mul3A_4, %dma_wait3A] : memref<16x25000x128xf32, #tpu.memory_space<hbm>> -> memref<1x8x128xf32, #tpu.memory_space<hbm>>
      %dma_wait3A_106 = tpu.memref_squeeze %dma_wait3A_105 : memref<1x8x128xf32, #tpu.memory_space<hbm>> -> memref<8x128xf32, #tpu.memory_space<hbm>>
      %dma_wait3A_107 = arith.constant 0 : i32
      %dma_wait3A_108 = tpu.memref_slice %arg2[%arg1, %mul3A_4, %dma_wait3A_107] : memref<16x25000x128xf32, #tpu.memory_space<hbm>> -> memref<1x8x128xf32, #tpu.memory_space<hbm>>
      %dma_wait3A_109 = tpu.memref_squeeze %dma_wait3A_108 : memref<1x8x128xf32, #tpu.memory_space<hbm>> -> memref<8x128xf32, #tpu.memory_space<hbm>>
      tpu.wait_dma2 semaphore(%arg12 : memref<!tpu.dma_semaphore, #tpu.memory_space<semaphore_mem>>) src(%dma_wait3A_109 : memref<8x128xf32, #tpu.memory_space<hbm>>) dst(%arg8 : memref<8x128xf32, #tpu.memory_space<vmem>>)
      %dma_wait3A_110 = arith.constant 0 : i32
      %dma_wait3A_111 = tpu.memref_slice %arg3[%mul3A_4, %dma_wait3A_110] : memref<25000x128xi32, #tpu.memory_space<hbm>> -> memref<8x128xi32, #tpu.memory_space<hbm>>
      %dma_wait3A_112 = arith.constant 0 : i32
      %dma_wait3A_113 = tpu.memref_slice %arg3[%mul3A_4, %dma_wait3A_112] : memref<25000x128xi32, #tpu.memory_space<hbm>> -> memref<8x128xi32, #tpu.memory_space<hbm>>
      tpu.wait_dma2 semaphore(%arg12 : memref<!tpu.dma_semaphore, #tpu.memory_space<semaphore_mem>>) src(%dma_wait3A_113 : memref<8x128xi32, #tpu.memory_space<hbm>>) dst(%arg9 : memref<8x128xi32, #tpu.memory_space<vmem>>)
      %parallel_loop3A_114 = arith.constant 0 : i32
      %parallel_loop3A_115 = arith.constant 64 : i32
      %parallel_loop3A_116 = arith.constant 1 : i32
      scf.for %parallel_loop3A_135 = %parallel_loop3A_114 to %parallel_loop3A_115 step %parallel_loop3A_116  : i32 {
        %parallel_loop3A_136 = arith.constant 8 : i32
        %parallel_loop3A_137 = arith.divsi %parallel_loop3A_135, %parallel_loop3A_136 : i32
        %parallel_loop3A_138 = arith.constant 0 : i32
        %parallel_loop3A_139 = arith.cmpi sgt, %parallel_loop3A_135, %parallel_loop3A_138 : i32
        %parallel_loop3A_140 = arith.extui %parallel_loop3A_139 : i1 to i32
        %parallel_loop3A_141 = arith.constant 0 : i32
        %parallel_loop3A_142 = arith.cmpi slt, %parallel_loop3A_135, %parallel_loop3A_141 : i32
        %parallel_loop3A_143 = arith.extui %parallel_loop3A_142 : i1 to i32
        %parallel_loop3A_144 = arith.subi %parallel_loop3A_140, %parallel_loop3A_143 : i32
        %parallel_loop3A_145 = arith.constant 0 : i32
        %parallel_loop3A_146 = arith.cmpi sgt, %parallel_loop3A_136, %parallel_loop3A_145 : i32
        %parallel_loop3A_147 = arith.extui %parallel_loop3A_146 : i1 to i32
        %parallel_loop3A_148 = arith.constant 0 : i32
        %parallel_loop3A_149 = arith.cmpi slt, %parallel_loop3A_136, %parallel_loop3A_148 : i32
        %parallel_loop3A_150 = arith.extui %parallel_loop3A_149 : i1 to i32
        %parallel_loop3A_151 = arith.subi %parallel_loop3A_147, %parallel_loop3A_150 : i32
        %parallel_loop3A_152 = arith.cmpi ne, %parallel_loop3A_144, %parallel_loop3A_151 : i32
        %parallel_loop3A_153 = arith.remsi %parallel_loop3A_135, %parallel_loop3A_136 : i32
        %parallel_loop3A_154 = arith.constant 0 : i32
        %parallel_loop3A_155 = arith.cmpi ne, %parallel_loop3A_153, %parallel_loop3A_154 : i32
        %parallel_loop3A_156 = arith.andi %parallel_loop3A_152, %parallel_loop3A_155 : i1
        %parallel_loop3A_157 = arith.constant 1 : i32
        %parallel_loop3A_158 = arith.subi %parallel_loop3A_137, %parallel_loop3A_157 : i32
        %parallel_loop3A_159 = arith.select %parallel_loop3A_156, %parallel_loop3A_158, %parallel_loop3A_137 : i32
        %parallel_loop3A_160 = arith.constant 8 : i32
        %parallel_loop3A_161 = arith.constant 0 : i32
        %parallel_loop3A_162 = arith.cmpi eq, %parallel_loop3A_160, %parallel_loop3A_161 : i32
        %parallel_loop3A_163 = arith.constant 1 : i32
        %parallel_loop3A_164 = arith.select %parallel_loop3A_162, %parallel_loop3A_163, %parallel_loop3A_160 : i32
        %parallel_loop3A_165 = arith.remsi %parallel_loop3A_135, %parallel_loop3A_164 : i32
        %parallel_loop3A_166 = arith.constant 0 : i32
        %parallel_loop3A_167 = arith.cmpi ne, %parallel_loop3A_165, %parallel_loop3A_166 : i32
        %parallel_loop3A_168 = arith.constant 0 : i32
        %parallel_loop3A_169 = arith.cmpi slt, %parallel_loop3A_165, %parallel_loop3A_168 : i32
        %parallel_loop3A_170 = arith.constant 0 : i32
        %parallel_loop3A_171 = arith.cmpi slt, %parallel_loop3A_164, %parallel_loop3A_170 : i32
        %parallel_loop3A_172 = arith.xori %parallel_loop3A_169, %parallel_loop3A_171 : i1
        %parallel_loop3A_173 = arith.andi %parallel_loop3A_172, %parallel_loop3A_167 : i1
        %parallel_loop3A_174 = arith.addi %parallel_loop3A_165, %parallel_loop3A_164 : i32
        %parallel_loop3A_175 = arith.select %parallel_loop3A_173, %parallel_loop3A_174, %parallel_loop3A_165 : i32
        %parallel_loop3A_176 = arith.constant 16 : i32
        %parallel_loop3A_177 = arith.muli %parallel_loop3A_175, %parallel_loop3A_176 : i32
        %parallel_loop3A_178 = arith.index_cast %parallel_loop3A_159 : i32 to index
        %parallel_loop3A_179 = arith.index_cast %parallel_loop3A_177 : i32 to index
        %parallel_loop3A_180 = tpu.vector_load %arg9[%parallel_loop3A_178, %parallel_loop3A_179] {strides = array<i32>} : memref<8x128xi32, #tpu.memory_space<vmem>>, vector<16xi32>,
        %parallel_loop3A_181 = arith.constant 16 : i32
        %parallel_loop3A_182 = arith.muli %parallel_loop3A_175, %parallel_loop3A_181 : i32
        %parallel_loop3A_183 = arith.index_cast %parallel_loop3A_159 : i32 to index
        %parallel_loop3A_184 = arith.index_cast %parallel_loop3A_182 : i32 to index
        %parallel_loop3A_185 = tpu.vector_load %arg8[%parallel_loop3A_183, %parallel_loop3A_184] {strides = array<i32>} : memref<8x128xf32, #tpu.memory_space<vmem>>, vector<16xf32>,
        tpu.vector_store_idx %arg7[%parallel_loop3A_180], %parallel_loop3A_185 {add = true} : memref<100096xf32, #tpu.memory_space<vmem>>[vector<16xi32>], vector<16xf32>,
      } {sc.loop_unroll_factor = 8 : i64, sc.parallel_access}
      %lt3A = arith.constant 780 : i32
      %lt3A_117 = arith.cmpi slt, %scan3A_86, %lt3A : i32
      %convert_element_type3A_118 = arith.extui %lt3A_117 : i1 to i32
      %cond3A_119 = arith.constant 0 : i32
      %cond3A_120 = arith.cmpi ne, %convert_element_type3A_118, %cond3A_119 : i32
      scf.if %cond3A_120 {
        %add3A_135 = arith.constant 1 : i32
        %add3A_136 = arith.addi %add3A_91, %add3A_135 : i32
        %mul3A_137 = arith.constant 8 : i32
        %mul3A_138 = arith.muli %add3A_136, %mul3A_137 : i32
        %add3A_139 = arith.addi %mul3A_4, %mul3A_138 : i32
        %dma_start3A_140 = arith.constant 0 : i32
        %dma_start3A_141 = tpu.memref_slice %arg2[%arg1, %add3A_139, %dma_start3A_140] : memref<16x25000x128xf32, #tpu.memory_space<hbm>> -> memref<1x8x128xf32, #tpu.memory_space<hbm>>
        %dma_start3A_142 = tpu.memref_squeeze %dma_start3A_141 : memref<1x8x128xf32, #tpu.memory_space<hbm>> -> memref<8x128xf32, #tpu.memory_space<hbm>>
        %dma_start3A_143 = arith.constant 0 : i32
        %dma_start3A_144 = tpu.memref_slice %arg2[%arg1, %add3A_139, %dma_start3A_143] : memref<16x25000x128xf32, #tpu.memory_space<hbm>> -> memref<1x8x128xf32, #tpu.memory_space<hbm>>
        %dma_start3A_145 = tpu.memref_squeeze %dma_start3A_144 : memref<1x8x128xf32, #tpu.memory_space<hbm>> -> memref<8x128xf32, #tpu.memory_space<hbm>>
        tpu.enqueue_dma source(%dma_start3A_145 : memref<8x128xf32, #tpu.memory_space<hbm>>) target(%arg8 : memref<8x128xf32, #tpu.memory_space<vmem>>) target_semaphore(%arg12 : memref<!tpu.dma_semaphore, #tpu.memory_space<semaphore_mem>>)
        %dma_start3A_146 = arith.constant 0 : i32
        %dma_start3A_147 = tpu.memref_slice %arg3[%add3A_139, %dma_start3A_146] : memref<25000x128xi32, #tpu.memory_space<hbm>> -> memref<8x128xi32, #tpu.memory_space<hbm>>
        %dma_start3A_148 = arith.constant 0 : i32
        %dma_start3A_149 = tpu.memref_slice %arg3[%add3A_139, %dma_start3A_148] : memref<25000x128xi32, #tpu.memory_space<hbm>> -> memref<8x128xi32, #tpu.memory_space<hbm>>
        tpu.enqueue_dma source(%dma_start3A_149 : memref<8x128xi32, #tpu.memory_space<hbm>>) target(%arg9 : memref<8x128xi32, #tpu.memory_space<vmem>>) target_semaphore(%arg12 : memref<!tpu.dma_semaphore, #tpu.memory_space<semaphore_mem>>)
      } else {
      }
      %dma_wait3A_121 = arith.constant 0 : i32
      %dma_wait3A_122 = tpu.memref_slice %arg2[%arg1, %mul3A_4, %dma_wait3A_121] : memref<16x25000x128xf32, #tpu.memory_space<hbm>> -> memref<1x8x128xf32, #tpu.memory_space<hbm>>
      %dma_wait3A_123 = tpu.memref_squeeze %dma_wait3A_122 : memref<1x8x128xf32, #tpu.memory_space<hbm>> -> memref<8x128xf32, #tpu.memory_space<hbm>>
      %dma_wait3A_124 = arith.constant 0 : i32
      %dma_wait3A_125 = tpu.memref_slice %arg2[%arg1, %mul3A_4, %dma_wait3A_124] : memref<16x25000x128xf32, #tpu.memory_space<hbm>> -> memref<1x8x128xf32, #tpu.memory_space<hbm>>
      %dma_wait3A_126 = tpu.memref_squeeze %dma_wait3A_125 : memref<1x8x128xf32, #tpu.memory_space<hbm>> -> memref<8x128xf32, #tpu.memory_space<hbm>>
      tpu.wait_dma2 semaphore(%arg13 : memref<!tpu.dma_semaphore, #tpu.memory_space<semaphore_mem>>) src(%dma_wait3A_126 : memref<8x128xf32, #tpu.memory_space<hbm>>) dst(%arg10 : memref<8x128xf32, #tpu.memory_space<vmem>>)
      %dma_wait3A_127 = arith.constant 0 : i32
      %dma_wait3A_128 = tpu.memref_slice %arg3[%mul3A_4, %dma_wait3A_127] : memref<25000x128xi32, #tpu.memory_space<hbm>> -> memref<8x128xi32, #tpu.memory_space<hbm>>
      %dma_wait3A_129 = arith.constant 0 : i32
      %dma_wait3A_130 = tpu.memref_slice %arg3[%mul3A_4, %dma_wait3A_129] : memref<25000x128xi32, #tpu.memory_space<hbm>> -> memref<8x128xi32, #tpu.memory_space<hbm>>
      tpu.wait_dma2 semaphore(%arg13 : memref<!tpu.dma_semaphore, #tpu.memory_space<semaphore_mem>>) src(%dma_wait3A_130 : memref<8x128xi32, #tpu.memory_space<hbm>>) dst(%arg11 : memref<8x128xi32, #tpu.memory_space<vmem>>)
      %parallel_loop3A_131 = arith.constant 0 : i32
      %parallel_loop3A_132 = arith.constant 64 : i32
      %parallel_loop3A_133 = arith.constant 1 : i32
      scf.for %parallel_loop3A_135 = %parallel_loop3A_131 to %parallel_loop3A_132 step %parallel_loop3A_133  : i32 {
        %parallel_loop3A_136 = arith.constant 8 : i32
        %parallel_loop3A_137 = arith.divsi %parallel_loop3A_135, %parallel_loop3A_136 : i32
        %parallel_loop3A_138 = arith.constant 0 : i32
        %parallel_loop3A_139 = arith.cmpi sgt, %parallel_loop3A_135, %parallel_loop3A_138 : i32
        %parallel_loop3A_140 = arith.extui %parallel_loop3A_139 : i1 to i32
        %parallel_loop3A_141 = arith.constant 0 : i32
        %parallel_loop3A_142 = arith.cmpi slt, %parallel_loop3A_135, %parallel_loop3A_141 : i32
        %parallel_loop3A_143 = arith.extui %parallel_loop3A_142 : i1 to i32
        %parallel_loop3A_144 = arith.subi %parallel_loop3A_140, %parallel_loop3A_143 : i32
        %parallel_loop3A_145 = arith.constant 0 : i32
        %parallel_loop3A_146 = arith.cmpi sgt, %parallel_loop3A_136, %parallel_loop3A_145 : i32
        %parallel_loop3A_147 = arith.extui %parallel_loop3A_146 : i1 to i32
        %parallel_loop3A_148 = arith.constant 0 : i32
        %parallel_loop3A_149 = arith.cmpi slt, %parallel_loop3A_136, %parallel_loop3A_148 : i32
        %parallel_loop3A_150 = arith.extui %parallel_loop3A_149 : i1 to i32
        %parallel_loop3A_151 = arith.subi %parallel_loop3A_147, %parallel_loop3A_150 : i32
        %parallel_loop3A_152 = arith.cmpi ne, %parallel_loop3A_144, %parallel_loop3A_151 : i32
        %parallel_loop3A_153 = arith.remsi %parallel_loop3A_135, %parallel_loop3A_136 : i32
        %parallel_loop3A_154 = arith.constant 0 : i32
        %parallel_loop3A_155 = arith.cmpi ne, %parallel_loop3A_153, %parallel_loop3A_154 : i32
        %parallel_loop3A_156 = arith.andi %parallel_loop3A_152, %parallel_loop3A_155 : i1
        %parallel_loop3A_157 = arith.constant 1 : i32
        %parallel_loop3A_158 = arith.subi %parallel_loop3A_137, %parallel_loop3A_157 : i32
        %parallel_loop3A_159 = arith.select %parallel_loop3A_156, %parallel_loop3A_158, %parallel_loop3A_137 : i32
        %parallel_loop3A_160 = arith.constant 8 : i32
        %parallel_loop3A_161 = arith.constant 0 : i32
        %parallel_loop3A_162 = arith.cmpi eq, %parallel_loop3A_160, %parallel_loop3A_161 : i32
        %parallel_loop3A_163 = arith.constant 1 : i32
        %parallel_loop3A_164 = arith.select %parallel_loop3A_162, %parallel_loop3A_163, %parallel_loop3A_160 : i32
        %parallel_loop3A_165 = arith.remsi %parallel_loop3A_135, %parallel_loop3A_164 : i32
        %parallel_loop3A_166 = arith.constant 0 : i32
        %parallel_loop3A_167 = arith.cmpi ne, %parallel_loop3A_165, %parallel_loop3A_166 : i32
        %parallel_loop3A_168 = arith.constant 0 : i32
        %parallel_loop3A_169 = arith.cmpi slt, %parallel_loop3A_165, %parallel_loop3A_168 : i32
        %parallel_loop3A_170 = arith.constant 0 : i32
        %parallel_loop3A_171 = arith.cmpi slt, %parallel_loop3A_164, %parallel_loop3A_170 : i32
        %parallel_loop3A_172 = arith.xori %parallel_loop3A_169, %parallel_loop3A_171 : i1
        %parallel_loop3A_173 = arith.andi %parallel_loop3A_172, %parallel_loop3A_167 : i1
        %parallel_loop3A_174 = arith.addi %parallel_loop3A_165, %parallel_loop3A_164 : i32
        %parallel_loop3A_175 = arith.select %parallel_loop3A_173, %parallel_loop3A_174, %parallel_loop3A_165 : i32
        %parallel_loop3A_176 = arith.constant 16 : i32
        %parallel_loop3A_177 = arith.muli %parallel_loop3A_175, %parallel_loop3A_176 : i32
        %parallel_loop3A_178 = arith.index_cast %parallel_loop3A_159 : i32 to index
        %parallel_loop3A_179 = arith.index_cast %parallel_loop3A_177 : i32 to index
        %parallel_loop3A_180 = tpu.vector_load %arg11[%parallel_loop3A_178, %parallel_loop3A_179] {strides = array<i32>} : memref<8x128xi32, #tpu.memory_space<vmem>>, vector<16xi32>,
        %parallel_loop3A_181 = arith.constant 16 : i32
        %parallel_loop3A_182 = arith.muli %parallel_loop3A_175, %parallel_loop3A_181 : i32
        %parallel_loop3A_183 = arith.index_cast %parallel_loop3A_159 : i32 to index
        %parallel_loop3A_184 = arith.index_cast %parallel_loop3A_182 : i32 to index
        %parallel_loop3A_185 = tpu.vector_load %arg10[%parallel_loop3A_183, %parallel_loop3A_184] {strides = array<i32>} : memref<8x128xf32, #tpu.memory_space<vmem>>, vector<16xf32>,
        tpu.vector_store_idx %arg7[%parallel_loop3A_180], %parallel_loop3A_185 {add = true} : memref<100096xf32, #tpu.memory_space<vmem>>[vector<16xi32>], vector<16xf32>,
      } {sc.loop_unroll_factor = 8 : i64, sc.parallel_access}
      %scan3A_134 = arith.constant 0 : i32
      scf.yield %scan3A_134 : i32
    }
    %scan3A_23 = arith.constant 781 : i32
    %gt3A = arith.constant 1562 : i32
    %gt3A_24 = arith.cmpi sgt, %select_n3A, %gt3A : i32
    %convert_element_type3A = arith.extui %gt3A_24 : i1 to i32
    %cond3A = arith.constant 0 : i32
    %cond3A_25 = arith.cmpi ne, %convert_element_type3A, %cond3A : i32
    scf.if %cond3A_25 {
      %add3A_86 = arith.constant 12496 : i32
      %add3A_87 = arith.addi %mul3A_4, %add3A_86 : i32
      "tpu.region"() ({
        %run_scoped3A = tpu.sem_alloc : memref<!tpu.dma_semaphore, #tpu.memory_space<semaphore_mem>>
        %dma_start3A_91 = arith.constant 0 : i32
        %dma_start3A_92 = tpu.memref_slice %arg2[%arg1, %add3A_87, %dma_start3A_91] : memref<16x25000x128xf32, #tpu.memory_space<hbm>> -> memref<1x8x128xf32, #tpu.memory_space<hbm>>
        %dma_start3A_93 = tpu.memref_squeeze %dma_start3A_92 : memref<1x8x128xf32, #tpu.memory_space<hbm>> -> memref<8x128xf32, #tpu.memory_space<hbm>>
        %dma_start3A_94 = arith.constant 0 : i32
        %dma_start3A_95 = tpu.memref_slice %arg2[%arg1, %add3A_87, %dma_start3A_94] : memref<16x25000x128xf32, #tpu.memory_space<hbm>> -> memref<1x8x128xf32, #tpu.memory_space<hbm>>
        %dma_start3A_96 = tpu.memref_squeeze %dma_start3A_95 : memref<1x8x128xf32, #tpu.memory_space<hbm>> -> memref<8x128xf32, #tpu.memory_space<hbm>>
        tpu.enqueue_dma source(%dma_start3A_96 : memref<8x128xf32, #tpu.memory_space<hbm>>) target(%arg8 : memref<8x128xf32, #tpu.memory_space<vmem>>) target_semaphore(%run_scoped3A : memref<!tpu.dma_semaphore, #tpu.memory_space<semaphore_mem>>)
        %dma_wait3A = arith.constant 0 : i32
        %dma_wait3A_97 = tpu.memref_slice %arg2[%arg1, %add3A_87, %dma_wait3A] : memref<16x25000x128xf32, #tpu.memory_space<hbm>> -> memref<1x8x128xf32, #tpu.memory_space<hbm>>
        %dma_wait3A_98 = tpu.memref_squeeze %dma_wait3A_97 : memref<1x8x128xf32, #tpu.memory_space<hbm>> -> memref<8x128xf32, #tpu.memory_space<hbm>>
        %dma_wait3A_99 = arith.constant 0 : i32
        %dma_wait3A_100 = tpu.memref_slice %arg2[%arg1, %add3A_87, %dma_wait3A_99] : memref<16x25000x128xf32, #tpu.memory_space<hbm>> -> memref<1x8x128xf32, #tpu.memory_space<hbm>>
        %dma_wait3A_101 = tpu.memref_squeeze %dma_wait3A_100 : memref<1x8x128xf32, #tpu.memory_space<hbm>> -> memref<8x128xf32, #tpu.memory_space<hbm>>
        tpu.wait_dma2 semaphore(%run_scoped3A : memref<!tpu.dma_semaphore, #tpu.memory_space<semaphore_mem>>) src(%dma_wait3A_101 : memref<8x128xf32, #tpu.memory_space<hbm>>) dst(%arg8 : memref<8x128xf32, #tpu.memory_space<vmem>>)
        tpu.yield
      }) : () -> ()
      "tpu.region"() ({
        %run_scoped3A = tpu.sem_alloc : memref<!tpu.dma_semaphore, #tpu.memory_space<semaphore_mem>>
        %dma_start3A_91 = arith.constant 0 : i32
        %dma_start3A_92 = tpu.memref_slice %arg3[%add3A_87, %dma_start3A_91] : memref<25000x128xi32, #tpu.memory_space<hbm>> -> memref<8x128xi32, #tpu.memory_space<hbm>>
        %dma_start3A_93 = arith.constant 0 : i32
        %dma_start3A_94 = tpu.memref_slice %arg3[%add3A_87, %dma_start3A_93] : memref<25000x128xi32, #tpu.memory_space<hbm>> -> memref<8x128xi32, #tpu.memory_space<hbm>>
        tpu.enqueue_dma source(%dma_start3A_94 : memref<8x128xi32, #tpu.memory_space<hbm>>) target(%arg9 : memref<8x128xi32, #tpu.memory_space<vmem>>) target_semaphore(%run_scoped3A : memref<!tpu.dma_semaphore, #tpu.memory_space<semaphore_mem>>)
        %dma_wait3A = arith.constant 0 : i32
        %dma_wait3A_95 = tpu.memref_slice %arg3[%add3A_87, %dma_wait3A] : memref<25000x128xi32, #tpu.memory_space<hbm>> -> memref<8x128xi32, #tpu.memory_space<hbm>>
        %dma_wait3A_96 = arith.constant 0 : i32
        %dma_wait3A_97 = tpu.memref_slice %arg3[%add3A_87, %dma_wait3A_96] : memref<25000x128xi32, #tpu.memory_space<hbm>> -> memref<8x128xi32, #tpu.memory_space<hbm>>
        tpu.wait_dma2 semaphore(%run_scoped3A : memref<!tpu.dma_semaphore, #tpu.memory_space<semaphore_mem>>) src(%dma_wait3A_97 : memref<8x128xi32, #tpu.memory_space<hbm>>) dst(%arg9 : memref<8x128xi32, #tpu.memory_space<vmem>>)
        tpu.yield
      }) : () -> ()
      %parallel_loop3A_88 = arith.constant 0 : i32
      %parallel_loop3A_89 = arith.constant 64 : i32
      %parallel_loop3A_90 = arith.constant 1 : i32
      scf.for %parallel_loop3A_91 = %parallel_loop3A_88 to %parallel_loop3A_89 step %parallel_loop3A_90  : i32 {
        %parallel_loop3A_92 = arith.constant 8 : i32
        %parallel_loop3A_93 = arith.divsi %parallel_loop3A_91, %parallel_loop3A_92 : i32
        %parallel_loop3A_94 = arith.constant 0 : i32
        %parallel_loop3A_95 = arith.cmpi sgt, %parallel_loop3A_91, %parallel_loop3A_94 : i32
        %parallel_loop3A_96 = arith.extui %parallel_loop3A_95 : i1 to i32
        %parallel_loop3A_97 = arith.constant 0 : i32
        %parallel_loop3A_98 = arith.cmpi slt, %parallel_loop3A_91, %parallel_loop3A_97 : i32
        %parallel_loop3A_99 = arith.extui %parallel_loop3A_98 : i1 to i32
        %parallel_loop3A_100 = arith.subi %parallel_loop3A_96, %parallel_loop3A_99 : i32
        %parallel_loop3A_101 = arith.constant 0 : i32
        %parallel_loop3A_102 = arith.cmpi sgt, %parallel_loop3A_92, %parallel_loop3A_101 : i32
        %parallel_loop3A_103 = arith.extui %parallel_loop3A_102 : i1 to i32
        %parallel_loop3A_104 = arith.constant 0 : i32
        %parallel_loop3A_105 = arith.cmpi slt, %parallel_loop3A_92, %parallel_loop3A_104 : i32
        %parallel_loop3A_106 = arith.extui %parallel_loop3A_105 : i1 to i32
        %parallel_loop3A_107 = arith.subi %parallel_loop3A_103, %parallel_loop3A_106 : i32
        %parallel_loop3A_108 = arith.cmpi ne, %parallel_loop3A_100, %parallel_loop3A_107 : i32
        %parallel_loop3A_109 = arith.remsi %parallel_loop3A_91, %parallel_loop3A_92 : i32
        %parallel_loop3A_110 = arith.constant 0 : i32
        %parallel_loop3A_111 = arith.cmpi ne, %parallel_loop3A_109, %parallel_loop3A_110 : i32
        %parallel_loop3A_112 = arith.andi %parallel_loop3A_108, %parallel_loop3A_111 : i1
        %parallel_loop3A_113 = arith.constant 1 : i32
        %parallel_loop3A_114 = arith.subi %parallel_loop3A_93, %parallel_loop3A_113 : i32
        %parallel_loop3A_115 = arith.select %parallel_loop3A_112, %parallel_loop3A_114, %parallel_loop3A_93 : i32
        %parallel_loop3A_116 = arith.constant 8 : i32
        %parallel_loop3A_117 = arith.constant 0 : i32
        %parallel_loop3A_118 = arith.cmpi eq, %parallel_loop3A_116, %parallel_loop3A_117 : i32
        %parallel_loop3A_119 = arith.constant 1 : i32
        %parallel_loop3A_120 = arith.select %parallel_loop3A_118, %parallel_loop3A_119, %parallel_loop3A_116 : i32
        %parallel_loop3A_121 = arith.remsi %parallel_loop3A_91, %parallel_loop3A_120 : i32
        %parallel_loop3A_122 = arith.constant 0 : i32
        %parallel_loop3A_123 = arith.cmpi ne, %parallel_loop3A_121, %parallel_loop3A_122 : i32
        %parallel_loop3A_124 = arith.constant 0 : i32
        %parallel_loop3A_125 = arith.cmpi slt, %parallel_loop3A_121, %parallel_loop3A_124 : i32
        %parallel_loop3A_126 = arith.constant 0 : i32
        %parallel_loop3A_127 = arith.cmpi slt, %parallel_loop3A_120, %parallel_loop3A_126 : i32
        %parallel_loop3A_128 = arith.xori %parallel_loop3A_125, %parallel_loop3A_127 : i1
        %parallel_loop3A_129 = arith.andi %parallel_loop3A_128, %parallel_loop3A_123 : i1
        %parallel_loop3A_130 = arith.addi %parallel_loop3A_121, %parallel_loop3A_120 : i32
        %parallel_loop3A_131 = arith.select %parallel_loop3A_129, %parallel_loop3A_130, %parallel_loop3A_121 : i32
        %parallel_loop3A_132 = arith.constant 16 : i32
        %parallel_loop3A_133 = arith.muli %parallel_loop3A_131, %parallel_loop3A_132 : i32
        %parallel_loop3A_134 = arith.index_cast %parallel_loop3A_115 : i32 to index
        %parallel_loop3A_135 = arith.index_cast %parallel_loop3A_133 : i32 to index
        %parallel_loop3A_136 = tpu.vector_load %arg9[%parallel_loop3A_134, %parallel_loop3A_135] {strides = array<i32>} : memref<8x128xi32, #tpu.memory_space<vmem>>, vector<16xi32>,
        %parallel_loop3A_137 = arith.constant 16 : i32
        %parallel_loop3A_138 = arith.muli %parallel_loop3A_131, %parallel_loop3A_137 : i32
        %parallel_loop3A_139 = arith.index_cast %parallel_loop3A_115 : i32 to index
        %parallel_loop3A_140 = arith.index_cast %parallel_loop3A_138 : i32 to index
        %parallel_loop3A_141 = tpu.vector_load %arg8[%parallel_loop3A_139, %parallel_loop3A_140] {strides = array<i32>} : memref<8x128xf32, #tpu.memory_space<vmem>>, vector<16xf32>,
        tpu.vector_store_idx %arg7[%parallel_loop3A_136], %parallel_loop3A_141 {add = true} : memref<100096xf32, #tpu.memory_space<vmem>>[vector<16xi32>], vector<16xf32>,
      } {sc.loop_unroll_factor = 8 : i64, sc.parallel_access}
    } else {
    }
    "tpu.region"() ({
      %run_scoped3A = tpu.sem_alloc : memref<!tpu.dma_semaphore, #tpu.memory_space<semaphore_mem>>
      %dma_start3A_86 = tpu.memref_slice %arg4[%mul3A_2] : memref<3203072xf32, #tpu.memory_space<hbm>> -> memref<100096xf32, #tpu.memory_space<hbm>>
      %dma_start3A_87 = tpu.memref_slice %arg4[%mul3A_2] : memref<3203072xf32, #tpu.memory_space<hbm>> -> memref<100096xf32, #tpu.memory_space<hbm>>
      tpu.enqueue_dma source(%arg7 : memref<100096xf32, #tpu.memory_space<vmem>>) target(%dma_start3A_87 : memref<100096xf32, #tpu.memory_space<hbm>>) target_semaphore(%run_scoped3A : memref<!tpu.dma_semaphore, #tpu.memory_space<semaphore_mem>>)
      %dma_wait3A = tpu.memref_slice %arg4[%mul3A_2] : memref<3203072xf32, #tpu.memory_space<hbm>> -> memref<100096xf32, #tpu.memory_space<hbm>>
      %dma_wait3A_88 = tpu.memref_slice %arg4[%mul3A_2] : memref<3203072xf32, #tpu.memory_space<hbm>> -> memref<100096xf32, #tpu.memory_space<hbm>>
      tpu.wait_dma2 semaphore(%run_scoped3A : memref<!tpu.dma_semaphore, #tpu.memory_space<semaphore_mem>>) src(%arg7 : memref<100096xf32, #tpu.memory_space<vmem>>) dst(%dma_wait3A_88 : memref<100096xf32, #tpu.memory_space<hbm>>)
      tpu.yield
    }) : () -> ()
    %parallel_loop3A_26 = arith.constant 0 : i32
    %parallel_loop3A_27 = arith.constant 6256 : i32
    %parallel_loop3A_28 = arith.constant 1 : i32
    scf.for %parallel_loop3A_86 = %parallel_loop3A_26 to %parallel_loop3A_27 step %parallel_loop3A_28  : i32 {
      %parallel_loop3A_87 = arith.constant -3.000000e+38 : f32
      %parallel_loop3A_88 = vector.broadcast %parallel_loop3A_87 : f32 to vector<16xf32>
      %parallel_loop3A_89 = arith.constant 16 : i32
      %parallel_loop3A_90 = arith.muli %parallel_loop3A_86, %parallel_loop3A_89 : i32
      %parallel_loop3A_91 = arith.index_cast %parallel_loop3A_90 : i32 to index
      %parallel_loop3A_92 = tpu.vector_load %arg7[%parallel_loop3A_91] {strides = array<i32>} : memref<100096xf32, #tpu.memory_space<vmem>>, vector<16xf32>,
      tpu.vector_store %arg7[%parallel_loop3A_91], %parallel_loop3A_88 {strides = array<i32>} : memref<100096xf32, #tpu.memory_space<vmem>>, vector<16xf32>,
    } {sc.loop_unroll_factor = 8 : i64, sc.parallel_access}
    %eq3A_29 = arith.constant 0 : i32
    %eq3A_30 = arith.cmpi eq, %arg0, %eq3A_29 : i32
    %jit3A_31 = arith.constant 1563 : i32
    %jit3A_32 = arith.constant 1562 : i32
    %select_n3A_33 = arith.select %eq3A_30, %jit3A_31, %jit3A_32 : i32
    %dma_start3A_34 = arith.constant 0 : i32
    %dma_start3A_35 = tpu.memref_slice %arg2[%arg1, %mul3A_4, %dma_start3A_34] : memref<16x25000x128xf32, #tpu.memory_space<hbm>> -> memref<1x8x128xf32, #tpu.memory_space<hbm>>
    %dma_start3A_36 = tpu.memref_squeeze %dma_start3A_35 : memref<1x8x128xf32, #tpu.memory_space<hbm>> -> memref<8x128xf32, #tpu.memory_space<hbm>>
    %dma_start3A_37 = arith.constant 0 : i32
    %dma_start3A_38 = tpu.memref_slice %arg2[%arg1, %mul3A_4, %dma_start3A_37] : memref<16x25000x128xf32, #tpu.memory_space<hbm>> -> memref<1x8x128xf32, #tpu.memory_space<hbm>>
    %dma_start3A_39 = tpu.memref_squeeze %dma_start3A_38 : memref<1x8x128xf32, #tpu.memory_space<hbm>> -> memref<8x128xf32, #tpu.memory_space<hbm>>
    tpu.enqueue_dma source(%dma_start3A_39 : memref<8x128xf32, #tpu.memory_space<hbm>>) target(%arg8 : memref<8x128xf32, #tpu.memory_space<vmem>>) target_semaphore(%arg12 : memref<!tpu.dma_semaphore, #tpu.memory_space<semaphore_mem>>)
    %dma_start3A_40 = arith.constant 0 : i32
    %dma_start3A_41 = tpu.memref_slice %arg3[%mul3A_4, %dma_start3A_40] : memref<25000x128xi32, #tpu.memory_space<hbm>> -> memref<8x128xi32, #tpu.memory_space<hbm>>
    %dma_start3A_42 = arith.constant 0 : i32
    %dma_start3A_43 = tpu.memref_slice %arg3[%mul3A_4, %dma_start3A_42] : memref<25000x128xi32, #tpu.memory_space<hbm>> -> memref<8x128xi32, #tpu.memory_space<hbm>>
    tpu.enqueue_dma source(%dma_start3A_43 : memref<8x128xi32, #tpu.memory_space<hbm>>) target(%arg9 : memref<8x128xi32, #tpu.memory_space<vmem>>) target_semaphore(%arg12 : memref<!tpu.dma_semaphore, #tpu.memory_space<semaphore_mem>>)
    %scan3A_44 = arith.constant 0 : i32
    %scan3A_45 = arith.constant 0 : i32
    %scan3A_46 = arith.constant 781 : i32
    %scan3A_47 = arith.addi %scan3A_45, %scan3A_46 : i32
    %scan3A_48 = arith.constant 1 : i32
    %scan3A_49 = scf.for %scan3A_86 = %scan3A_45 to %scan3A_47 step %scan3A_48 iter_args(%scan3A_87 = %scan3A_44) -> (i32)  : i32 {
      %mul3A_88 = arith.constant 2 : i32
      %mul3A_89 = arith.muli %mul3A_88, %scan3A_86 : i32
      %add3A_90 = arith.constant 1 : i32
      %add3A_91 = arith.addi %mul3A_89, %add3A_90 : i32
      %mul3A_92 = arith.constant 8 : i32
      %mul3A_93 = arith.muli %add3A_91, %mul3A_92 : i32
      %add3A_94 = arith.addi %mul3A_4, %mul3A_93 : i32
      %dma_start3A_95 = arith.constant 0 : i32
      %dma_start3A_96 = tpu.memref_slice %arg2[%arg1, %add3A_94, %dma_start3A_95] : memref<16x25000x128xf32, #tpu.memory_space<hbm>> -> memref<1x8x128xf32, #tpu.memory_space<hbm>>
      %dma_start3A_97 = tpu.memref_squeeze %dma_start3A_96 : memref<1x8x128xf32, #tpu.memory_space<hbm>> -> memref<8x128xf32, #tpu.memory_space<hbm>>
      %dma_start3A_98 = arith.constant 0 : i32
      %dma_start3A_99 = tpu.memref_slice %arg2[%arg1, %add3A_94, %dma_start3A_98] : memref<16x25000x128xf32, #tpu.memory_space<hbm>> -> memref<1x8x128xf32, #tpu.memory_space<hbm>>
      %dma_start3A_100 = tpu.memref_squeeze %dma_start3A_99 : memref<1x8x128xf32, #tpu.memory_space<hbm>> -> memref<8x128xf32, #tpu.memory_space<hbm>>
      tpu.enqueue_dma source(%dma_start3A_100 : memref<8x128xf32, #tpu.memory_space<hbm>>) target(%arg10 : memref<8x128xf32, #tpu.memory_space<vmem>>) target_semaphore(%arg13 : memref<!tpu.dma_semaphore, #tpu.memory_space<semaphore_mem>>)
      %dma_start3A_101 = arith.constant 0 : i32
      %dma_start3A_102 = tpu.memref_slice %arg3[%add3A_94, %dma_start3A_101] : memref<25000x128xi32, #tpu.memory_space<hbm>> -> memref<8x128xi32, #tpu.memory_space<hbm>>
      %dma_start3A_103 = arith.constant 0 : i32
      %dma_start3A_104 = tpu.memref_slice %arg3[%add3A_94, %dma_start3A_103] : memref<25000x128xi32, #tpu.memory_space<hbm>> -> memref<8x128xi32, #tpu.memory_space<hbm>>
      tpu.enqueue_dma source(%dma_start3A_104 : memref<8x128xi32, #tpu.memory_space<hbm>>) target(%arg11 : memref<8x128xi32, #tpu.memory_space<vmem>>) target_semaphore(%arg13 : memref<!tpu.dma_semaphore, #tpu.memory_space<semaphore_mem>>)
      %dma_wait3A = arith.constant 0 : i32
      %dma_wait3A_105 = tpu.memref_slice %arg2[%arg1, %mul3A_4, %dma_wait3A] : memref<16x25000x128xf32, #tpu.memory_space<hbm>> -> memref<1x8x128xf32, #tpu.memory_space<hbm>>
      %dma_wait3A_106 = tpu.memref_squeeze %dma_wait3A_105 : memref<1x8x128xf32, #tpu.memory_space<hbm>> -> memref<8x128xf32, #tpu.memory_space<hbm>>
      %dma_wait3A_107 = arith.constant 0 : i32
      %dma_wait3A_108 = tpu.memref_slice %arg2[%arg1, %mul3A_4, %dma_wait3A_107] : memref<16x25000x128xf32, #tpu.memory_space<hbm>> -> memref<1x8x128xf32, #tpu.memory_space<hbm>>
      %dma_wait3A_109 = tpu.memref_squeeze %dma_wait3A_108 : memref<1x8x128xf32, #tpu.memory_space<hbm>> -> memref<8x128xf32, #tpu.memory_space<hbm>>
      tpu.wait_dma2 semaphore(%arg12 : memref<!tpu.dma_semaphore, #tpu.memory_space<semaphore_mem>>) src(%dma_wait3A_109 : memref<8x128xf32, #tpu.memory_space<hbm>>) dst(%arg8 : memref<8x128xf32, #tpu.memory_space<vmem>>)
      %dma_wait3A_110 = arith.constant 0 : i32
      %dma_wait3A_111 = tpu.memref_slice %arg3[%mul3A_4, %dma_wait3A_110] : memref<25000x128xi32, #tpu.memory_space<hbm>> -> memref<8x128xi32, #tpu.memory_space<hbm>>
      %dma_wait3A_112 = arith.constant 0 : i32
      %dma_wait3A_113 = tpu.memref_slice %arg3[%mul3A_4, %dma_wait3A_112] : memref<25000x128xi32, #tpu.memory_space<hbm>> -> memref<8x128xi32, #tpu.memory_space<hbm>>
      tpu.wait_dma2 semaphore(%arg12 : memref<!tpu.dma_semaphore, #tpu.memory_space<semaphore_mem>>) src(%dma_wait3A_113 : memref<8x128xi32, #tpu.memory_space<hbm>>) dst(%arg9 : memref<8x128xi32, #tpu.memory_space<vmem>>)
      %scan3A_114 = arith.constant 0 : i32
      %scan3A_115 = arith.constant 0 : i32
      %scan3A_116 = arith.constant 8 : i32
      %scan3A_117 = arith.addi %scan3A_115, %scan3A_116 : i32
      %scan3A_118 = arith.constant 1 : i32
      %scan3A_119 = scf.for %scan3A_143 = %scan3A_115 to %scan3A_117 step %scan3A_118 iter_args(%scan3A_144 = %scan3A_114) -> (i32)  : i32 {
        %jit3A_145 = arith.constant 2 : i32
        %div3A = arith.divsi %scan3A_143, %jit3A_145 : i32
        %sign3A = arith.constant 0 : i32
        %sign3A_146 = arith.cmpi sgt, %scan3A_143, %sign3A : i32
        %sign3A_147 = arith.extui %sign3A_146 : i1 to i32
        %sign3A_148 = arith.constant 0 : i32
        %sign3A_149 = arith.cmpi slt, %scan3A_143, %sign3A_148 : i32
        %sign3A_150 = arith.extui %sign3A_149 : i1 to i32
        %sign3A_151 = arith.subi %sign3A_147, %sign3A_150 : i32
        %sign3A_152 = arith.constant 0 : i32
        %sign3A_153 = arith.cmpi sgt, %jit3A_145, %sign3A_152 : i32
        %sign3A_154 = arith.extui %sign3A_153 : i1 to i32
        %sign3A_155 = arith.constant 0 : i32
        %sign3A_156 = arith.cmpi slt, %jit3A_145, %sign3A_155 : i32
        %sign3A_157 = arith.extui %sign3A_156 : i1 to i32
        %sign3A_158 = arith.subi %sign3A_154, %sign3A_157 : i32
        %ne3A = arith.cmpi ne, %sign3A_151, %sign3A_158 : i32
        %rem3A = arith.remsi %scan3A_143, %jit3A_145 : i32
        %ne3A_159 = arith.constant 0 : i32
        %ne3A_160 = arith.cmpi ne, %rem3A, %ne3A_159 : i32
        %and3A = arith.andi %ne3A, %ne3A_160 : i1
        %sub3A = arith.constant 1 : i32
        %sub3A_161 = arith.subi %div3A, %sub3A : i32
        %select_n3A_162 = arith.select %and3A, %sub3A_161, %div3A : i32
        %jit3A_163 = arith.constant 2 : i32
        %eq3A_164 = arith.constant 0 : i32
        %eq3A_165 = arith.cmpi eq, %jit3A_163, %eq3A_164 : i32
        %jit3A_166 = arith.constant 1 : i32
        %select_n3A_167 = arith.select %eq3A_165, %jit3A_166, %jit3A_163 : i32
        %rem3A_168 = arith.remsi %scan3A_143, %select_n3A_167 : i32
        %ne3A_169 = arith.constant 0 : i32
        %ne3A_170 = arith.cmpi ne, %rem3A_168, %ne3A_169 : i32
        %lt3A_171 = arith.constant 0 : i32
        %lt3A_172 = arith.cmpi slt, %rem3A_168, %lt3A_171 : i32
        %lt3A_173 = arith.constant 0 : i32
        %lt3A_174 = arith.cmpi slt, %select_n3A_167, %lt3A_173 : i32
        %ne3A_175 = arith.xori %lt3A_172, %lt3A_174 : i1
        %and3A_176 = arith.andi %ne3A_175, %ne3A_170 : i1
        %add3A_177 = arith.addi %rem3A_168, %select_n3A_167 : i32
        %select_n3A_178 = arith.select %and3A_176, %add3A_177, %rem3A_168 : i32
        %mul3A_179 = arith.constant 8 : i32
        %mul3A_180 = arith.muli %select_n3A_178, %mul3A_179 : i32
        %add3A_181 = arith.constant 0 : i32
        %add3A_182 = arith.addi %mul3A_180, %add3A_181 : i32
        %mul3A_183 = arith.constant 16 : i32
        %mul3A_184 = arith.muli %add3A_182, %mul3A_183 : i32
        %get3A = arith.index_cast %select_n3A_162 : i32 to index
        %get3A_185 = arith.index_cast %mul3A_184 : i32 to index
        %get3A_186 = tpu.vector_load %arg9[%get3A, %get3A_185] {strides = array<i32>} : memref<8x128xi32, #tpu.memory_space<vmem>>, vector<16xi32>,
        %add3A_187 = arith.constant 1 : i32
        %add3A_188 = arith.addi %mul3A_180, %add3A_187 : i32
        %mul3A_189 = arith.constant 16 : i32
        %mul3A_190 = arith.muli %add3A_188, %mul3A_189 : i32
        %get3A_191 = arith.index_cast %select_n3A_162 : i32 to index
        %get3A_192 = arith.index_cast %mul3A_190 : i32 to index
        %get3A_193 = tpu.vector_load %arg9[%get3A_191, %get3A_192] {strides = array<i32>} : memref<8x128xi32, #tpu.memory_space<vmem>>, vector<16xi32>,
        %add3A_194 = arith.constant 2 : i32
        %add3A_195 = arith.addi %mul3A_180, %add3A_194 : i32
        %mul3A_196 = arith.constant 16 : i32
        %mul3A_197 = arith.muli %add3A_195, %mul3A_196 : i32
        %get3A_198 = arith.index_cast %select_n3A_162 : i32 to index
        %get3A_199 = arith.index_cast %mul3A_197 : i32 to index
        %get3A_200 = tpu.vector_load %arg9[%get3A_198, %get3A_199] {strides = array<i32>} : memref<8x128xi32, #tpu.memory_space<vmem>>, vector<16xi32>,
        %add3A_201 = arith.constant 3 : i32
        %add3A_202 = arith.addi %mul3A_180, %add3A_201 : i32
        %mul3A_203 = arith.constant 16 : i32
        %mul3A_204 = arith.muli %add3A_202, %mul3A_203 : i32
        %get3A_205 = arith.index_cast %select_n3A_162 : i32 to index
        %get3A_206 = arith.index_cast %mul3A_204 : i32 to index
        %get3A_207 = tpu.vector_load %arg9[%get3A_205, %get3A_206] {strides = array<i32>} : memref<8x128xi32, #tpu.memory_space<vmem>>, vector<16xi32>,
        %add3A_208 = arith.constant 4 : i32
        %add3A_209 = arith.addi %mul3A_180, %add3A_208 : i32
        %mul3A_210 = arith.constant 16 : i32
        %mul3A_211 = arith.muli %add3A_209, %mul3A_210 : i32
        %get3A_212 = arith.index_cast %select_n3A_162 : i32 to index
        %get3A_213 = arith.index_cast %mul3A_211 : i32 to index
        %get3A_214 = tpu.vector_load %arg9[%get3A_212, %get3A_213] {strides = array<i32>} : memref<8x128xi32, #tpu.memory_space<vmem>>, vector<16xi32>,
        %add3A_215 = arith.constant 5 : i32
        %add3A_216 = arith.addi %mul3A_180, %add3A_215 : i32
        %mul3A_217 = arith.constant 16 : i32
        %mul3A_218 = arith.muli %add3A_216, %mul3A_217 : i32
        %get3A_219 = arith.index_cast %select_n3A_162 : i32 to index
        %get3A_220 = arith.index_cast %mul3A_218 : i32 to index
        %get3A_221 = tpu.vector_load %arg9[%get3A_219, %get3A_220] {strides = array<i32>} : memref<8x128xi32, #tpu.memory_space<vmem>>, vector<16xi32>,
        %add3A_222 = arith.constant 6 : i32
        %add3A_223 = arith.addi %mul3A_180, %add3A_222 : i32
        %mul3A_224 = arith.constant 16 : i32
        %mul3A_225 = arith.muli %add3A_223, %mul3A_224 : i32
        %get3A_226 = arith.index_cast %select_n3A_162 : i32 to index
        %get3A_227 = arith.index_cast %mul3A_225 : i32 to index
        %get3A_228 = tpu.vector_load %arg9[%get3A_226, %get3A_227] {strides = array<i32>} : memref<8x128xi32, #tpu.memory_space<vmem>>, vector<16xi32>,
        %add3A_229 = arith.constant 7 : i32
        %add3A_230 = arith.addi %mul3A_180, %add3A_229 : i32
        %mul3A_231 = arith.constant 16 : i32
        %mul3A_232 = arith.muli %add3A_230, %mul3A_231 : i32
        %get3A_233 = arith.index_cast %select_n3A_162 : i32 to index
        %get3A_234 = arith.index_cast %mul3A_232 : i32 to index
        %get3A_235 = tpu.vector_load %arg9[%get3A_233, %get3A_234] {strides = array<i32>} : memref<8x128xi32, #tpu.memory_space<vmem>>, vector<16xi32>,
        %add3A_236 = arith.constant 0 : i32
        %add3A_237 = arith.addi %mul3A_180, %add3A_236 : i32
        %mul3A_238 = arith.constant 16 : i32
        %mul3A_239 = arith.muli %add3A_237, %mul3A_238 : i32
        %get3A_240 = arith.index_cast %select_n3A_162 : i32 to index
        %get3A_241 = arith.index_cast %mul3A_239 : i32 to index
        %get3A_242 = tpu.vector_load %arg8[%get3A_240, %get3A_241] {strides = array<i32>} : memref<8x128xf32, #tpu.memory_space<vmem>>, vector<16xf32>,
        %add3A_243 = arith.constant 1 : i32
        %add3A_244 = arith.addi %mul3A_180, %add3A_243 : i32
        %mul3A_245 = arith.constant 16 : i32
        %mul3A_246 = arith.muli %add3A_244, %mul3A_245 : i32
        %get3A_247 = arith.index_cast %select_n3A_162 : i32 to index
        %get3A_248 = arith.index_cast %mul3A_246 : i32 to index
        %get3A_249 = tpu.vector_load %arg8[%get3A_247, %get3A_248] {strides = array<i32>} : memref<8x128xf32, #tpu.memory_space<vmem>>, vector<16xf32>,
        %add3A_250 = arith.constant 2 : i32
        %add3A_251 = arith.addi %mul3A_180, %add3A_250 : i32
        %mul3A_252 = arith.constant 16 : i32
        %mul3A_253 = arith.muli %add3A_251, %mul3A_252 : i32
        %get3A_254 = arith.index_cast %select_n3A_162 : i32 to index
        %get3A_255 = arith.index_cast %mul3A_253 : i32 to index
        %get3A_256 = tpu.vector_load %arg8[%get3A_254, %get3A_255] {strides = array<i32>} : memref<8x128xf32, #tpu.memory_space<vmem>>, vector<16xf32>,
        %add3A_257 = arith.constant 3 : i32
        %add3A_258 = arith.addi %mul3A_180, %add3A_257 : i32
        %mul3A_259 = arith.constant 16 : i32
        %mul3A_260 = arith.muli %add3A_258, %mul3A_259 : i32
        %get3A_261 = arith.index_cast %select_n3A_162 : i32 to index
        %get3A_262 = arith.index_cast %mul3A_260 : i32 to index
        %get3A_263 = tpu.vector_load %arg8[%get3A_261, %get3A_262] {strides = array<i32>} : memref<8x128xf32, #tpu.memory_space<vmem>>, vector<16xf32>,
        %add3A_264 = arith.constant 4 : i32
        %add3A_265 = arith.addi %mul3A_180, %add3A_264 : i32
        %mul3A_266 = arith.constant 16 : i32
        %mul3A_267 = arith.muli %add3A_265, %mul3A_266 : i32
        %get3A_268 = arith.index_cast %select_n3A_162 : i32 to index
        %get3A_269 = arith.index_cast %mul3A_267 : i32 to index
        %get3A_270 = tpu.vector_load %arg8[%get3A_268, %get3A_269] {strides = array<i32>} : memref<8x128xf32, #tpu.memory_space<vmem>>, vector<16xf32>,
        %add3A_271 = arith.constant 5 : i32
        %add3A_272 = arith.addi %mul3A_180, %add3A_271 : i32
        %mul3A_273 = arith.constant 16 : i32
        %mul3A_274 = arith.muli %add3A_272, %mul3A_273 : i32
        %get3A_275 = arith.index_cast %select_n3A_162 : i32 to index
        %get3A_276 = arith.index_cast %mul3A_274 : i32 to index
        %get3A_277 = tpu.vector_load %arg8[%get3A_275, %get3A_276] {strides = array<i32>} : memref<8x128xf32, #tpu.memory_space<vmem>>, vector<16xf32>,
        %add3A_278 = arith.constant 6 : i32
        %add3A_279 = arith.addi %mul3A_180, %add3A_278 : i32
        %mul3A_280 = arith.constant 16 : i32
        %mul3A_281 = arith.muli %add3A_279, %mul3A_280 : i32
        %get3A_282 = arith.index_cast %select_n3A_162 : i32 to index
        %get3A_283 = arith.index_cast %mul3A_281 : i32 to index
        %get3A_284 = tpu.vector_load %arg8[%get3A_282, %get3A_283] {strides = array<i32>} : memref<8x128xf32, #tpu.memory_space<vmem>>, vector<16xf32>,
        %add3A_285 = arith.constant 7 : i32
        %add3A_286 = arith.addi %mul3A_180, %add3A_285 : i32
        %mul3A_287 = arith.constant 16 : i32
        %mul3A_288 = arith.muli %add3A_286, %mul3A_287 : i32
        %get3A_289 = arith.index_cast %select_n3A_162 : i32 to index
        %get3A_290 = arith.index_cast %mul3A_288 : i32 to index
        %get3A_291 = tpu.vector_load %arg8[%get3A_289, %get3A_290] {strides = array<i32>} : memref<8x128xf32, #tpu.memory_space<vmem>>, vector<16xf32>,
        %gather3A = tpu.vector_load_idx %arg7[%get3A_186] : memref<100096xf32, #tpu.memory_space<vmem>>[vector<16xi32>], vector<16xf32>,
        %gather3A_292 = tpu.vector_load_idx %arg7[%get3A_193] : memref<100096xf32, #tpu.memory_space<vmem>>[vector<16xi32>], vector<16xf32>,
        %gather3A_293 = tpu.vector_load_idx %arg7[%get3A_200] : memref<100096xf32, #tpu.memory_space<vmem>>[vector<16xi32>], vector<16xf32>,
        %gather3A_294 = tpu.vector_load_idx %arg7[%get3A_207] : memref<100096xf32, #tpu.memory_space<vmem>>[vector<16xi32>], vector<16xf32>,
        %gather3A_295 = tpu.vector_load_idx %arg7[%get3A_214] : memref<100096xf32, #tpu.memory_space<vmem>>[vector<16xi32>], vector<16xf32>,
        %gather3A_296 = tpu.vector_load_idx %arg7[%get3A_221] : memref<100096xf32, #tpu.memory_space<vmem>>[vector<16xi32>], vector<16xf32>,
        %gather3A_297 = tpu.vector_load_idx %arg7[%get3A_228] : memref<100096xf32, #tpu.memory_space<vmem>>[vector<16xi32>], vector<16xf32>,
        %gather3A_298 = tpu.vector_load_idx %arg7[%get3A_235] : memref<100096xf32, #tpu.memory_space<vmem>>[vector<16xi32>], vector<16xf32>,
        %max3A = arith.maximumf %gather3A, %get3A_242 : vector<16xf32>
        tpu.vector_store_idx %arg7[%get3A_186], %max3A : memref<100096xf32, #tpu.memory_space<vmem>>[vector<16xi32>], vector<16xf32>,
        %max3A_299 = arith.maximumf %gather3A_292, %get3A_249 : vector<16xf32>
        tpu.vector_store_idx %arg7[%get3A_193], %max3A_299 : memref<100096xf32, #tpu.memory_space<vmem>>[vector<16xi32>], vector<16xf32>,
        %max3A_300 = arith.maximumf %gather3A_293, %get3A_256 : vector<16xf32>
        tpu.vector_store_idx %arg7[%get3A_200], %max3A_300 : memref<100096xf32, #tpu.memory_space<vmem>>[vector<16xi32>], vector<16xf32>,
        %max3A_301 = arith.maximumf %gather3A_294, %get3A_263 : vector<16xf32>
        tpu.vector_store_idx %arg7[%get3A_207], %max3A_301 : memref<100096xf32, #tpu.memory_space<vmem>>[vector<16xi32>], vector<16xf32>,
        %max3A_302 = arith.maximumf %gather3A_295, %get3A_270 : vector<16xf32>
        tpu.vector_store_idx %arg7[%get3A_214], %max3A_302 : memref<100096xf32, #tpu.memory_space<vmem>>[vector<16xi32>], vector<16xf32>,
        %max3A_303 = arith.maximumf %gather3A_296, %get3A_277 : vector<16xf32>
        tpu.vector_store_idx %arg7[%get3A_221], %max3A_303 : memref<100096xf32, #tpu.memory_space<vmem>>[vector<16xi32>], vector<16xf32>,
        %max3A_304 = arith.maximumf %gather3A_297, %get3A_284 : vector<16xf32>
        tpu.vector_store_idx %arg7[%get3A_228], %max3A_304 : memref<100096xf32, #tpu.memory_space<vmem>>[vector<16xi32>], vector<16xf32>,
        %max3A_305 = arith.maximumf %gather3A_298, %get3A_291 : vector<16xf32>
        tpu.vector_store_idx %arg7[%get3A_235], %max3A_305 : memref<100096xf32, #tpu.memory_space<vmem>>[vector<16xi32>], vector<16xf32>,
        %gather3A_306 = tpu.vector_load_idx %arg7[%get3A_186] : memref<100096xf32, #tpu.memory_space<vmem>>[vector<16xi32>], vector<16xf32>,
        %gather3A_307 = tpu.vector_load_idx %arg7[%get3A_193] : memref<100096xf32, #tpu.memory_space<vmem>>[vector<16xi32>], vector<16xf32>,
        %gather3A_308 = tpu.vector_load_idx %arg7[%get3A_200] : memref<100096xf32, #tpu.memory_space<vmem>>[vector<16xi32>], vector<16xf32>,
        %gather3A_309 = tpu.vector_load_idx %arg7[%get3A_207] : memref<100096xf32, #tpu.memory_space<vmem>>[vector<16xi32>], vector<16xf32>,
        %gather3A_310 = tpu.vector_load_idx %arg7[%get3A_214] : memref<100096xf32, #tpu.memory_space<vmem>>[vector<16xi32>], vector<16xf32>,
        %gather3A_311 = tpu.vector_load_idx %arg7[%get3A_221] : memref<100096xf32, #tpu.memory_space<vmem>>[vector<16xi32>], vector<16xf32>,
        %gather3A_312 = tpu.vector_load_idx %arg7[%get3A_228] : memref<100096xf32, #tpu.memory_space<vmem>>[vector<16xi32>], vector<16xf32>,
        %gather3A_313 = tpu.vector_load_idx %arg7[%get3A_235] : memref<100096xf32, #tpu.memory_space<vmem>>[vector<16xi32>], vector<16xf32>,
        %lt3A_314 = arith.cmpf olt, %gather3A_306, %get3A_242 : vector<16xf32>
        %convert_element_type3A_315 = arith.extui %lt3A_314 : vector<16xi1> to vector<16xi32>
        %lt3A_316 = arith.cmpf olt, %gather3A_307, %get3A_249 : vector<16xf32>
        %convert_element_type3A_317 = arith.extui %lt3A_316 : vector<16xi1> to vector<16xi32>
        %max3A_318 = arith.maxsi %convert_element_type3A_315, %convert_element_type3A_317 : vector<16xi32>
        %lt3A_319 = arith.cmpf olt, %gather3A_308, %get3A_256 : vector<16xf32>
        %convert_element_type3A_320 = arith.extui %lt3A_319 : vector<16xi1> to vector<16xi32>
        %max3A_321 = arith.maxsi %max3A_318, %convert_element_type3A_320 : vector<16xi32>
        %lt3A_322 = arith.cmpf olt, %gather3A_309, %get3A_263 : vector<16xf32>
        %convert_element_type3A_323 = arith.extui %lt3A_322 : vector<16xi1> to vector<16xi32>
        %max3A_324 = arith.maxsi %max3A_321, %convert_element_type3A_323 : vector<16xi32>
        %lt3A_325 = arith.cmpf olt, %gather3A_310, %get3A_270 : vector<16xf32>
        %convert_element_type3A_326 = arith.extui %lt3A_325 : vector<16xi1> to vector<16xi32>
        %max3A_327 = arith.maxsi %max3A_324, %convert_element_type3A_326 : vector<16xi32>
        %lt3A_328 = arith.cmpf olt, %gather3A_311, %get3A_277 : vector<16xf32>
        %convert_element_type3A_329 = arith.extui %lt3A_328 : vector<16xi1> to vector<16xi32>
        %max3A_330 = arith.maxsi %max3A_327, %convert_element_type3A_329 : vector<16xi32>
        %lt3A_331 = arith.cmpf olt, %gather3A_312, %get3A_284 : vector<16xf32>
        %convert_element_type3A_332 = arith.extui %lt3A_331 : vector<16xi1> to vector<16xi32>
        %max3A_333 = arith.maxsi %max3A_330, %convert_element_type3A_332 : vector<16xi32>
        %lt3A_334 = arith.cmpf olt, %gather3A_313, %get3A_291 : vector<16xf32>
        %convert_element_type3A_335 = arith.extui %lt3A_334 : vector<16xi1> to vector<16xi32>
        %max3A_336 = arith.maxsi %max3A_333, %convert_element_type3A_335 : vector<16xi32>
        %reduce_max3A = arith.constant true
        %reduce_max3A_337 = vector.broadcast %reduce_max3A : i1 to vector<16xi1>
        %reduce_max3A_338 = arith.constant -2147483648 : i32
        %reduce_max3A_339 = vector.broadcast %reduce_max3A_338 : i32 to vector<16xi32>
        %reduce_max3A_340 = arith.xori %max3A_336, %reduce_max3A_339 : vector<16xi32>
        %reduce_max3A_341 = tpu.scan <max>, %reduce_max3A_340 masked %reduce_max3A_337 : vector<16xi32>, vector<16xi1> -> vector<16xi32>
        %reduce_max3A_342 = arith.xori %reduce_max3A_341, %reduce_max3A_339 : vector<16xi32>
        %reduce_max3A_343 = vector.extract %reduce_max3A_342[15] : i32 from vector<16xi32>
        %gt3A_344 = arith.constant 0 : i32
        %gt3A_345 = arith.cmpi sgt, %reduce_max3A_343, %gt3A_344 : i32
        %convert_element_type3A_346 = arith.extui %gt3A_345 : i1 to i32
        %cond3A_347 = arith.constant 0 : i32
        %cond3A_348 = arith.cmpi ne, %convert_element_type3A_346, %cond3A_347 : i32
        scf.if %cond3A_348 {
          %gather3A_350 = tpu.vector_load_idx %arg7[%get3A_186] : memref<100096xf32, #tpu.memory_space<vmem>>[vector<16xi32>], vector<16xf32>,
          %lt3A_351 = arith.cmpf olt, %gather3A_350, %get3A_242 : vector<16xf32>
          %while3A_352 = scf.while (%while3A_374 = %lt3A_351) : (vector<16xi1>) -> vector<16xi1> {
            %convert_element_type3A_375 = arith.extui %while3A_374 : vector<16xi1> to vector<16xi32>
            %reduce_max3A_376 = arith.constant true
            %reduce_max3A_377 = vector.broadcast %reduce_max3A_376 : i1 to vector<16xi1>
            %reduce_max3A_378 = arith.constant -2147483648 : i32
            %reduce_max3A_379 = vector.broadcast %reduce_max3A_378 : i32 to vector<16xi32>
            %reduce_max3A_380 = arith.xori %convert_element_type3A_375, %reduce_max3A_379 : vector<16xi32>
            %reduce_max3A_381 = tpu.scan <max>, %reduce_max3A_380 masked %reduce_max3A_377 : vector<16xi32>, vector<16xi1> -> vector<16xi32>
            %reduce_max3A_382 = arith.xori %reduce_max3A_381, %reduce_max3A_379 : vector<16xi32>
            %reduce_max3A_383 = vector.extract %reduce_max3A_382[15] : i32 from vector<16xi32>
            %gt3A_384 = arith.constant 0 : i32
            %gt3A_385 = arith.cmpi sgt, %reduce_max3A_383, %gt3A_384 : i32
            scf.condition(%gt3A_385) %while3A_374 : vector<16xi1>
          } do {
          ^bb0(%while3A_374: vector<16xi1>):
            %gather3A_375 = tpu.vector_load_idx %arg7[%get3A_186] : memref<100096xf32, #tpu.memory_space<vmem>>[vector<16xi32>], vector<16xf32>,
            %max3A_376 = arith.maximumf %gather3A_375, %get3A_242 : vector<16xf32>
            tpu.vector_store_idx %arg7[%get3A_186], %max3A_376 masked %while3A_374 : memref<100096xf32, #tpu.memory_space<vmem>>[vector<16xi32>], vector<16xf32>, vector<16xi1>
            %gather3A_377 = tpu.vector_load_idx %arg7[%get3A_186] : memref<100096xf32, #tpu.memory_space<vmem>>[vector<16xi32>], vector<16xf32>,
            %lt3A_378 = arith.cmpf olt, %gather3A_377, %get3A_242 : vector<16xf32>
            scf.yield %lt3A_378 : vector<16xi1>
          }
          %gather3A_353 = tpu.vector_load_idx %arg7[%get3A_193] : memref<100096xf32, #tpu.memory_space<vmem>>[vector<16xi32>], vector<16xf32>,
          %lt3A_354 = arith.cmpf olt, %gather3A_353, %get3A_249 : vector<16xf32>
          %while3A_355 = scf.while (%while3A_374 = %lt3A_354) : (vector<16xi1>) -> vector<16xi1> {
            %convert_element_type3A_375 = arith.extui %while3A_374 : vector<16xi1> to vector<16xi32>
            %reduce_max3A_376 = arith.constant true
            %reduce_max3A_377 = vector.broadcast %reduce_max3A_376 : i1 to vector<16xi1>
            %reduce_max3A_378 = arith.constant -2147483648 : i32
            %reduce_max3A_379 = vector.broadcast %reduce_max3A_378 : i32 to vector<16xi32>
            %reduce_max3A_380 = arith.xori %convert_element_type3A_375, %reduce_max3A_379 : vector<16xi32>
            %reduce_max3A_381 = tpu.scan <max>, %reduce_max3A_380 masked %reduce_max3A_377 : vector<16xi32>, vector<16xi1> -> vector<16xi32>
            %reduce_max3A_382 = arith.xori %reduce_max3A_381, %reduce_max3A_379 : vector<16xi32>
            %reduce_max3A_383 = vector.extract %reduce_max3A_382[15] : i32 from vector<16xi32>
            %gt3A_384 = arith.constant 0 : i32
            %gt3A_385 = arith.cmpi sgt, %reduce_max3A_383, %gt3A_384 : i32
            scf.condition(%gt3A_385) %while3A_374 : vector<16xi1>
          } do {
          ^bb0(%while3A_374: vector<16xi1>):
            %gather3A_375 = tpu.vector_load_idx %arg7[%get3A_193] : memref<100096xf32, #tpu.memory_space<vmem>>[vector<16xi32>], vector<16xf32>,
            %max3A_376 = arith.maximumf %gather3A_375, %get3A_249 : vector<16xf32>
            tpu.vector_store_idx %arg7[%get3A_193], %max3A_376 masked %while3A_374 : memref<100096xf32, #tpu.memory_space<vmem>>[vector<16xi32>], vector<16xf32>, vector<16xi1>
            %gather3A_377 = tpu.vector_load_idx %arg7[%get3A_193] : memref<100096xf32, #tpu.memory_space<vmem>>[vector<16xi32>], vector<16xf32>,
            %lt3A_378 = arith.cmpf olt, %gather3A_377, %get3A_249 : vector<16xf32>
            scf.yield %lt3A_378 : vector<16xi1>
          }
          %gather3A_356 = tpu.vector_load_idx %arg7[%get3A_200] : memref<100096xf32, #tpu.memory_space<vmem>>[vector<16xi32>], vector<16xf32>,
          %lt3A_357 = arith.cmpf olt, %gather3A_356, %get3A_256 : vector<16xf32>
          %while3A_358 = scf.while (%while3A_374 = %lt3A_357) : (vector<16xi1>) -> vector<16xi1> {
            %convert_element_type3A_375 = arith.extui %while3A_374 : vector<16xi1> to vector<16xi32>
            %reduce_max3A_376 = arith.constant true
            %reduce_max3A_377 = vector.broadcast %reduce_max3A_376 : i1 to vector<16xi1>
            %reduce_max3A_378 = arith.constant -2147483648 : i32
            %reduce_max3A_379 = vector.broadcast %reduce_max3A_378 : i32 to vector<16xi32>
            %reduce_max3A_380 = arith.xori %convert_element_type3A_375, %reduce_max3A_379 : vector<16xi32>
            %reduce_max3A_381 = tpu.scan <max>, %reduce_max3A_380 masked %reduce_max3A_377 : vector<16xi32>, vector<16xi1> -> vector<16xi32>
            %reduce_max3A_382 = arith.xori %reduce_max3A_381, %reduce_max3A_379 : vector<16xi32>
            %reduce_max3A_383 = vector.extract %reduce_max3A_382[15] : i32 from vector<16xi32>
            %gt3A_384 = arith.constant 0 : i32
            %gt3A_385 = arith.cmpi sgt, %reduce_max3A_383, %gt3A_384 : i32
            scf.condition(%gt3A_385) %while3A_374 : vector<16xi1>
          } do {
          ^bb0(%while3A_374: vector<16xi1>):
            %gather3A_375 = tpu.vector_load_idx %arg7[%get3A_200] : memref<100096xf32, #tpu.memory_space<vmem>>[vector<16xi32>], vector<16xf32>,
            %max3A_376 = arith.maximumf %gather3A_375, %get3A_256 : vector<16xf32>
            tpu.vector_store_idx %arg7[%get3A_200], %max3A_376 masked %while3A_374 : memref<100096xf32, #tpu.memory_space<vmem>>[vector<16xi32>], vector<16xf32>, vector<16xi1>
            %gather3A_377 = tpu.vector_load_idx %arg7[%get3A_200] : memref<100096xf32, #tpu.memory_space<vmem>>[vector<16xi32>], vector<16xf32>,
            %lt3A_378 = arith.cmpf olt, %gather3A_377, %get3A_256 : vector<16xf32>
            scf.yield %lt3A_378 : vector<16xi1>
          }
          %gather3A_359 = tpu.vector_load_idx %arg7[%get3A_207] : memref<100096xf32, #tpu.memory_space<vmem>>[vector<16xi32>], vector<16xf32>,
          %lt3A_360 = arith.cmpf olt, %gather3A_359, %get3A_263 : vector<16xf32>
          %while3A_361 = scf.while (%while3A_374 = %lt3A_360) : (vector<16xi1>) -> vector<16xi1> {
            %convert_element_type3A_375 = arith.extui %while3A_374 : vector<16xi1> to vector<16xi32>
            %reduce_max3A_376 = arith.constant true
            %reduce_max3A_377 = vector.broadcast %reduce_max3A_376 : i1 to vector<16xi1>
            %reduce_max3A_378 = arith.constant -2147483648 : i32
            %reduce_max3A_379 = vector.broadcast %reduce_max3A_378 : i32 to vector<16xi32>
            %reduce_max3A_380 = arith.xori %convert_element_type3A_375, %reduce_max3A_379 : vector<16xi32>
            %reduce_max3A_381 = tpu.scan <max>, %reduce_max3A_380 masked %reduce_max3A_377 : vector<16xi32>, vector<16xi1> -> vector<16xi32>
            %reduce_max3A_382 = arith.xori %reduce_max3A_381, %reduce_max3A_379 : vector<16xi32>
            %reduce_max3A_383 = vector.extract %reduce_max3A_382[15] : i32 from vector<16xi32>
            %gt3A_384 = arith.constant 0 : i32
            %gt3A_385 = arith.cmpi sgt, %reduce_max3A_383, %gt3A_384 : i32
            scf.condition(%gt3A_385) %while3A_374 : vector<16xi1>
          } do {
          ^bb0(%while3A_374: vector<16xi1>):
            %gather3A_375 = tpu.vector_load_idx %arg7[%get3A_207] : memref<100096xf32, #tpu.memory_space<vmem>>[vector<16xi32>], vector<16xf32>,
            %max3A_376 = arith.maximumf %gather3A_375, %get3A_263 : vector<16xf32>
            tpu.vector_store_idx %arg7[%get3A_207], %max3A_376 masked %while3A_374 : memref<100096xf32, #tpu.memory_space<vmem>>[vector<16xi32>], vector<16xf32>, vector<16xi1>
            %gather3A_377 = tpu.vector_load_idx %arg7[%get3A_207] : memref<100096xf32, #tpu.memory_space<vmem>>[vector<16xi32>], vector<16xf32>,
            %lt3A_378 = arith.cmpf olt, %gather3A_377, %get3A_263 : vector<16xf32>
            scf.yield %lt3A_378 : vector<16xi1>
          }
          %gather3A_362 = tpu.vector_load_idx %arg7[%get3A_214] : memref<100096xf32, #tpu.memory_space<vmem>>[vector<16xi32>], vector<16xf32>,
          %lt3A_363 = arith.cmpf olt, %gather3A_362, %get3A_270 : vector<16xf32>
          %while3A_364 = scf.while (%while3A_374 = %lt3A_363) : (vector<16xi1>) -> vector<16xi1> {
            %convert_element_type3A_375 = arith.extui %while3A_374 : vector<16xi1> to vector<16xi32>
            %reduce_max3A_376 = arith.constant true
            %reduce_max3A_377 = vector.broadcast %reduce_max3A_376 : i1 to vector<16xi1>
            %reduce_max3A_378 = arith.constant -2147483648 : i32
            %reduce_max3A_379 = vector.broadcast %reduce_max3A_378 : i32 to vector<16xi32>
            %reduce_max3A_380 = arith.xori %convert_element_type3A_375, %reduce_max3A_379 : vector<16xi32>
            %reduce_max3A_381 = tpu.scan <max>, %reduce_max3A_380 masked %reduce_max3A_377 : vector<16xi32>, vector<16xi1> -> vector<16xi32>
            %reduce_max3A_382 = arith.xori %reduce_max3A_381, %reduce_max3A_379 : vector<16xi32>
            %reduce_max3A_383 = vector.extract %reduce_max3A_382[15] : i32 from vector<16xi32>
            %gt3A_384 = arith.constant 0 : i32
            %gt3A_385 = arith.cmpi sgt, %reduce_max3A_383, %gt3A_384 : i32
            scf.condition(%gt3A_385) %while3A_374 : vector<16xi1>
          } do {
          ^bb0(%while3A_374: vector<16xi1>):
            %gather3A_375 = tpu.vector_load_idx %arg7[%get3A_214] : memref<100096xf32, #tpu.memory_space<vmem>>[vector<16xi32>], vector<16xf32>,
            %max3A_376 = arith.maximumf %gather3A_375, %get3A_270 : vector<16xf32>
            tpu.vector_store_idx %arg7[%get3A_214], %max3A_376 masked %while3A_374 : memref<100096xf32, #tpu.memory_space<vmem>>[vector<16xi32>], vector<16xf32>, vector<16xi1>
            %gather3A_377 = tpu.vector_load_idx %arg7[%get3A_214] : memref<100096xf32, #tpu.memory_space<vmem>>[vector<16xi32>], vector<16xf32>,
            %lt3A_378 = arith.cmpf olt, %gather3A_377, %get3A_270 : vector<16xf32>
            scf.yield %lt3A_378 : vector<16xi1>
          }
          %gather3A_365 = tpu.vector_load_idx %arg7[%get3A_221] : memref<100096xf32, #tpu.memory_space<vmem>>[vector<16xi32>], vector<16xf32>,
          %lt3A_366 = arith.cmpf olt, %gather3A_365, %get3A_277 : vector<16xf32>
          %while3A_367 = scf.while (%while3A_374 = %lt3A_366) : (vector<16xi1>) -> vector<16xi1> {
            %convert_element_type3A_375 = arith.extui %while3A_374 : vector<16xi1> to vector<16xi32>
            %reduce_max3A_376 = arith.constant true
            %reduce_max3A_377 = vector.broadcast %reduce_max3A_376 : i1 to vector<16xi1>
            %reduce_max3A_378 = arith.constant -2147483648 : i32
            %reduce_max3A_379 = vector.broadcast %reduce_max3A_378 : i32 to vector<16xi32>
            %reduce_max3A_380 = arith.xori %convert_element_type3A_375, %reduce_max3A_379 : vector<16xi32>
            %reduce_max3A_381 = tpu.scan <max>, %reduce_max3A_380 masked %reduce_max3A_377 : vector<16xi32>, vector<16xi1> -> vector<16xi32>
            %reduce_max3A_382 = arith.xori %reduce_max3A_381, %reduce_max3A_379 : vector<16xi32>
            %reduce_max3A_383 = vector.extract %reduce_max3A_382[15] : i32 from vector<16xi32>
            %gt3A_384 = arith.constant 0 : i32
            %gt3A_385 = arith.cmpi sgt, %reduce_max3A_383, %gt3A_384 : i32
            scf.condition(%gt3A_385) %while3A_374 : vector<16xi1>
          } do {
          ^bb0(%while3A_374: vector<16xi1>):
            %gather3A_375 = tpu.vector_load_idx %arg7[%get3A_221] : memref<100096xf32, #tpu.memory_space<vmem>>[vector<16xi32>], vector<16xf32>,
            %max3A_376 = arith.maximumf %gather3A_375, %get3A_277 : vector<16xf32>
            tpu.vector_store_idx %arg7[%get3A_221], %max3A_376 masked %while3A_374 : memref<100096xf32, #tpu.memory_space<vmem>>[vector<16xi32>], vector<16xf32>, vector<16xi1>
            %gather3A_377 = tpu.vector_load_idx %arg7[%get3A_221] : memref<100096xf32, #tpu.memory_space<vmem>>[vector<16xi32>], vector<16xf32>,
            %lt3A_378 = arith.cmpf olt, %gather3A_377, %get3A_277 : vector<16xf32>
            scf.yield %lt3A_378 : vector<16xi1>
          }
          %gather3A_368 = tpu.vector_load_idx %arg7[%get3A_228] : memref<100096xf32, #tpu.memory_space<vmem>>[vector<16xi32>], vector<16xf32>,
          %lt3A_369 = arith.cmpf olt, %gather3A_368, %get3A_284 : vector<16xf32>
          %while3A_370 = scf.while (%while3A_374 = %lt3A_369) : (vector<16xi1>) -> vector<16xi1> {
            %convert_element_type3A_375 = arith.extui %while3A_374 : vector<16xi1> to vector<16xi32>
            %reduce_max3A_376 = arith.constant true
            %reduce_max3A_377 = vector.broadcast %reduce_max3A_376 : i1 to vector<16xi1>
            %reduce_max3A_378 = arith.constant -2147483648 : i32
            %reduce_max3A_379 = vector.broadcast %reduce_max3A_378 : i32 to vector<16xi32>
            %reduce_max3A_380 = arith.xori %convert_element_type3A_375, %reduce_max3A_379 : vector<16xi32>
            %reduce_max3A_381 = tpu.scan <max>, %reduce_max3A_380 masked %reduce_max3A_377 : vector<16xi32>, vector<16xi1> -> vector<16xi32>
            %reduce_max3A_382 = arith.xori %reduce_max3A_381, %reduce_max3A_379 : vector<16xi32>
            %reduce_max3A_383 = vector.extract %reduce_max3A_382[15] : i32 from vector<16xi32>
            %gt3A_384 = arith.constant 0 : i32
            %gt3A_385 = arith.cmpi sgt, %reduce_max3A_383, %gt3A_384 : i32
            scf.condition(%gt3A_385) %while3A_374 : vector<16xi1>
          } do {
          ^bb0(%while3A_374: vector<16xi1>):
            %gather3A_375 = tpu.vector_load_idx %arg7[%get3A_228] : memref<100096xf32, #tpu.memory_space<vmem>>[vector<16xi32>], vector<16xf32>,
            %max3A_376 = arith.maximumf %gather3A_375, %get3A_284 : vector<16xf32>
            tpu.vector_store_idx %arg7[%get3A_228], %max3A_376 masked %while3A_374 : memref<100096xf32, #tpu.memory_space<vmem>>[vector<16xi32>], vector<16xf32>, vector<16xi1>
            %gather3A_377 = tpu.vector_load_idx %arg7[%get3A_228] : memref<100096xf32, #tpu.memory_space<vmem>>[vector<16xi32>], vector<16xf32>,
            %lt3A_378 = arith.cmpf olt, %gather3A_377, %get3A_284 : vector<16xf32>
            scf.yield %lt3A_378 : vector<16xi1>
          }
          %gather3A_371 = tpu.vector_load_idx %arg7[%get3A_235] : memref<100096xf32, #tpu.memory_space<vmem>>[vector<16xi32>], vector<16xf32>,
          %lt3A_372 = arith.cmpf olt, %gather3A_371, %get3A_291 : vector<16xf32>
          %while3A_373 = scf.while (%while3A_374 = %lt3A_372) : (vector<16xi1>) -> vector<16xi1> {
            %convert_element_type3A_375 = arith.extui %while3A_374 : vector<16xi1> to vector<16xi32>
            %reduce_max3A_376 = arith.constant true
            %reduce_max3A_377 = vector.broadcast %reduce_max3A_376 : i1 to vector<16xi1>
            %reduce_max3A_378 = arith.constant -2147483648 : i32
            %reduce_max3A_379 = vector.broadcast %reduce_max3A_378 : i32 to vector<16xi32>
            %reduce_max3A_380 = arith.xori %convert_element_type3A_375, %reduce_max3A_379 : vector<16xi32>
            %reduce_max3A_381 = tpu.scan <max>, %reduce_max3A_380 masked %reduce_max3A_377 : vector<16xi32>, vector<16xi1> -> vector<16xi32>
            %reduce_max3A_382 = arith.xori %reduce_max3A_381, %reduce_max3A_379 : vector<16xi32>
            %reduce_max3A_383 = vector.extract %reduce_max3A_382[15] : i32 from vector<16xi32>
            %gt3A_384 = arith.constant 0 : i32
            %gt3A_385 = arith.cmpi sgt, %reduce_max3A_383, %gt3A_384 : i32
            scf.condition(%gt3A_385) %while3A_374 : vector<16xi1>
          } do {
          ^bb0(%while3A_374: vector<16xi1>):
            %gather3A_375 = tpu.vector_load_idx %arg7[%get3A_235] : memref<100096xf32, #tpu.memory_space<vmem>>[vector<16xi32>], vector<16xf32>,
            %max3A_376 = arith.maximumf %gather3A_375, %get3A_291 : vector<16xf32>
            tpu.vector_store_idx %arg7[%get3A_235], %max3A_376 masked %while3A_374 : memref<100096xf32, #tpu.memory_space<vmem>>[vector<16xi32>], vector<16xf32>, vector<16xi1>
            %gather3A_377 = tpu.vector_load_idx %arg7[%get3A_235] : memref<100096xf32, #tpu.memory_space<vmem>>[vector<16xi32>], vector<16xf32>,
            %lt3A_378 = arith.cmpf olt, %gather3A_377, %get3A_291 : vector<16xf32>
            scf.yield %lt3A_378 : vector<16xi1>
          }
        } else {
        }
        %scan3A_349 = arith.constant 0 : i32
        scf.yield %scan3A_349 : i32
      }
      %scan3A_120 = arith.constant 8 : i32
      %lt3A = arith.constant 780 : i32
      %lt3A_121 = arith.cmpi slt, %scan3A_86, %lt3A : i32
      %convert_element_type3A_122 = arith.extui %lt3A_121 : i1 to i32
      %cond3A_123 = arith.constant 0 : i32
      %cond3A_124 = arith.cmpi ne, %convert_element_type3A_122, %cond3A_123 : i32
      scf.if %cond3A_124 {
        %add3A_143 = arith.constant 1 : i32
        %add3A_144 = arith.addi %add3A_91, %add3A_143 : i32
        %mul3A_145 = arith.constant 8 : i32
        %mul3A_146 = arith.muli %add3A_144, %mul3A_145 : i32
        %add3A_147 = arith.addi %mul3A_4, %mul3A_146 : i32
        %dma_start3A_148 = arith.constant 0 : i32
        %dma_start3A_149 = tpu.memref_slice %arg2[%arg1, %add3A_147, %dma_start3A_148] : memref<16x25000x128xf32, #tpu.memory_space<hbm>> -> memref<1x8x128xf32, #tpu.memory_space<hbm>>
        %dma_start3A_150 = tpu.memref_squeeze %dma_start3A_149 : memref<1x8x128xf32, #tpu.memory_space<hbm>> -> memref<8x128xf32, #tpu.memory_space<hbm>>
        %dma_start3A_151 = arith.constant 0 : i32
        %dma_start3A_152 = tpu.memref_slice %arg2[%arg1, %add3A_147, %dma_start3A_151] : memref<16x25000x128xf32, #tpu.memory_space<hbm>> -> memref<1x8x128xf32, #tpu.memory_space<hbm>>
        %dma_start3A_153 = tpu.memref_squeeze %dma_start3A_152 : memref<1x8x128xf32, #tpu.memory_space<hbm>> -> memref<8x128xf32, #tpu.memory_space<hbm>>
        tpu.enqueue_dma source(%dma_start3A_153 : memref<8x128xf32, #tpu.memory_space<hbm>>) target(%arg8 : memref<8x128xf32, #tpu.memory_space<vmem>>) target_semaphore(%arg12 : memref<!tpu.dma_semaphore, #tpu.memory_space<semaphore_mem>>)
        %dma_start3A_154 = arith.constant 0 : i32
        %dma_start3A_155 = tpu.memref_slice %arg3[%add3A_147, %dma_start3A_154] : memref<25000x128xi32, #tpu.memory_space<hbm>> -> memref<8x128xi32, #tpu.memory_space<hbm>>
        %dma_start3A_156 = arith.constant 0 : i32
        %dma_start3A_157 = tpu.memref_slice %arg3[%add3A_147, %dma_start3A_156] : memref<25000x128xi32, #tpu.memory_space<hbm>> -> memref<8x128xi32, #tpu.memory_space<hbm>>
        tpu.enqueue_dma source(%dma_start3A_157 : memref<8x128xi32, #tpu.memory_space<hbm>>) target(%arg9 : memref<8x128xi32, #tpu.memory_space<vmem>>) target_semaphore(%arg12 : memref<!tpu.dma_semaphore, #tpu.memory_space<semaphore_mem>>)
      } else {
      }
      %dma_wait3A_125 = arith.constant 0 : i32
      %dma_wait3A_126 = tpu.memref_slice %arg2[%arg1, %mul3A_4, %dma_wait3A_125] : memref<16x25000x128xf32, #tpu.memory_space<hbm>> -> memref<1x8x128xf32, #tpu.memory_space<hbm>>
      %dma_wait3A_127 = tpu.memref_squeeze %dma_wait3A_126 : memref<1x8x128xf32, #tpu.memory_space<hbm>> -> memref<8x128xf32, #tpu.memory_space<hbm>>
      %dma_wait3A_128 = arith.constant 0 : i32
      %dma_wait3A_129 = tpu.memref_slice %arg2[%arg1, %mul3A_4, %dma_wait3A_128] : memref<16x25000x128xf32, #tpu.memory_space<hbm>> -> memref<1x8x128xf32, #tpu.memory_space<hbm>>
      %dma_wait3A_130 = tpu.memref_squeeze %dma_wait3A_129 : memref<1x8x128xf32, #tpu.memory_space<hbm>> -> memref<8x128xf32, #tpu.memory_space<hbm>>
      tpu.wait_dma2 semaphore(%arg13 : memref<!tpu.dma_semaphore, #tpu.memory_space<semaphore_mem>>) src(%dma_wait3A_130 : memref<8x128xf32, #tpu.memory_space<hbm>>) dst(%arg10 : memref<8x128xf32, #tpu.memory_space<vmem>>)
      %dma_wait3A_131 = arith.constant 0 : i32
      %dma_wait3A_132 = tpu.memref_slice %arg3[%mul3A_4, %dma_wait3A_131] : memref<25000x128xi32, #tpu.memory_space<hbm>> -> memref<8x128xi32, #tpu.memory_space<hbm>>
      %dma_wait3A_133 = arith.constant 0 : i32
      %dma_wait3A_134 = tpu.memref_slice %arg3[%mul3A_4, %dma_wait3A_133] : memref<25000x128xi32, #tpu.memory_space<hbm>> -> memref<8x128xi32, #tpu.memory_space<hbm>>
      tpu.wait_dma2 semaphore(%arg13 : memref<!tpu.dma_semaphore, #tpu.memory_space<semaphore_mem>>) src(%dma_wait3A_134 : memref<8x128xi32, #tpu.memory_space<hbm>>) dst(%arg11 : memref<8x128xi32, #tpu.memory_space<vmem>>)
      %scan3A_135 = arith.constant 0 : i32
      %scan3A_136 = arith.constant 0 : i32
      %scan3A_137 = arith.constant 8 : i32
      %scan3A_138 = arith.addi %scan3A_136, %scan3A_137 : i32
      %scan3A_139 = arith.constant 1 : i32
      %scan3A_140 = scf.for %scan3A_143 = %scan3A_136 to %scan3A_138 step %scan3A_139 iter_args(%scan3A_144 = %scan3A_135) -> (i32)  : i32 {
        %jit3A_145 = arith.constant 2 : i32
        %div3A = arith.divsi %scan3A_143, %jit3A_145 : i32
        %sign3A = arith.constant 0 : i32
        %sign3A_146 = arith.cmpi sgt, %scan3A_143, %sign3A : i32
        %sign3A_147 = arith.extui %sign3A_146 : i1 to i32
        %sign3A_148 = arith.constant 0 : i32
        %sign3A_149 = arith.cmpi slt, %scan3A_143, %sign3A_148 : i32
        %sign3A_150 = arith.extui %sign3A_149 : i1 to i32
        %sign3A_151 = arith.subi %sign3A_147, %sign3A_150 : i32
        %sign3A_152 = arith.constant 0 : i32
        %sign3A_153 = arith.cmpi sgt, %jit3A_145, %sign3A_152 : i32
        %sign3A_154 = arith.extui %sign3A_153 : i1 to i32
        %sign3A_155 = arith.constant 0 : i32
        %sign3A_156 = arith.cmpi slt, %jit3A_145, %sign3A_155 : i32
        %sign3A_157 = arith.extui %sign3A_156 : i1 to i32
        %sign3A_158 = arith.subi %sign3A_154, %sign3A_157 : i32
        %ne3A = arith.cmpi ne, %sign3A_151, %sign3A_158 : i32
        %rem3A = arith.remsi %scan3A_143, %jit3A_145 : i32
        %ne3A_159 = arith.constant 0 : i32
        %ne3A_160 = arith.cmpi ne, %rem3A, %ne3A_159 : i32
        %and3A = arith.andi %ne3A, %ne3A_160 : i1
        %sub3A = arith.constant 1 : i32
        %sub3A_161 = arith.subi %div3A, %sub3A : i32
        %select_n3A_162 = arith.select %and3A, %sub3A_161, %div3A : i32
        %jit3A_163 = arith.constant 2 : i32
        %eq3A_164 = arith.constant 0 : i32
        %eq3A_165 = arith.cmpi eq, %jit3A_163, %eq3A_164 : i32
        %jit3A_166 = arith.constant 1 : i32
        %select_n3A_167 = arith.select %eq3A_165, %jit3A_166, %jit3A_163 : i32
        %rem3A_168 = arith.remsi %scan3A_143, %select_n3A_167 : i32
        %ne3A_169 = arith.constant 0 : i32
        %ne3A_170 = arith.cmpi ne, %rem3A_168, %ne3A_169 : i32
        %lt3A_171 = arith.constant 0 : i32
        %lt3A_172 = arith.cmpi slt, %rem3A_168, %lt3A_171 : i32
        %lt3A_173 = arith.constant 0 : i32
        %lt3A_174 = arith.cmpi slt, %select_n3A_167, %lt3A_173 : i32
        %ne3A_175 = arith.xori %lt3A_172, %lt3A_174 : i1
        %and3A_176 = arith.andi %ne3A_175, %ne3A_170 : i1
        %add3A_177 = arith.addi %rem3A_168, %select_n3A_167 : i32
        %select_n3A_178 = arith.select %and3A_176, %add3A_177, %rem3A_168 : i32
        %mul3A_179 = arith.constant 8 : i32
        %mul3A_180 = arith.muli %select_n3A_178, %mul3A_179 : i32
        %add3A_181 = arith.constant 0 : i32
        %add3A_182 = arith.addi %mul3A_180, %add3A_181 : i32
        %mul3A_183 = arith.constant 16 : i32
        %mul3A_184 = arith.muli %add3A_182, %mul3A_183 : i32
        %get3A = arith.index_cast %select_n3A_162 : i32 to index
        %get3A_185 = arith.index_cast %mul3A_184 : i32 to index
        %get3A_186 = tpu.vector_load %arg11[%get3A, %get3A_185] {strides = array<i32>} : memref<8x128xi32, #tpu.memory_space<vmem>>, vector<16xi32>,
        %add3A_187 = arith.constant 1 : i32
        %add3A_188 = arith.addi %mul3A_180, %add3A_187 : i32
        %mul3A_189 = arith.constant 16 : i32
        %mul3A_190 = arith.muli %add3A_188, %mul3A_189 : i32
        %get3A_191 = arith.index_cast %select_n3A_162 : i32 to index
        %get3A_192 = arith.index_cast %mul3A_190 : i32 to index
        %get3A_193 = tpu.vector_load %arg11[%get3A_191, %get3A_192] {strides = array<i32>} : memref<8x128xi32, #tpu.memory_space<vmem>>, vector<16xi32>,
        %add3A_194 = arith.constant 2 : i32
        %add3A_195 = arith.addi %mul3A_180, %add3A_194 : i32
        %mul3A_196 = arith.constant 16 : i32
        %mul3A_197 = arith.muli %add3A_195, %mul3A_196 : i32
        %get3A_198 = arith.index_cast %select_n3A_162 : i32 to index
        %get3A_199 = arith.index_cast %mul3A_197 : i32 to index
        %get3A_200 = tpu.vector_load %arg11[%get3A_198, %get3A_199] {strides = array<i32>} : memref<8x128xi32, #tpu.memory_space<vmem>>, vector<16xi32>,
        %add3A_201 = arith.constant 3 : i32
        %add3A_202 = arith.addi %mul3A_180, %add3A_201 : i32
        %mul3A_203 = arith.constant 16 : i32
        %mul3A_204 = arith.muli %add3A_202, %mul3A_203 : i32
        %get3A_205 = arith.index_cast %select_n3A_162 : i32 to index
        %get3A_206 = arith.index_cast %mul3A_204 : i32 to index
        %get3A_207 = tpu.vector_load %arg11[%get3A_205, %get3A_206] {strides = array<i32>} : memref<8x128xi32, #tpu.memory_space<vmem>>, vector<16xi32>,
        %add3A_208 = arith.constant 4 : i32
        %add3A_209 = arith.addi %mul3A_180, %add3A_208 : i32
        %mul3A_210 = arith.constant 16 : i32
        %mul3A_211 = arith.muli %add3A_209, %mul3A_210 : i32
        %get3A_212 = arith.index_cast %select_n3A_162 : i32 to index
        %get3A_213 = arith.index_cast %mul3A_211 : i32 to index
        %get3A_214 = tpu.vector_load %arg11[%get3A_212, %get3A_213] {strides = array<i32>} : memref<8x128xi32, #tpu.memory_space<vmem>>, vector<16xi32>,
        %add3A_215 = arith.constant 5 : i32
        %add3A_216 = arith.addi %mul3A_180, %add3A_215 : i32
        %mul3A_217 = arith.constant 16 : i32
        %mul3A_218 = arith.muli %add3A_216, %mul3A_217 : i32
        %get3A_219 = arith.index_cast %select_n3A_162 : i32 to index
        %get3A_220 = arith.index_cast %mul3A_218 : i32 to index
        %get3A_221 = tpu.vector_load %arg11[%get3A_219, %get3A_220] {strides = array<i32>} : memref<8x128xi32, #tpu.memory_space<vmem>>, vector<16xi32>,
        %add3A_222 = arith.constant 6 : i32
        %add3A_223 = arith.addi %mul3A_180, %add3A_222 : i32
        %mul3A_224 = arith.constant 16 : i32
        %mul3A_225 = arith.muli %add3A_223, %mul3A_224 : i32
        %get3A_226 = arith.index_cast %select_n3A_162 : i32 to index
        %get3A_227 = arith.index_cast %mul3A_225 : i32 to index
        %get3A_228 = tpu.vector_load %arg11[%get3A_226, %get3A_227] {strides = array<i32>} : memref<8x128xi32, #tpu.memory_space<vmem>>, vector<16xi32>,
        %add3A_229 = arith.constant 7 : i32
        %add3A_230 = arith.addi %mul3A_180, %add3A_229 : i32
        %mul3A_231 = arith.constant 16 : i32
        %mul3A_232 = arith.muli %add3A_230, %mul3A_231 : i32
        %get3A_233 = arith.index_cast %select_n3A_162 : i32 to index
        %get3A_234 = arith.index_cast %mul3A_232 : i32 to index
        %get3A_235 = tpu.vector_load %arg11[%get3A_233, %get3A_234] {strides = array<i32>} : memref<8x128xi32, #tpu.memory_space<vmem>>, vector<16xi32>,
        %add3A_236 = arith.constant 0 : i32
        %add3A_237 = arith.addi %mul3A_180, %add3A_236 : i32
        %mul3A_238 = arith.constant 16 : i32
        %mul3A_239 = arith.muli %add3A_237, %mul3A_238 : i32
        %get3A_240 = arith.index_cast %select_n3A_162 : i32 to index
        %get3A_241 = arith.index_cast %mul3A_239 : i32 to index
        %get3A_242 = tpu.vector_load %arg10[%get3A_240, %get3A_241] {strides = array<i32>} : memref<8x128xf32, #tpu.memory_space<vmem>>, vector<16xf32>,
        %add3A_243 = arith.constant 1 : i32
        %add3A_244 = arith.addi %mul3A_180, %add3A_243 : i32
        %mul3A_245 = arith.constant 16 : i32
        %mul3A_246 = arith.muli %add3A_244, %mul3A_245 : i32
        %get3A_247 = arith.index_cast %select_n3A_162 : i32 to index
        %get3A_248 = arith.index_cast %mul3A_246 : i32 to index
        %get3A_249 = tpu.vector_load %arg10[%get3A_247, %get3A_248] {strides = array<i32>} : memref<8x128xf32, #tpu.memory_space<vmem>>, vector<16xf32>,
        %add3A_250 = arith.constant 2 : i32
        %add3A_251 = arith.addi %mul3A_180, %add3A_250 : i32
        %mul3A_252 = arith.constant 16 : i32
        %mul3A_253 = arith.muli %add3A_251, %mul3A_252 : i32
        %get3A_254 = arith.index_cast %select_n3A_162 : i32 to index
        %get3A_255 = arith.index_cast %mul3A_253 : i32 to index
        %get3A_256 = tpu.vector_load %arg10[%get3A_254, %get3A_255] {strides = array<i32>} : memref<8x128xf32, #tpu.memory_space<vmem>>, vector<16xf32>,
        %add3A_257 = arith.constant 3 : i32
        %add3A_258 = arith.addi %mul3A_180, %add3A_257 : i32
        %mul3A_259 = arith.constant 16 : i32
        %mul3A_260 = arith.muli %add3A_258, %mul3A_259 : i32
        %get3A_261 = arith.index_cast %select_n3A_162 : i32 to index
        %get3A_262 = arith.index_cast %mul3A_260 : i32 to index
        %get3A_263 = tpu.vector_load %arg10[%get3A_261, %get3A_262] {strides = array<i32>} : memref<8x128xf32, #tpu.memory_space<vmem>>, vector<16xf32>,
        %add3A_264 = arith.constant 4 : i32
        %add3A_265 = arith.addi %mul3A_180, %add3A_264 : i32
        %mul3A_266 = arith.constant 16 : i32
        %mul3A_267 = arith.muli %add3A_265, %mul3A_266 : i32
        %get3A_268 = arith.index_cast %select_n3A_162 : i32 to index
        %get3A_269 = arith.index_cast %mul3A_267 : i32 to index
        %get3A_270 = tpu.vector_load %arg10[%get3A_268, %get3A_269] {strides = array<i32>} : memref<8x128xf32, #tpu.memory_space<vmem>>, vector<16xf32>,
        %add3A_271 = arith.constant 5 : i32
        %add3A_272 = arith.addi %mul3A_180, %add3A_271 : i32
        %mul3A_273 = arith.constant 16 : i32
        %mul3A_274 = arith.muli %add3A_272, %mul3A_273 : i32
        %get3A_275 = arith.index_cast %select_n3A_162 : i32 to index
        %get3A_276 = arith.index_cast %mul3A_274 : i32 to index
        %get3A_277 = tpu.vector_load %arg10[%get3A_275, %get3A_276] {strides = array<i32>} : memref<8x128xf32, #tpu.memory_space<vmem>>, vector<16xf32>,
        %add3A_278 = arith.constant 6 : i32
        %add3A_279 = arith.addi %mul3A_180, %add3A_278 : i32
        %mul3A_280 = arith.constant 16 : i32
        %mul3A_281 = arith.muli %add3A_279, %mul3A_280 : i32
        %get3A_282 = arith.index_cast %select_n3A_162 : i32 to index
        %get3A_283 = arith.index_cast %mul3A_281 : i32 to index
        %get3A_284 = tpu.vector_load %arg10[%get3A_282, %get3A_283] {strides = array<i32>} : memref<8x128xf32, #tpu.memory_space<vmem>>, vector<16xf32>,
        %add3A_285 = arith.constant 7 : i32
        %add3A_286 = arith.addi %mul3A_180, %add3A_285 : i32
        %mul3A_287 = arith.constant 16 : i32
        %mul3A_288 = arith.muli %add3A_286, %mul3A_287 : i32
        %get3A_289 = arith.index_cast %select_n3A_162 : i32 to index
        %get3A_290 = arith.index_cast %mul3A_288 : i32 to index
        %get3A_291 = tpu.vector_load %arg10[%get3A_289, %get3A_290] {strides = array<i32>} : memref<8x128xf32, #tpu.memory_space<vmem>>, vector<16xf32>,
        %gather3A = tpu.vector_load_idx %arg7[%get3A_186] : memref<100096xf32, #tpu.memory_space<vmem>>[vector<16xi32>], vector<16xf32>,
        %gather3A_292 = tpu.vector_load_idx %arg7[%get3A_193] : memref<100096xf32, #tpu.memory_space<vmem>>[vector<16xi32>], vector<16xf32>,
        %gather3A_293 = tpu.vector_load_idx %arg7[%get3A_200] : memref<100096xf32, #tpu.memory_space<vmem>>[vector<16xi32>], vector<16xf32>,
        %gather3A_294 = tpu.vector_load_idx %arg7[%get3A_207] : memref<100096xf32, #tpu.memory_space<vmem>>[vector<16xi32>], vector<16xf32>,
        %gather3A_295 = tpu.vector_load_idx %arg7[%get3A_214] : memref<100096xf32, #tpu.memory_space<vmem>>[vector<16xi32>], vector<16xf32>,
        %gather3A_296 = tpu.vector_load_idx %arg7[%get3A_221] : memref<100096xf32, #tpu.memory_space<vmem>>[vector<16xi32>], vector<16xf32>,
        %gather3A_297 = tpu.vector_load_idx %arg7[%get3A_228] : memref<100096xf32, #tpu.memory_space<vmem>>[vector<16xi32>], vector<16xf32>,
        %gather3A_298 = tpu.vector_load_idx %arg7[%get3A_235] : memref<100096xf32, #tpu.memory_space<vmem>>[vector<16xi32>], vector<16xf32>,
        %max3A = arith.maximumf %gather3A, %get3A_242 : vector<16xf32>
        tpu.vector_store_idx %arg7[%get3A_186], %max3A : memref<100096xf32, #tpu.memory_space<vmem>>[vector<16xi32>], vector<16xf32>,
        %max3A_299 = arith.maximumf %gather3A_292, %get3A_249 : vector<16xf32>
        tpu.vector_store_idx %arg7[%get3A_193], %max3A_299 : memref<100096xf32, #tpu.memory_space<vmem>>[vector<16xi32>], vector<16xf32>,
        %max3A_300 = arith.maximumf %gather3A_293, %get3A_256 : vector<16xf32>
        tpu.vector_store_idx %arg7[%get3A_200], %max3A_300 : memref<100096xf32, #tpu.memory_space<vmem>>[vector<16xi32>], vector<16xf32>,
        %max3A_301 = arith.maximumf %gather3A_294, %get3A_263 : vector<16xf32>
        tpu.vector_store_idx %arg7[%get3A_207], %max3A_301 : memref<100096xf32, #tpu.memory_space<vmem>>[vector<16xi32>], vector<16xf32>,
        %max3A_302 = arith.maximumf %gather3A_295, %get3A_270 : vector<16xf32>
        tpu.vector_store_idx %arg7[%get3A_214], %max3A_302 : memref<100096xf32, #tpu.memory_space<vmem>>[vector<16xi32>], vector<16xf32>,
        %max3A_303 = arith.maximumf %gather3A_296, %get3A_277 : vector<16xf32>
        tpu.vector_store_idx %arg7[%get3A_221], %max3A_303 : memref<100096xf32, #tpu.memory_space<vmem>>[vector<16xi32>], vector<16xf32>,
        %max3A_304 = arith.maximumf %gather3A_297, %get3A_284 : vector<16xf32>
        tpu.vector_store_idx %arg7[%get3A_228], %max3A_304 : memref<100096xf32, #tpu.memory_space<vmem>>[vector<16xi32>], vector<16xf32>,
        %max3A_305 = arith.maximumf %gather3A_298, %get3A_291 : vector<16xf32>
        tpu.vector_store_idx %arg7[%get3A_235], %max3A_305 : memref<100096xf32, #tpu.memory_space<vmem>>[vector<16xi32>], vector<16xf32>,
        %gather3A_306 = tpu.vector_load_idx %arg7[%get3A_186] : memref<100096xf32, #tpu.memory_space<vmem>>[vector<16xi32>], vector<16xf32>,
        %gather3A_307 = tpu.vector_load_idx %arg7[%get3A_193] : memref<100096xf32, #tpu.memory_space<vmem>>[vector<16xi32>], vector<16xf32>,
        %gather3A_308 = tpu.vector_load_idx %arg7[%get3A_200] : memref<100096xf32, #tpu.memory_space<vmem>>[vector<16xi32>], vector<16xf32>,
        %gather3A_309 = tpu.vector_load_idx %arg7[%get3A_207] : memref<100096xf32, #tpu.memory_space<vmem>>[vector<16xi32>], vector<16xf32>,
        %gather3A_310 = tpu.vector_load_idx %arg7[%get3A_214] : memref<100096xf32, #tpu.memory_space<vmem>>[vector<16xi32>], vector<16xf32>,
        %gather3A_311 = tpu.vector_load_idx %arg7[%get3A_221] : memref<100096xf32, #tpu.memory_space<vmem>>[vector<16xi32>], vector<16xf32>,
        %gather3A_312 = tpu.vector_load_idx %arg7[%get3A_228] : memref<100096xf32, #tpu.memory_space<vmem>>[vector<16xi32>], vector<16xf32>,
        %gather3A_313 = tpu.vector_load_idx %arg7[%get3A_235] : memref<100096xf32, #tpu.memory_space<vmem>>[vector<16xi32>], vector<16xf32>,
        %lt3A_314 = arith.cmpf olt, %gather3A_306, %get3A_242 : vector<16xf32>
        %convert_element_type3A_315 = arith.extui %lt3A_314 : vector<16xi1> to vector<16xi32>
        %lt3A_316 = arith.cmpf olt, %gather3A_307, %get3A_249 : vector<16xf32>
        %convert_element_type3A_317 = arith.extui %lt3A_316 : vector<16xi1> to vector<16xi32>
        %max3A_318 = arith.maxsi %convert_element_type3A_315, %convert_element_type3A_317 : vector<16xi32>
        %lt3A_319 = arith.cmpf olt, %gather3A_308, %get3A_256 : vector<16xf32>
        %convert_element_type3A_320 = arith.extui %lt3A_319 : vector<16xi1> to vector<16xi32>
        %max3A_321 = arith.maxsi %max3A_318, %convert_element_type3A_320 : vector<16xi32>
        %lt3A_322 = arith.cmpf olt, %gather3A_309, %get3A_263 : vector<16xf32>
        %convert_element_type3A_323 = arith.extui %lt3A_322 : vector<16xi1> to vector<16xi32>
        %max3A_324 = arith.maxsi %max3A_321, %convert_element_type3A_323 : vector<16xi32>
        %lt3A_325 = arith.cmpf olt, %gather3A_310, %get3A_270 : vector<16xf32>
        %convert_element_type3A_326 = arith.extui %lt3A_325 : vector<16xi1> to vector<16xi32>
        %max3A_327 = arith.maxsi %max3A_324, %convert_element_type3A_326 : vector<16xi32>
        %lt3A_328 = arith.cmpf olt, %gather3A_311, %get3A_277 : vector<16xf32>
        %convert_element_type3A_329 = arith.extui %lt3A_328 : vector<16xi1> to vector<16xi32>
        %max3A_330 = arith.maxsi %max3A_327, %convert_element_type3A_329 : vector<16xi32>
        %lt3A_331 = arith.cmpf olt, %gather3A_312, %get3A_284 : vector<16xf32>
        %convert_element_type3A_332 = arith.extui %lt3A_331 : vector<16xi1> to vector<16xi32>
        %max3A_333 = arith.maxsi %max3A_330, %convert_element_type3A_332 : vector<16xi32>
        %lt3A_334 = arith.cmpf olt, %gather3A_313, %get3A_291 : vector<16xf32>
        %convert_element_type3A_335 = arith.extui %lt3A_334 : vector<16xi1> to vector<16xi32>
        %max3A_336 = arith.maxsi %max3A_333, %convert_element_type3A_335 : vector<16xi32>
        %reduce_max3A = arith.constant true
        %reduce_max3A_337 = vector.broadcast %reduce_max3A : i1 to vector<16xi1>
        %reduce_max3A_338 = arith.constant -2147483648 : i32
        %reduce_max3A_339 = vector.broadcast %reduce_max3A_338 : i32 to vector<16xi32>
        %reduce_max3A_340 = arith.xori %max3A_336, %reduce_max3A_339 : vector<16xi32>
        %reduce_max3A_341 = tpu.scan <max>, %reduce_max3A_340 masked %reduce_max3A_337 : vector<16xi32>, vector<16xi1> -> vector<16xi32>
        %reduce_max3A_342 = arith.xori %reduce_max3A_341, %reduce_max3A_339 : vector<16xi32>
        %reduce_max3A_343 = vector.extract %reduce_max3A_342[15] : i32 from vector<16xi32>
        %gt3A_344 = arith.constant 0 : i32
        %gt3A_345 = arith.cmpi sgt, %reduce_max3A_343, %gt3A_344 : i32
        %convert_element_type3A_346 = arith.extui %gt3A_345 : i1 to i32
        %cond3A_347 = arith.constant 0 : i32
        %cond3A_348 = arith.cmpi ne, %convert_element_type3A_346, %cond3A_347 : i32
        scf.if %cond3A_348 {
          %gather3A_350 = tpu.vector_load_idx %arg7[%get3A_186] : memref<100096xf32, #tpu.memory_space<vmem>>[vector<16xi32>], vector<16xf32>,
          %lt3A_351 = arith.cmpf olt, %gather3A_350, %get3A_242 : vector<16xf32>
          %while3A_352 = scf.while (%while3A_374 = %lt3A_351) : (vector<16xi1>) -> vector<16xi1> {
            %convert_element_type3A_375 = arith.extui %while3A_374 : vector<16xi1> to vector<16xi32>
            %reduce_max3A_376 = arith.constant true
            %reduce_max3A_377 = vector.broadcast %reduce_max3A_376 : i1 to vector<16xi1>
            %reduce_max3A_378 = arith.constant -2147483648 : i32
            %reduce_max3A_379 = vector.broadcast %reduce_max3A_378 : i32 to vector<16xi32>
            %reduce_max3A_380 = arith.xori %convert_element_type3A_375, %reduce_max3A_379 : vector<16xi32>
            %reduce_max3A_381 = tpu.scan <max>, %reduce_max3A_380 masked %reduce_max3A_377 : vector<16xi32>, vector<16xi1> -> vector<16xi32>
            %reduce_max3A_382 = arith.xori %reduce_max3A_381, %reduce_max3A_379 : vector<16xi32>
            %reduce_max3A_383 = vector.extract %reduce_max3A_382[15] : i32 from vector<16xi32>
            %gt3A_384 = arith.constant 0 : i32
            %gt3A_385 = arith.cmpi sgt, %reduce_max3A_383, %gt3A_384 : i32
            scf.condition(%gt3A_385) %while3A_374 : vector<16xi1>
          } do {
          ^bb0(%while3A_374: vector<16xi1>):
            %gather3A_375 = tpu.vector_load_idx %arg7[%get3A_186] : memref<100096xf32, #tpu.memory_space<vmem>>[vector<16xi32>], vector<16xf32>,
            %max3A_376 = arith.maximumf %gather3A_375, %get3A_242 : vector<16xf32>
            tpu.vector_store_idx %arg7[%get3A_186], %max3A_376 masked %while3A_374 : memref<100096xf32, #tpu.memory_space<vmem>>[vector<16xi32>], vector<16xf32>, vector<16xi1>
            %gather3A_377 = tpu.vector_load_idx %arg7[%get3A_186] : memref<100096xf32, #tpu.memory_space<vmem>>[vector<16xi32>], vector<16xf32>,
            %lt3A_378 = arith.cmpf olt, %gather3A_377, %get3A_242 : vector<16xf32>
            scf.yield %lt3A_378 : vector<16xi1>
          }
          %gather3A_353 = tpu.vector_load_idx %arg7[%get3A_193] : memref<100096xf32, #tpu.memory_space<vmem>>[vector<16xi32>], vector<16xf32>,
          %lt3A_354 = arith.cmpf olt, %gather3A_353, %get3A_249 : vector<16xf32>
          %while3A_355 = scf.while (%while3A_374 = %lt3A_354) : (vector<16xi1>) -> vector<16xi1> {
            %convert_element_type3A_375 = arith.extui %while3A_374 : vector<16xi1> to vector<16xi32>
            %reduce_max3A_376 = arith.constant true
            %reduce_max3A_377 = vector.broadcast %reduce_max3A_376 : i1 to vector<16xi1>
            %reduce_max3A_378 = arith.constant -2147483648 : i32
            %reduce_max3A_379 = vector.broadcast %reduce_max3A_378 : i32 to vector<16xi32>
            %reduce_max3A_380 = arith.xori %convert_element_type3A_375, %reduce_max3A_379 : vector<16xi32>
            %reduce_max3A_381 = tpu.scan <max>, %reduce_max3A_380 masked %reduce_max3A_377 : vector<16xi32>, vector<16xi1> -> vector<16xi32>
            %reduce_max3A_382 = arith.xori %reduce_max3A_381, %reduce_max3A_379 : vector<16xi32>
            %reduce_max3A_383 = vector.extract %reduce_max3A_382[15] : i32 from vector<16xi32>
            %gt3A_384 = arith.constant 0 : i32
            %gt3A_385 = arith.cmpi sgt, %reduce_max3A_383, %gt3A_384 : i32
            scf.condition(%gt3A_385) %while3A_374 : vector<16xi1>
          } do {
          ^bb0(%while3A_374: vector<16xi1>):
            %gather3A_375 = tpu.vector_load_idx %arg7[%get3A_193] : memref<100096xf32, #tpu.memory_space<vmem>>[vector<16xi32>], vector<16xf32>,
            %max3A_376 = arith.maximumf %gather3A_375, %get3A_249 : vector<16xf32>
            tpu.vector_store_idx %arg7[%get3A_193], %max3A_376 masked %while3A_374 : memref<100096xf32, #tpu.memory_space<vmem>>[vector<16xi32>], vector<16xf32>, vector<16xi1>
            %gather3A_377 = tpu.vector_load_idx %arg7[%get3A_193] : memref<100096xf32, #tpu.memory_space<vmem>>[vector<16xi32>], vector<16xf32>,
            %lt3A_378 = arith.cmpf olt, %gather3A_377, %get3A_249 : vector<16xf32>
            scf.yield %lt3A_378 : vector<16xi1>
          }
          %gather3A_356 = tpu.vector_load_idx %arg7[%get3A_200] : memref<100096xf32, #tpu.memory_space<vmem>>[vector<16xi32>], vector<16xf32>,
          %lt3A_357 = arith.cmpf olt, %gather3A_356, %get3A_256 : vector<16xf32>
          %while3A_358 = scf.while (%while3A_374 = %lt3A_357) : (vector<16xi1>) -> vector<16xi1> {
            %convert_element_type3A_375 = arith.extui %while3A_374 : vector<16xi1> to vector<16xi32>
            %reduce_max3A_376 = arith.constant true
            %reduce_max3A_377 = vector.broadcast %reduce_max3A_376 : i1 to vector<16xi1>
            %reduce_max3A_378 = arith.constant -2147483648 : i32
            %reduce_max3A_379 = vector.broadcast %reduce_max3A_378 : i32 to vector<16xi32>
            %reduce_max3A_380 = arith.xori %convert_element_type3A_375, %reduce_max3A_379 : vector<16xi32>
            %reduce_max3A_381 = tpu.scan <max>, %reduce_max3A_380 masked %reduce_max3A_377 : vector<16xi32>, vector<16xi1> -> vector<16xi32>
            %reduce_max3A_382 = arith.xori %reduce_max3A_381, %reduce_max3A_379 : vector<16xi32>
            %reduce_max3A_383 = vector.extract %reduce_max3A_382[15] : i32 from vector<16xi32>
            %gt3A_384 = arith.constant 0 : i32
            %gt3A_385 = arith.cmpi sgt, %reduce_max3A_383, %gt3A_384 : i32
            scf.condition(%gt3A_385) %while3A_374 : vector<16xi1>
          } do {
          ^bb0(%while3A_374: vector<16xi1>):
            %gather3A_375 = tpu.vector_load_idx %arg7[%get3A_200] : memref<100096xf32, #tpu.memory_space<vmem>>[vector<16xi32>], vector<16xf32>,
            %max3A_376 = arith.maximumf %gather3A_375, %get3A_256 : vector<16xf32>
            tpu.vector_store_idx %arg7[%get3A_200], %max3A_376 masked %while3A_374 : memref<100096xf32, #tpu.memory_space<vmem>>[vector<16xi32>], vector<16xf32>, vector<16xi1>
            %gather3A_377 = tpu.vector_load_idx %arg7[%get3A_200] : memref<100096xf32, #tpu.memory_space<vmem>>[vector<16xi32>], vector<16xf32>,
            %lt3A_378 = arith.cmpf olt, %gather3A_377, %get3A_256 : vector<16xf32>
            scf.yield %lt3A_378 : vector<16xi1>
          }
          %gather3A_359 = tpu.vector_load_idx %arg7[%get3A_207] : memref<100096xf32, #tpu.memory_space<vmem>>[vector<16xi32>], vector<16xf32>,
          %lt3A_360 = arith.cmpf olt, %gather3A_359, %get3A_263 : vector<16xf32>
          %while3A_361 = scf.while (%while3A_374 = %lt3A_360) : (vector<16xi1>) -> vector<16xi1> {
            %convert_element_type3A_375 = arith.extui %while3A_374 : vector<16xi1> to vector<16xi32>
            %reduce_max3A_376 = arith.constant true
            %reduce_max3A_377 = vector.broadcast %reduce_max3A_376 : i1 to vector<16xi1>
            %reduce_max3A_378 = arith.constant -2147483648 : i32
            %reduce_max3A_379 = vector.broadcast %reduce_max3A_378 : i32 to vector<16xi32>
            %reduce_max3A_380 = arith.xori %convert_element_type3A_375, %reduce_max3A_379 : vector<16xi32>
            %reduce_max3A_381 = tpu.scan <max>, %reduce_max3A_380 masked %reduce_max3A_377 : vector<16xi32>, vector<16xi1> -> vector<16xi32>
            %reduce_max3A_382 = arith.xori %reduce_max3A_381, %reduce_max3A_379 : vector<16xi32>
            %reduce_max3A_383 = vector.extract %reduce_max3A_382[15] : i32 from vector<16xi32>
            %gt3A_384 = arith.constant 0 : i32
            %gt3A_385 = arith.cmpi sgt, %reduce_max3A_383, %gt3A_384 : i32
            scf.condition(%gt3A_385) %while3A_374 : vector<16xi1>
          } do {
          ^bb0(%while3A_374: vector<16xi1>):
            %gather3A_375 = tpu.vector_load_idx %arg7[%get3A_207] : memref<100096xf32, #tpu.memory_space<vmem>>[vector<16xi32>], vector<16xf32>,
            %max3A_376 = arith.maximumf %gather3A_375, %get3A_263 : vector<16xf32>
            tpu.vector_store_idx %arg7[%get3A_207], %max3A_376 masked %while3A_374 : memref<100096xf32, #tpu.memory_space<vmem>>[vector<16xi32>], vector<16xf32>, vector<16xi1>
            %gather3A_377 = tpu.vector_load_idx %arg7[%get3A_207] : memref<100096xf32, #tpu.memory_space<vmem>>[vector<16xi32>], vector<16xf32>,
            %lt3A_378 = arith.cmpf olt, %gather3A_377, %get3A_263 : vector<16xf32>
            scf.yield %lt3A_378 : vector<16xi1>
          }
          %gather3A_362 = tpu.vector_load_idx %arg7[%get3A_214] : memref<100096xf32, #tpu.memory_space<vmem>>[vector<16xi32>], vector<16xf32>,
          %lt3A_363 = arith.cmpf olt, %gather3A_362, %get3A_270 : vector<16xf32>
          %while3A_364 = scf.while (%while3A_374 = %lt3A_363) : (vector<16xi1>) -> vector<16xi1> {
            %convert_element_type3A_375 = arith.extui %while3A_374 : vector<16xi1> to vector<16xi32>
            %reduce_max3A_376 = arith.constant true
            %reduce_max3A_377 = vector.broadcast %reduce_max3A_376 : i1 to vector<16xi1>
            %reduce_max3A_378 = arith.constant -2147483648 : i32
            %reduce_max3A_379 = vector.broadcast %reduce_max3A_378 : i32 to vector<16xi32>
            %reduce_max3A_380 = arith.xori %convert_element_type3A_375, %reduce_max3A_379 : vector<16xi32>
            %reduce_max3A_381 = tpu.scan <max>, %reduce_max3A_380 masked %reduce_max3A_377 : vector<16xi32>, vector<16xi1> -> vector<16xi32>
            %reduce_max3A_382 = arith.xori %reduce_max3A_381, %reduce_max3A_379 : vector<16xi32>
            %reduce_max3A_383 = vector.extract %reduce_max3A_382[15] : i32 from vector<16xi32>
            %gt3A_384 = arith.constant 0 : i32
            %gt3A_385 = arith.cmpi sgt, %reduce_max3A_383, %gt3A_384 : i32
            scf.condition(%gt3A_385) %while3A_374 : vector<16xi1>
          } do {
          ^bb0(%while3A_374: vector<16xi1>):
            %gather3A_375 = tpu.vector_load_idx %arg7[%get3A_214] : memref<100096xf32, #tpu.memory_space<vmem>>[vector<16xi32>], vector<16xf32>,
            %max3A_376 = arith.maximumf %gather3A_375, %get3A_270 : vector<16xf32>
            tpu.vector_store_idx %arg7[%get3A_214], %max3A_376 masked %while3A_374 : memref<100096xf32, #tpu.memory_space<vmem>>[vector<16xi32>], vector<16xf32>, vector<16xi1>
            %gather3A_377 = tpu.vector_load_idx %arg7[%get3A_214] : memref<100096xf32, #tpu.memory_space<vmem>>[vector<16xi32>], vector<16xf32>,
            %lt3A_378 = arith.cmpf olt, %gather3A_377, %get3A_270 : vector<16xf32>
            scf.yield %lt3A_378 : vector<16xi1>
          }
          %gather3A_365 = tpu.vector_load_idx %arg7[%get3A_221] : memref<100096xf32, #tpu.memory_space<vmem>>[vector<16xi32>], vector<16xf32>,
          %lt3A_366 = arith.cmpf olt, %gather3A_365, %get3A_277 : vector<16xf32>
          %while3A_367 = scf.while (%while3A_374 = %lt3A_366) : (vector<16xi1>) -> vector<16xi1> {
            %convert_element_type3A_375 = arith.extui %while3A_374 : vector<16xi1> to vector<16xi32>
            %reduce_max3A_376 = arith.constant true
            %reduce_max3A_377 = vector.broadcast %reduce_max3A_376 : i1 to vector<16xi1>
            %reduce_max3A_378 = arith.constant -2147483648 : i32
            %reduce_max3A_379 = vector.broadcast %reduce_max3A_378 : i32 to vector<16xi32>
            %reduce_max3A_380 = arith.xori %convert_element_type3A_375, %reduce_max3A_379 : vector<16xi32>
            %reduce_max3A_381 = tpu.scan <max>, %reduce_max3A_380 masked %reduce_max3A_377 : vector<16xi32>, vector<16xi1> -> vector<16xi32>
            %reduce_max3A_382 = arith.xori %reduce_max3A_381, %reduce_max3A_379 : vector<16xi32>
            %reduce_max3A_383 = vector.extract %reduce_max3A_382[15] : i32 from vector<16xi32>
            %gt3A_384 = arith.constant 0 : i32
            %gt3A_385 = arith.cmpi sgt, %reduce_max3A_383, %gt3A_384 : i32
            scf.condition(%gt3A_385) %while3A_374 : vector<16xi1>
          } do {
          ^bb0(%while3A_374: vector<16xi1>):
            %gather3A_375 = tpu.vector_load_idx %arg7[%get3A_221] : memref<100096xf32, #tpu.memory_space<vmem>>[vector<16xi32>], vector<16xf32>,
            %max3A_376 = arith.maximumf %gather3A_375, %get3A_277 : vector<16xf32>
            tpu.vector_store_idx %arg7[%get3A_221], %max3A_376 masked %while3A_374 : memref<100096xf32, #tpu.memory_space<vmem>>[vector<16xi32>], vector<16xf32>, vector<16xi1>
            %gather3A_377 = tpu.vector_load_idx %arg7[%get3A_221] : memref<100096xf32, #tpu.memory_space<vmem>>[vector<16xi32>], vector<16xf32>,
            %lt3A_378 = arith.cmpf olt, %gather3A_377, %get3A_277 : vector<16xf32>
            scf.yield %lt3A_378 : vector<16xi1>
          }
          %gather3A_368 = tpu.vector_load_idx %arg7[%get3A_228] : memref<100096xf32, #tpu.memory_space<vmem>>[vector<16xi32>], vector<16xf32>,
          %lt3A_369 = arith.cmpf olt, %gather3A_368, %get3A_284 : vector<16xf32>
          %while3A_370 = scf.while (%while3A_374 = %lt3A_369) : (vector<16xi1>) -> vector<16xi1> {
            %convert_element_type3A_375 = arith.extui %while3A_374 : vector<16xi1> to vector<16xi32>
            %reduce_max3A_376 = arith.constant true
            %reduce_max3A_377 = vector.broadcast %reduce_max3A_376 : i1 to vector<16xi1>
            %reduce_max3A_378 = arith.constant -2147483648 : i32
            %reduce_max3A_379 = vector.broadcast %reduce_max3A_378 : i32 to vector<16xi32>
            %reduce_max3A_380 = arith.xori %convert_element_type3A_375, %reduce_max3A_379 : vector<16xi32>
            %reduce_max3A_381 = tpu.scan <max>, %reduce_max3A_380 masked %reduce_max3A_377 : vector<16xi32>, vector<16xi1> -> vector<16xi32>
            %reduce_max3A_382 = arith.xori %reduce_max3A_381, %reduce_max3A_379 : vector<16xi32>
            %reduce_max3A_383 = vector.extract %reduce_max3A_382[15] : i32 from vector<16xi32>
            %gt3A_384 = arith.constant 0 : i32
            %gt3A_385 = arith.cmpi sgt, %reduce_max3A_383, %gt3A_384 : i32
            scf.condition(%gt3A_385) %while3A_374 : vector<16xi1>
          } do {
          ^bb0(%while3A_374: vector<16xi1>):
            %gather3A_375 = tpu.vector_load_idx %arg7[%get3A_228] : memref<100096xf32, #tpu.memory_space<vmem>>[vector<16xi32>], vector<16xf32>,
            %max3A_376 = arith.maximumf %gather3A_375, %get3A_284 : vector<16xf32>
            tpu.vector_store_idx %arg7[%get3A_228], %max3A_376 masked %while3A_374 : memref<100096xf32, #tpu.memory_space<vmem>>[vector<16xi32>], vector<16xf32>, vector<16xi1>
            %gather3A_377 = tpu.vector_load_idx %arg7[%get3A_228] : memref<100096xf32, #tpu.memory_space<vmem>>[vector<16xi32>], vector<16xf32>,
            %lt3A_378 = arith.cmpf olt, %gather3A_377, %get3A_284 : vector<16xf32>
            scf.yield %lt3A_378 : vector<16xi1>
          }
          %gather3A_371 = tpu.vector_load_idx %arg7[%get3A_235] : memref<100096xf32, #tpu.memory_space<vmem>>[vector<16xi32>], vector<16xf32>,
          %lt3A_372 = arith.cmpf olt, %gather3A_371, %get3A_291 : vector<16xf32>
          %while3A_373 = scf.while (%while3A_374 = %lt3A_372) : (vector<16xi1>) -> vector<16xi1> {
            %convert_element_type3A_375 = arith.extui %while3A_374 : vector<16xi1> to vector<16xi32>
            %reduce_max3A_376 = arith.constant true
            %reduce_max3A_377 = vector.broadcast %reduce_max3A_376 : i1 to vector<16xi1>
            %reduce_max3A_378 = arith.constant -2147483648 : i32
            %reduce_max3A_379 = vector.broadcast %reduce_max3A_378 : i32 to vector<16xi32>
            %reduce_max3A_380 = arith.xori %convert_element_type3A_375, %reduce_max3A_379 : vector<16xi32>
            %reduce_max3A_381 = tpu.scan <max>, %reduce_max3A_380 masked %reduce_max3A_377 : vector<16xi32>, vector<16xi1> -> vector<16xi32>
            %reduce_max3A_382 = arith.xori %reduce_max3A_381, %reduce_max3A_379 : vector<16xi32>
            %reduce_max3A_383 = vector.extract %reduce_max3A_382[15] : i32 from vector<16xi32>
            %gt3A_384 = arith.constant 0 : i32
            %gt3A_385 = arith.cmpi sgt, %reduce_max3A_383, %gt3A_384 : i32
            scf.condition(%gt3A_385) %while3A_374 : vector<16xi1>
          } do {
          ^bb0(%while3A_374: vector<16xi1>):
            %gather3A_375 = tpu.vector_load_idx %arg7[%get3A_235] : memref<100096xf32, #tpu.memory_space<vmem>>[vector<16xi32>], vector<16xf32>,
            %max3A_376 = arith.maximumf %gather3A_375, %get3A_291 : vector<16xf32>
            tpu.vector_store_idx %arg7[%get3A_235], %max3A_376 masked %while3A_374 : memref<100096xf32, #tpu.memory_space<vmem>>[vector<16xi32>], vector<16xf32>, vector<16xi1>
            %gather3A_377 = tpu.vector_load_idx %arg7[%get3A_235] : memref<100096xf32, #tpu.memory_space<vmem>>[vector<16xi32>], vector<16xf32>,
            %lt3A_378 = arith.cmpf olt, %gather3A_377, %get3A_291 : vector<16xf32>
            scf.yield %lt3A_378 : vector<16xi1>
          }
        } else {
        }
        %scan3A_349 = arith.constant 0 : i32
        scf.yield %scan3A_349 : i32
      }
      %scan3A_141 = arith.constant 8 : i32
      %scan3A_142 = arith.constant 0 : i32
      scf.yield %scan3A_142 : i32
    }
    %scan3A_50 = arith.constant 781 : i32
    %gt3A_51 = arith.constant 1562 : i32
    %gt3A_52 = arith.cmpi sgt, %select_n3A_33, %gt3A_51 : i32
    %convert_element_type3A_53 = arith.extui %gt3A_52 : i1 to i32
    %cond3A_54 = arith.constant 0 : i32
    %cond3A_55 = arith.cmpi ne, %convert_element_type3A_53, %cond3A_54 : i32
    scf.if %cond3A_55 {
      %add3A_86 = arith.constant 12496 : i32
      %add3A_87 = arith.addi %mul3A_4, %add3A_86 : i32
      "tpu.region"() ({
        %run_scoped3A = tpu.sem_alloc : memref<!tpu.dma_semaphore, #tpu.memory_space<semaphore_mem>>
        %dma_start3A_95 = arith.constant 0 : i32
        %dma_start3A_96 = tpu.memref_slice %arg2[%arg1, %add3A_87, %dma_start3A_95] : memref<16x25000x128xf32, #tpu.memory_space<hbm>> -> memref<1x8x128xf32, #tpu.memory_space<hbm>>
        %dma_start3A_97 = tpu.memref_squeeze %dma_start3A_96 : memref<1x8x128xf32, #tpu.memory_space<hbm>> -> memref<8x128xf32, #tpu.memory_space<hbm>>
        %dma_start3A_98 = arith.constant 0 : i32
        %dma_start3A_99 = tpu.memref_slice %arg2[%arg1, %add3A_87, %dma_start3A_98] : memref<16x25000x128xf32, #tpu.memory_space<hbm>> -> memref<1x8x128xf32, #tpu.memory_space<hbm>>
        %dma_start3A_100 = tpu.memref_squeeze %dma_start3A_99 : memref<1x8x128xf32, #tpu.memory_space<hbm>> -> memref<8x128xf32, #tpu.memory_space<hbm>>
        tpu.enqueue_dma source(%dma_start3A_100 : memref<8x128xf32, #tpu.memory_space<hbm>>) target(%arg8 : memref<8x128xf32, #tpu.memory_space<vmem>>) target_semaphore(%run_scoped3A : memref<!tpu.dma_semaphore, #tpu.memory_space<semaphore_mem>>)
        %dma_wait3A = arith.constant 0 : i32
        %dma_wait3A_101 = tpu.memref_slice %arg2[%arg1, %add3A_87, %dma_wait3A] : memref<16x25000x128xf32, #tpu.memory_space<hbm>> -> memref<1x8x128xf32, #tpu.memory_space<hbm>>
        %dma_wait3A_102 = tpu.memref_squeeze %dma_wait3A_101 : memref<1x8x128xf32, #tpu.memory_space<hbm>> -> memref<8x128xf32, #tpu.memory_space<hbm>>
        %dma_wait3A_103 = arith.constant 0 : i32
        %dma_wait3A_104 = tpu.memref_slice %arg2[%arg1, %add3A_87, %dma_wait3A_103] : memref<16x25000x128xf32, #tpu.memory_space<hbm>> -> memref<1x8x128xf32, #tpu.memory_space<hbm>>
        %dma_wait3A_105 = tpu.memref_squeeze %dma_wait3A_104 : memref<1x8x128xf32, #tpu.memory_space<hbm>> -> memref<8x128xf32, #tpu.memory_space<hbm>>
        tpu.wait_dma2 semaphore(%run_scoped3A : memref<!tpu.dma_semaphore, #tpu.memory_space<semaphore_mem>>) src(%dma_wait3A_105 : memref<8x128xf32, #tpu.memory_space<hbm>>) dst(%arg8 : memref<8x128xf32, #tpu.memory_space<vmem>>)
        tpu.yield
      }) : () -> ()
      "tpu.region"() ({
        %run_scoped3A = tpu.sem_alloc : memref<!tpu.dma_semaphore, #tpu.memory_space<semaphore_mem>>
        %dma_start3A_95 = arith.constant 0 : i32
        %dma_start3A_96 = tpu.memref_slice %arg3[%add3A_87, %dma_start3A_95] : memref<25000x128xi32, #tpu.memory_space<hbm>> -> memref<8x128xi32, #tpu.memory_space<hbm>>
        %dma_start3A_97 = arith.constant 0 : i32
        %dma_start3A_98 = tpu.memref_slice %arg3[%add3A_87, %dma_start3A_97] : memref<25000x128xi32, #tpu.memory_space<hbm>> -> memref<8x128xi32, #tpu.memory_space<hbm>>
        tpu.enqueue_dma source(%dma_start3A_98 : memref<8x128xi32, #tpu.memory_space<hbm>>) target(%arg9 : memref<8x128xi32, #tpu.memory_space<vmem>>) target_semaphore(%run_scoped3A : memref<!tpu.dma_semaphore, #tpu.memory_space<semaphore_mem>>)
        %dma_wait3A = arith.constant 0 : i32
        %dma_wait3A_99 = tpu.memref_slice %arg3[%add3A_87, %dma_wait3A] : memref<25000x128xi32, #tpu.memory_space<hbm>> -> memref<8x128xi32, #tpu.memory_space<hbm>>
        %dma_wait3A_100 = arith.constant 0 : i32
        %dma_wait3A_101 = tpu.memref_slice %arg3[%add3A_87, %dma_wait3A_100] : memref<25000x128xi32, #tpu.memory_space<hbm>> -> memref<8x128xi32, #tpu.memory_space<hbm>>
        tpu.wait_dma2 semaphore(%run_scoped3A : memref<!tpu.dma_semaphore, #tpu.memory_space<semaphore_mem>>) src(%dma_wait3A_101 : memref<8x128xi32, #tpu.memory_space<hbm>>) dst(%arg9 : memref<8x128xi32, #tpu.memory_space<vmem>>)
        tpu.yield
      }) : () -> ()
      %scan3A_88 = arith.constant 0 : i32
      %scan3A_89 = arith.constant 0 : i32
      %scan3A_90 = arith.constant 8 : i32
      %scan3A_91 = arith.addi %scan3A_89, %scan3A_90 : i32
      %scan3A_92 = arith.constant 1 : i32
      %scan3A_93 = scf.for %scan3A_95 = %scan3A_89 to %scan3A_91 step %scan3A_92 iter_args(%scan3A_96 = %scan3A_88) -> (i32)  : i32 {
        %jit3A_97 = arith.constant 2 : i32
        %div3A = arith.divsi %scan3A_95, %jit3A_97 : i32
        %sign3A = arith.constant 0 : i32
        %sign3A_98 = arith.cmpi sgt, %scan3A_95, %sign3A : i32
        %sign3A_99 = arith.extui %sign3A_98 : i1 to i32
        %sign3A_100 = arith.constant 0 : i32
        %sign3A_101 = arith.cmpi slt, %scan3A_95, %sign3A_100 : i32
        %sign3A_102 = arith.extui %sign3A_101 : i1 to i32
        %sign3A_103 = arith.subi %sign3A_99, %sign3A_102 : i32
        %sign3A_104 = arith.constant 0 : i32
        %sign3A_105 = arith.cmpi sgt, %jit3A_97, %sign3A_104 : i32
        %sign3A_106 = arith.extui %sign3A_105 : i1 to i32
        %sign3A_107 = arith.constant 0 : i32
        %sign3A_108 = arith.cmpi slt, %jit3A_97, %sign3A_107 : i32
        %sign3A_109 = arith.extui %sign3A_108 : i1 to i32
        %sign3A_110 = arith.subi %sign3A_106, %sign3A_109 : i32
        %ne3A = arith.cmpi ne, %sign3A_103, %sign3A_110 : i32
        %rem3A = arith.remsi %scan3A_95, %jit3A_97 : i32
        %ne3A_111 = arith.constant 0 : i32
        %ne3A_112 = arith.cmpi ne, %rem3A, %ne3A_111 : i32
        %and3A = arith.andi %ne3A, %ne3A_112 : i1
        %sub3A = arith.constant 1 : i32
        %sub3A_113 = arith.subi %div3A, %sub3A : i32
        %select_n3A_114 = arith.select %and3A, %sub3A_113, %div3A : i32
        %jit3A_115 = arith.constant 2 : i32
        %eq3A_116 = arith.constant 0 : i32
        %eq3A_117 = arith.cmpi eq, %jit3A_115, %eq3A_116 : i32
        %jit3A_118 = arith.constant 1 : i32
        %select_n3A_119 = arith.select %eq3A_117, %jit3A_118, %jit3A_115 : i32
        %rem3A_120 = arith.remsi %scan3A_95, %select_n3A_119 : i32
        %ne3A_121 = arith.constant 0 : i32
        %ne3A_122 = arith.cmpi ne, %rem3A_120, %ne3A_121 : i32
        %lt3A = arith.constant 0 : i32
        %lt3A_123 = arith.cmpi slt, %rem3A_120, %lt3A : i32
        %lt3A_124 = arith.constant 0 : i32
        %lt3A_125 = arith.cmpi slt, %select_n3A_119, %lt3A_124 : i32
        %ne3A_126 = arith.xori %lt3A_123, %lt3A_125 : i1
        %and3A_127 = arith.andi %ne3A_126, %ne3A_122 : i1
        %add3A_128 = arith.addi %rem3A_120, %select_n3A_119 : i32
        %select_n3A_129 = arith.select %and3A_127, %add3A_128, %rem3A_120 : i32
        %mul3A_130 = arith.constant 8 : i32
        %mul3A_131 = arith.muli %select_n3A_129, %mul3A_130 : i32
        %add3A_132 = arith.constant 0 : i32
        %add3A_133 = arith.addi %mul3A_131, %add3A_132 : i32
        %mul3A_134 = arith.constant 16 : i32
        %mul3A_135 = arith.muli %add3A_133, %mul3A_134 : i32
        %get3A = arith.index_cast %select_n3A_114 : i32 to index
        %get3A_136 = arith.index_cast %mul3A_135 : i32 to index
        %get3A_137 = tpu.vector_load %arg9[%get3A, %get3A_136] {strides = array<i32>} : memref<8x128xi32, #tpu.memory_space<vmem>>, vector<16xi32>,
        %add3A_138 = arith.constant 1 : i32
        %add3A_139 = arith.addi %mul3A_131, %add3A_138 : i32
        %mul3A_140 = arith.constant 16 : i32
        %mul3A_141 = arith.muli %add3A_139, %mul3A_140 : i32
        %get3A_142 = arith.index_cast %select_n3A_114 : i32 to index
        %get3A_143 = arith.index_cast %mul3A_141 : i32 to index
        %get3A_144 = tpu.vector_load %arg9[%get3A_142, %get3A_143] {strides = array<i32>} : memref<8x128xi32, #tpu.memory_space<vmem>>, vector<16xi32>,
        %add3A_145 = arith.constant 2 : i32
        %add3A_146 = arith.addi %mul3A_131, %add3A_145 : i32
        %mul3A_147 = arith.constant 16 : i32
        %mul3A_148 = arith.muli %add3A_146, %mul3A_147 : i32
        %get3A_149 = arith.index_cast %select_n3A_114 : i32 to index
        %get3A_150 = arith.index_cast %mul3A_148 : i32 to index
        %get3A_151 = tpu.vector_load %arg9[%get3A_149, %get3A_150] {strides = array<i32>} : memref<8x128xi32, #tpu.memory_space<vmem>>, vector<16xi32>,
        %add3A_152 = arith.constant 3 : i32
        %add3A_153 = arith.addi %mul3A_131, %add3A_152 : i32
        %mul3A_154 = arith.constant 16 : i32
        %mul3A_155 = arith.muli %add3A_153, %mul3A_154 : i32
        %get3A_156 = arith.index_cast %select_n3A_114 : i32 to index
        %get3A_157 = arith.index_cast %mul3A_155 : i32 to index
        %get3A_158 = tpu.vector_load %arg9[%get3A_156, %get3A_157] {strides = array<i32>} : memref<8x128xi32, #tpu.memory_space<vmem>>, vector<16xi32>,
        %add3A_159 = arith.constant 4 : i32
        %add3A_160 = arith.addi %mul3A_131, %add3A_159 : i32
        %mul3A_161 = arith.constant 16 : i32
        %mul3A_162 = arith.muli %add3A_160, %mul3A_161 : i32
        %get3A_163 = arith.index_cast %select_n3A_114 : i32 to index
        %get3A_164 = arith.index_cast %mul3A_162 : i32 to index
        %get3A_165 = tpu.vector_load %arg9[%get3A_163, %get3A_164] {strides = array<i32>} : memref<8x128xi32, #tpu.memory_space<vmem>>, vector<16xi32>,
        %add3A_166 = arith.constant 5 : i32
        %add3A_167 = arith.addi %mul3A_131, %add3A_166 : i32
        %mul3A_168 = arith.constant 16 : i32
        %mul3A_169 = arith.muli %add3A_167, %mul3A_168 : i32
        %get3A_170 = arith.index_cast %select_n3A_114 : i32 to index
        %get3A_171 = arith.index_cast %mul3A_169 : i32 to index
        %get3A_172 = tpu.vector_load %arg9[%get3A_170, %get3A_171] {strides = array<i32>} : memref<8x128xi32, #tpu.memory_space<vmem>>, vector<16xi32>,
        %add3A_173 = arith.constant 6 : i32
        %add3A_174 = arith.addi %mul3A_131, %add3A_173 : i32
        %mul3A_175 = arith.constant 16 : i32
        %mul3A_176 = arith.muli %add3A_174, %mul3A_175 : i32
        %get3A_177 = arith.index_cast %select_n3A_114 : i32 to index
        %get3A_178 = arith.index_cast %mul3A_176 : i32 to index
        %get3A_179 = tpu.vector_load %arg9[%get3A_177, %get3A_178] {strides = array<i32>} : memref<8x128xi32, #tpu.memory_space<vmem>>, vector<16xi32>,
        %add3A_180 = arith.constant 7 : i32
        %add3A_181 = arith.addi %mul3A_131, %add3A_180 : i32
        %mul3A_182 = arith.constant 16 : i32
        %mul3A_183 = arith.muli %add3A_181, %mul3A_182 : i32
        %get3A_184 = arith.index_cast %select_n3A_114 : i32 to index
        %get3A_185 = arith.index_cast %mul3A_183 : i32 to index
        %get3A_186 = tpu.vector_load %arg9[%get3A_184, %get3A_185] {strides = array<i32>} : memref<8x128xi32, #tpu.memory_space<vmem>>, vector<16xi32>,
        %add3A_187 = arith.constant 0 : i32
        %add3A_188 = arith.addi %mul3A_131, %add3A_187 : i32
        %mul3A_189 = arith.constant 16 : i32
        %mul3A_190 = arith.muli %add3A_188, %mul3A_189 : i32
        %get3A_191 = arith.index_cast %select_n3A_114 : i32 to index
        %get3A_192 = arith.index_cast %mul3A_190 : i32 to index
        %get3A_193 = tpu.vector_load %arg8[%get3A_191, %get3A_192] {strides = array<i32>} : memref<8x128xf32, #tpu.memory_space<vmem>>, vector<16xf32>,
        %add3A_194 = arith.constant 1 : i32
        %add3A_195 = arith.addi %mul3A_131, %add3A_194 : i32
        %mul3A_196 = arith.constant 16 : i32
        %mul3A_197 = arith.muli %add3A_195, %mul3A_196 : i32
        %get3A_198 = arith.index_cast %select_n3A_114 : i32 to index
        %get3A_199 = arith.index_cast %mul3A_197 : i32 to index
        %get3A_200 = tpu.vector_load %arg8[%get3A_198, %get3A_199] {strides = array<i32>} : memref<8x128xf32, #tpu.memory_space<vmem>>, vector<16xf32>,
        %add3A_201 = arith.constant 2 : i32
        %add3A_202 = arith.addi %mul3A_131, %add3A_201 : i32
        %mul3A_203 = arith.constant 16 : i32
        %mul3A_204 = arith.muli %add3A_202, %mul3A_203 : i32
        %get3A_205 = arith.index_cast %select_n3A_114 : i32 to index
        %get3A_206 = arith.index_cast %mul3A_204 : i32 to index
        %get3A_207 = tpu.vector_load %arg8[%get3A_205, %get3A_206] {strides = array<i32>} : memref<8x128xf32, #tpu.memory_space<vmem>>, vector<16xf32>,
        %add3A_208 = arith.constant 3 : i32
        %add3A_209 = arith.addi %mul3A_131, %add3A_208 : i32
        %mul3A_210 = arith.constant 16 : i32
        %mul3A_211 = arith.muli %add3A_209, %mul3A_210 : i32
        %get3A_212 = arith.index_cast %select_n3A_114 : i32 to index
        %get3A_213 = arith.index_cast %mul3A_211 : i32 to index
        %get3A_214 = tpu.vector_load %arg8[%get3A_212, %get3A_213] {strides = array<i32>} : memref<8x128xf32, #tpu.memory_space<vmem>>, vector<16xf32>,
        %add3A_215 = arith.constant 4 : i32
        %add3A_216 = arith.addi %mul3A_131, %add3A_215 : i32
        %mul3A_217 = arith.constant 16 : i32
        %mul3A_218 = arith.muli %add3A_216, %mul3A_217 : i32
        %get3A_219 = arith.index_cast %select_n3A_114 : i32 to index
        %get3A_220 = arith.index_cast %mul3A_218 : i32 to index
        %get3A_221 = tpu.vector_load %arg8[%get3A_219, %get3A_220] {strides = array<i32>} : memref<8x128xf32, #tpu.memory_space<vmem>>, vector<16xf32>,
        %add3A_222 = arith.constant 5 : i32
        %add3A_223 = arith.addi %mul3A_131, %add3A_222 : i32
        %mul3A_224 = arith.constant 16 : i32
        %mul3A_225 = arith.muli %add3A_223, %mul3A_224 : i32
        %get3A_226 = arith.index_cast %select_n3A_114 : i32 to index
        %get3A_227 = arith.index_cast %mul3A_225 : i32 to index
        %get3A_228 = tpu.vector_load %arg8[%get3A_226, %get3A_227] {strides = array<i32>} : memref<8x128xf32, #tpu.memory_space<vmem>>, vector<16xf32>,
        %add3A_229 = arith.constant 6 : i32
        %add3A_230 = arith.addi %mul3A_131, %add3A_229 : i32
        %mul3A_231 = arith.constant 16 : i32
        %mul3A_232 = arith.muli %add3A_230, %mul3A_231 : i32
        %get3A_233 = arith.index_cast %select_n3A_114 : i32 to index
        %get3A_234 = arith.index_cast %mul3A_232 : i32 to index
        %get3A_235 = tpu.vector_load %arg8[%get3A_233, %get3A_234] {strides = array<i32>} : memref<8x128xf32, #tpu.memory_space<vmem>>, vector<16xf32>,
        %add3A_236 = arith.constant 7 : i32
        %add3A_237 = arith.addi %mul3A_131, %add3A_236 : i32
        %mul3A_238 = arith.constant 16 : i32
        %mul3A_239 = arith.muli %add3A_237, %mul3A_238 : i32
        %get3A_240 = arith.index_cast %select_n3A_114 : i32 to index
        %get3A_241 = arith.index_cast %mul3A_239 : i32 to index
        %get3A_242 = tpu.vector_load %arg8[%get3A_240, %get3A_241] {strides = array<i32>} : memref<8x128xf32, #tpu.memory_space<vmem>>, vector<16xf32>,
        %gather3A = tpu.vector_load_idx %arg7[%get3A_137] : memref<100096xf32, #tpu.memory_space<vmem>>[vector<16xi32>], vector<16xf32>,
        %gather3A_243 = tpu.vector_load_idx %arg7[%get3A_144] : memref<100096xf32, #tpu.memory_space<vmem>>[vector<16xi32>], vector<16xf32>,
        %gather3A_244 = tpu.vector_load_idx %arg7[%get3A_151] : memref<100096xf32, #tpu.memory_space<vmem>>[vector<16xi32>], vector<16xf32>,
        %gather3A_245 = tpu.vector_load_idx %arg7[%get3A_158] : memref<100096xf32, #tpu.memory_space<vmem>>[vector<16xi32>], vector<16xf32>,
        %gather3A_246 = tpu.vector_load_idx %arg7[%get3A_165] : memref<100096xf32, #tpu.memory_space<vmem>>[vector<16xi32>], vector<16xf32>,
        %gather3A_247 = tpu.vector_load_idx %arg7[%get3A_172] : memref<100096xf32, #tpu.memory_space<vmem>>[vector<16xi32>], vector<16xf32>,
        %gather3A_248 = tpu.vector_load_idx %arg7[%get3A_179] : memref<100096xf32, #tpu.memory_space<vmem>>[vector<16xi32>], vector<16xf32>,
        %gather3A_249 = tpu.vector_load_idx %arg7[%get3A_186] : memref<100096xf32, #tpu.memory_space<vmem>>[vector<16xi32>], vector<16xf32>,
        %max3A = arith.maximumf %gather3A, %get3A_193 : vector<16xf32>
        tpu.vector_store_idx %arg7[%get3A_137], %max3A : memref<100096xf32, #tpu.memory_space<vmem>>[vector<16xi32>], vector<16xf32>,
        %max3A_250 = arith.maximumf %gather3A_243, %get3A_200 : vector<16xf32>
        tpu.vector_store_idx %arg7[%get3A_144], %max3A_250 : memref<100096xf32, #tpu.memory_space<vmem>>[vector<16xi32>], vector<16xf32>,
        %max3A_251 = arith.maximumf %gather3A_244, %get3A_207 : vector<16xf32>
        tpu.vector_store_idx %arg7[%get3A_151], %max3A_251 : memref<100096xf32, #tpu.memory_space<vmem>>[vector<16xi32>], vector<16xf32>,
        %max3A_252 = arith.maximumf %gather3A_245, %get3A_214 : vector<16xf32>
        tpu.vector_store_idx %arg7[%get3A_158], %max3A_252 : memref<100096xf32, #tpu.memory_space<vmem>>[vector<16xi32>], vector<16xf32>,
        %max3A_253 = arith.maximumf %gather3A_246, %get3A_221 : vector<16xf32>
        tpu.vector_store_idx %arg7[%get3A_165], %max3A_253 : memref<100096xf32, #tpu.memory_space<vmem>>[vector<16xi32>], vector<16xf32>,
        %max3A_254 = arith.maximumf %gather3A_247, %get3A_228 : vector<16xf32>
        tpu.vector_store_idx %arg7[%get3A_172], %max3A_254 : memref<100096xf32, #tpu.memory_space<vmem>>[vector<16xi32>], vector<16xf32>,
        %max3A_255 = arith.maximumf %gather3A_248, %get3A_235 : vector<16xf32>
        tpu.vector_store_idx %arg7[%get3A_179], %max3A_255 : memref<100096xf32, #tpu.memory_space<vmem>>[vector<16xi32>], vector<16xf32>,
        %max3A_256 = arith.maximumf %gather3A_249, %get3A_242 : vector<16xf32>
        tpu.vector_store_idx %arg7[%get3A_186], %max3A_256 : memref<100096xf32, #tpu.memory_space<vmem>>[vector<16xi32>], vector<16xf32>,
        %gather3A_257 = tpu.vector_load_idx %arg7[%get3A_137] : memref<100096xf32, #tpu.memory_space<vmem>>[vector<16xi32>], vector<16xf32>,
        %gather3A_258 = tpu.vector_load_idx %arg7[%get3A_144] : memref<100096xf32, #tpu.memory_space<vmem>>[vector<16xi32>], vector<16xf32>,
        %gather3A_259 = tpu.vector_load_idx %arg7[%get3A_151] : memref<100096xf32, #tpu.memory_space<vmem>>[vector<16xi32>], vector<16xf32>,
        %gather3A_260 = tpu.vector_load_idx %arg7[%get3A_158] : memref<100096xf32, #tpu.memory_space<vmem>>[vector<16xi32>], vector<16xf32>,
        %gather3A_261 = tpu.vector_load_idx %arg7[%get3A_165] : memref<100096xf32, #tpu.memory_space<vmem>>[vector<16xi32>], vector<16xf32>,
        %gather3A_262 = tpu.vector_load_idx %arg7[%get3A_172] : memref<100096xf32, #tpu.memory_space<vmem>>[vector<16xi32>], vector<16xf32>,
        %gather3A_263 = tpu.vector_load_idx %arg7[%get3A_179] : memref<100096xf32, #tpu.memory_space<vmem>>[vector<16xi32>], vector<16xf32>,
        %gather3A_264 = tpu.vector_load_idx %arg7[%get3A_186] : memref<100096xf32, #tpu.memory_space<vmem>>[vector<16xi32>], vector<16xf32>,
        %lt3A_265 = arith.cmpf olt, %gather3A_257, %get3A_193 : vector<16xf32>
        %convert_element_type3A_266 = arith.extui %lt3A_265 : vector<16xi1> to vector<16xi32>
        %lt3A_267 = arith.cmpf olt, %gather3A_258, %get3A_200 : vector<16xf32>
        %convert_element_type3A_268 = arith.extui %lt3A_267 : vector<16xi1> to vector<16xi32>
        %max3A_269 = arith.maxsi %convert_element_type3A_266, %convert_element_type3A_268 : vector<16xi32>
        %lt3A_270 = arith.cmpf olt, %gather3A_259, %get3A_207 : vector<16xf32>
        %convert_element_type3A_271 = arith.extui %lt3A_270 : vector<16xi1> to vector<16xi32>
        %max3A_272 = arith.maxsi %max3A_269, %convert_element_type3A_271 : vector<16xi32>
        %lt3A_273 = arith.cmpf olt, %gather3A_260, %get3A_214 : vector<16xf32>
        %convert_element_type3A_274 = arith.extui %lt3A_273 : vector<16xi1> to vector<16xi32>
        %max3A_275 = arith.maxsi %max3A_272, %convert_element_type3A_274 : vector<16xi32>
        %lt3A_276 = arith.cmpf olt, %gather3A_261, %get3A_221 : vector<16xf32>
        %convert_element_type3A_277 = arith.extui %lt3A_276 : vector<16xi1> to vector<16xi32>
        %max3A_278 = arith.maxsi %max3A_275, %convert_element_type3A_277 : vector<16xi32>
        %lt3A_279 = arith.cmpf olt, %gather3A_262, %get3A_228 : vector<16xf32>
        %convert_element_type3A_280 = arith.extui %lt3A_279 : vector<16xi1> to vector<16xi32>
        %max3A_281 = arith.maxsi %max3A_278, %convert_element_type3A_280 : vector<16xi32>
        %lt3A_282 = arith.cmpf olt, %gather3A_263, %get3A_235 : vector<16xf32>
        %convert_element_type3A_283 = arith.extui %lt3A_282 : vector<16xi1> to vector<16xi32>
        %max3A_284 = arith.maxsi %max3A_281, %convert_element_type3A_283 : vector<16xi32>
        %lt3A_285 = arith.cmpf olt, %gather3A_264, %get3A_242 : vector<16xf32>
        %convert_element_type3A_286 = arith.extui %lt3A_285 : vector<16xi1> to vector<16xi32>
        %max3A_287 = arith.maxsi %max3A_284, %convert_element_type3A_286 : vector<16xi32>
        %reduce_max3A = arith.constant true
        %reduce_max3A_288 = vector.broadcast %reduce_max3A : i1 to vector<16xi1>
        %reduce_max3A_289 = arith.constant -2147483648 : i32
        %reduce_max3A_290 = vector.broadcast %reduce_max3A_289 : i32 to vector<16xi32>
        %reduce_max3A_291 = arith.xori %max3A_287, %reduce_max3A_290 : vector<16xi32>
        %reduce_max3A_292 = tpu.scan <max>, %reduce_max3A_291 masked %reduce_max3A_288 : vector<16xi32>, vector<16xi1> -> vector<16xi32>
        %reduce_max3A_293 = arith.xori %reduce_max3A_292, %reduce_max3A_290 : vector<16xi32>
        %reduce_max3A_294 = vector.extract %reduce_max3A_293[15] : i32 from vector<16xi32>
        %gt3A_295 = arith.constant 0 : i32
        %gt3A_296 = arith.cmpi sgt, %reduce_max3A_294, %gt3A_295 : i32
        %convert_element_type3A_297 = arith.extui %gt3A_296 : i1 to i32
        %cond3A_298 = arith.constant 0 : i32
        %cond3A_299 = arith.cmpi ne, %convert_element_type3A_297, %cond3A_298 : i32
        scf.if %cond3A_299 {
          %gather3A_301 = tpu.vector_load_idx %arg7[%get3A_137] : memref<100096xf32, #tpu.memory_space<vmem>>[vector<16xi32>], vector<16xf32>,
          %lt3A_302 = arith.cmpf olt, %gather3A_301, %get3A_193 : vector<16xf32>
          %while3A_303 = scf.while (%while3A_325 = %lt3A_302) : (vector<16xi1>) -> vector<16xi1> {
            %convert_element_type3A_326 = arith.extui %while3A_325 : vector<16xi1> to vector<16xi32>
            %reduce_max3A_327 = arith.constant true
            %reduce_max3A_328 = vector.broadcast %reduce_max3A_327 : i1 to vector<16xi1>
            %reduce_max3A_329 = arith.constant -2147483648 : i32
            %reduce_max3A_330 = vector.broadcast %reduce_max3A_329 : i32 to vector<16xi32>
            %reduce_max3A_331 = arith.xori %convert_element_type3A_326, %reduce_max3A_330 : vector<16xi32>
            %reduce_max3A_332 = tpu.scan <max>, %reduce_max3A_331 masked %reduce_max3A_328 : vector<16xi32>, vector<16xi1> -> vector<16xi32>
            %reduce_max3A_333 = arith.xori %reduce_max3A_332, %reduce_max3A_330 : vector<16xi32>
            %reduce_max3A_334 = vector.extract %reduce_max3A_333[15] : i32 from vector<16xi32>
            %gt3A_335 = arith.constant 0 : i32
            %gt3A_336 = arith.cmpi sgt, %reduce_max3A_334, %gt3A_335 : i32
            scf.condition(%gt3A_336) %while3A_325 : vector<16xi1>
          } do {
          ^bb0(%while3A_325: vector<16xi1>):
            %gather3A_326 = tpu.vector_load_idx %arg7[%get3A_137] : memref<100096xf32, #tpu.memory_space<vmem>>[vector<16xi32>], vector<16xf32>,
            %max3A_327 = arith.maximumf %gather3A_326, %get3A_193 : vector<16xf32>
            tpu.vector_store_idx %arg7[%get3A_137], %max3A_327 masked %while3A_325 : memref<100096xf32, #tpu.memory_space<vmem>>[vector<16xi32>], vector<16xf32>, vector<16xi1>
            %gather3A_328 = tpu.vector_load_idx %arg7[%get3A_137] : memref<100096xf32, #tpu.memory_space<vmem>>[vector<16xi32>], vector<16xf32>,
            %lt3A_329 = arith.cmpf olt, %gather3A_328, %get3A_193 : vector<16xf32>
            scf.yield %lt3A_329 : vector<16xi1>
          }
          %gather3A_304 = tpu.vector_load_idx %arg7[%get3A_144] : memref<100096xf32, #tpu.memory_space<vmem>>[vector<16xi32>], vector<16xf32>,
          %lt3A_305 = arith.cmpf olt, %gather3A_304, %get3A_200 : vector<16xf32>
          %while3A_306 = scf.while (%while3A_325 = %lt3A_305) : (vector<16xi1>) -> vector<16xi1> {
            %convert_element_type3A_326 = arith.extui %while3A_325 : vector<16xi1> to vector<16xi32>
            %reduce_max3A_327 = arith.constant true
            %reduce_max3A_328 = vector.broadcast %reduce_max3A_327 : i1 to vector<16xi1>
            %reduce_max3A_329 = arith.constant -2147483648 : i32
            %reduce_max3A_330 = vector.broadcast %reduce_max3A_329 : i32 to vector<16xi32>
            %reduce_max3A_331 = arith.xori %convert_element_type3A_326, %reduce_max3A_330 : vector<16xi32>
            %reduce_max3A_332 = tpu.scan <max>, %reduce_max3A_331 masked %reduce_max3A_328 : vector<16xi32>, vector<16xi1> -> vector<16xi32>
            %reduce_max3A_333 = arith.xori %reduce_max3A_332, %reduce_max3A_330 : vector<16xi32>
            %reduce_max3A_334 = vector.extract %reduce_max3A_333[15] : i32 from vector<16xi32>
            %gt3A_335 = arith.constant 0 : i32
            %gt3A_336 = arith.cmpi sgt, %reduce_max3A_334, %gt3A_335 : i32
            scf.condition(%gt3A_336) %while3A_325 : vector<16xi1>
          } do {
          ^bb0(%while3A_325: vector<16xi1>):
            %gather3A_326 = tpu.vector_load_idx %arg7[%get3A_144] : memref<100096xf32, #tpu.memory_space<vmem>>[vector<16xi32>], vector<16xf32>,
            %max3A_327 = arith.maximumf %gather3A_326, %get3A_200 : vector<16xf32>
            tpu.vector_store_idx %arg7[%get3A_144], %max3A_327 masked %while3A_325 : memref<100096xf32, #tpu.memory_space<vmem>>[vector<16xi32>], vector<16xf32>, vector<16xi1>
            %gather3A_328 = tpu.vector_load_idx %arg7[%get3A_144] : memref<100096xf32, #tpu.memory_space<vmem>>[vector<16xi32>], vector<16xf32>,
            %lt3A_329 = arith.cmpf olt, %gather3A_328, %get3A_200 : vector<16xf32>
            scf.yield %lt3A_329 : vector<16xi1>
          }
          %gather3A_307 = tpu.vector_load_idx %arg7[%get3A_151] : memref<100096xf32, #tpu.memory_space<vmem>>[vector<16xi32>], vector<16xf32>,
          %lt3A_308 = arith.cmpf olt, %gather3A_307, %get3A_207 : vector<16xf32>
          %while3A_309 = scf.while (%while3A_325 = %lt3A_308) : (vector<16xi1>) -> vector<16xi1> {
            %convert_element_type3A_326 = arith.extui %while3A_325 : vector<16xi1> to vector<16xi32>
            %reduce_max3A_327 = arith.constant true
            %reduce_max3A_328 = vector.broadcast %reduce_max3A_327 : i1 to vector<16xi1>
            %reduce_max3A_329 = arith.constant -2147483648 : i32
            %reduce_max3A_330 = vector.broadcast %reduce_max3A_329 : i32 to vector<16xi32>
            %reduce_max3A_331 = arith.xori %convert_element_type3A_326, %reduce_max3A_330 : vector<16xi32>
            %reduce_max3A_332 = tpu.scan <max>, %reduce_max3A_331 masked %reduce_max3A_328 : vector<16xi32>, vector<16xi1> -> vector<16xi32>
            %reduce_max3A_333 = arith.xori %reduce_max3A_332, %reduce_max3A_330 : vector<16xi32>
            %reduce_max3A_334 = vector.extract %reduce_max3A_333[15] : i32 from vector<16xi32>
            %gt3A_335 = arith.constant 0 : i32
            %gt3A_336 = arith.cmpi sgt, %reduce_max3A_334, %gt3A_335 : i32
            scf.condition(%gt3A_336) %while3A_325 : vector<16xi1>
          } do {
          ^bb0(%while3A_325: vector<16xi1>):
            %gather3A_326 = tpu.vector_load_idx %arg7[%get3A_151] : memref<100096xf32, #tpu.memory_space<vmem>>[vector<16xi32>], vector<16xf32>,
            %max3A_327 = arith.maximumf %gather3A_326, %get3A_207 : vector<16xf32>
            tpu.vector_store_idx %arg7[%get3A_151], %max3A_327 masked %while3A_325 : memref<100096xf32, #tpu.memory_space<vmem>>[vector<16xi32>], vector<16xf32>, vector<16xi1>
            %gather3A_328 = tpu.vector_load_idx %arg7[%get3A_151] : memref<100096xf32, #tpu.memory_space<vmem>>[vector<16xi32>], vector<16xf32>,
            %lt3A_329 = arith.cmpf olt, %gather3A_328, %get3A_207 : vector<16xf32>
            scf.yield %lt3A_329 : vector<16xi1>
          }
          %gather3A_310 = tpu.vector_load_idx %arg7[%get3A_158] : memref<100096xf32, #tpu.memory_space<vmem>>[vector<16xi32>], vector<16xf32>,
          %lt3A_311 = arith.cmpf olt, %gather3A_310, %get3A_214 : vector<16xf32>
          %while3A_312 = scf.while (%while3A_325 = %lt3A_311) : (vector<16xi1>) -> vector<16xi1> {
            %convert_element_type3A_326 = arith.extui %while3A_325 : vector<16xi1> to vector<16xi32>
            %reduce_max3A_327 = arith.constant true
            %reduce_max3A_328 = vector.broadcast %reduce_max3A_327 : i1 to vector<16xi1>
            %reduce_max3A_329 = arith.constant -2147483648 : i32
            %reduce_max3A_330 = vector.broadcast %reduce_max3A_329 : i32 to vector<16xi32>
            %reduce_max3A_331 = arith.xori %convert_element_type3A_326, %reduce_max3A_330 : vector<16xi32>
            %reduce_max3A_332 = tpu.scan <max>, %reduce_max3A_331 masked %reduce_max3A_328 : vector<16xi32>, vector<16xi1> -> vector<16xi32>
            %reduce_max3A_333 = arith.xori %reduce_max3A_332, %reduce_max3A_330 : vector<16xi32>
            %reduce_max3A_334 = vector.extract %reduce_max3A_333[15] : i32 from vector<16xi32>
            %gt3A_335 = arith.constant 0 : i32
            %gt3A_336 = arith.cmpi sgt, %reduce_max3A_334, %gt3A_335 : i32
            scf.condition(%gt3A_336) %while3A_325 : vector<16xi1>
          } do {
          ^bb0(%while3A_325: vector<16xi1>):
            %gather3A_326 = tpu.vector_load_idx %arg7[%get3A_158] : memref<100096xf32, #tpu.memory_space<vmem>>[vector<16xi32>], vector<16xf32>,
            %max3A_327 = arith.maximumf %gather3A_326, %get3A_214 : vector<16xf32>
            tpu.vector_store_idx %arg7[%get3A_158], %max3A_327 masked %while3A_325 : memref<100096xf32, #tpu.memory_space<vmem>>[vector<16xi32>], vector<16xf32>, vector<16xi1>
            %gather3A_328 = tpu.vector_load_idx %arg7[%get3A_158] : memref<100096xf32, #tpu.memory_space<vmem>>[vector<16xi32>], vector<16xf32>,
            %lt3A_329 = arith.cmpf olt, %gather3A_328, %get3A_214 : vector<16xf32>
            scf.yield %lt3A_329 : vector<16xi1>
          }
          %gather3A_313 = tpu.vector_load_idx %arg7[%get3A_165] : memref<100096xf32, #tpu.memory_space<vmem>>[vector<16xi32>], vector<16xf32>,
          %lt3A_314 = arith.cmpf olt, %gather3A_313, %get3A_221 : vector<16xf32>
          %while3A_315 = scf.while (%while3A_325 = %lt3A_314) : (vector<16xi1>) -> vector<16xi1> {
            %convert_element_type3A_326 = arith.extui %while3A_325 : vector<16xi1> to vector<16xi32>
            %reduce_max3A_327 = arith.constant true
            %reduce_max3A_328 = vector.broadcast %reduce_max3A_327 : i1 to vector<16xi1>
            %reduce_max3A_329 = arith.constant -2147483648 : i32
            %reduce_max3A_330 = vector.broadcast %reduce_max3A_329 : i32 to vector<16xi32>
            %reduce_max3A_331 = arith.xori %convert_element_type3A_326, %reduce_max3A_330 : vector<16xi32>
            %reduce_max3A_332 = tpu.scan <max>, %reduce_max3A_331 masked %reduce_max3A_328 : vector<16xi32>, vector<16xi1> -> vector<16xi32>
            %reduce_max3A_333 = arith.xori %reduce_max3A_332, %reduce_max3A_330 : vector<16xi32>
            %reduce_max3A_334 = vector.extract %reduce_max3A_333[15] : i32 from vector<16xi32>
            %gt3A_335 = arith.constant 0 : i32
            %gt3A_336 = arith.cmpi sgt, %reduce_max3A_334, %gt3A_335 : i32
            scf.condition(%gt3A_336) %while3A_325 : vector<16xi1>
          } do {
          ^bb0(%while3A_325: vector<16xi1>):
            %gather3A_326 = tpu.vector_load_idx %arg7[%get3A_165] : memref<100096xf32, #tpu.memory_space<vmem>>[vector<16xi32>], vector<16xf32>,
            %max3A_327 = arith.maximumf %gather3A_326, %get3A_221 : vector<16xf32>
            tpu.vector_store_idx %arg7[%get3A_165], %max3A_327 masked %while3A_325 : memref<100096xf32, #tpu.memory_space<vmem>>[vector<16xi32>], vector<16xf32>, vector<16xi1>
            %gather3A_328 = tpu.vector_load_idx %arg7[%get3A_165] : memref<100096xf32, #tpu.memory_space<vmem>>[vector<16xi32>], vector<16xf32>,
            %lt3A_329 = arith.cmpf olt, %gather3A_328, %get3A_221 : vector<16xf32>
            scf.yield %lt3A_329 : vector<16xi1>
          }
          %gather3A_316 = tpu.vector_load_idx %arg7[%get3A_172] : memref<100096xf32, #tpu.memory_space<vmem>>[vector<16xi32>], vector<16xf32>,
          %lt3A_317 = arith.cmpf olt, %gather3A_316, %get3A_228 : vector<16xf32>
          %while3A_318 = scf.while (%while3A_325 = %lt3A_317) : (vector<16xi1>) -> vector<16xi1> {
            %convert_element_type3A_326 = arith.extui %while3A_325 : vector<16xi1> to vector<16xi32>
            %reduce_max3A_327 = arith.constant true
            %reduce_max3A_328 = vector.broadcast %reduce_max3A_327 : i1 to vector<16xi1>
            %reduce_max3A_329 = arith.constant -2147483648 : i32
            %reduce_max3A_330 = vector.broadcast %reduce_max3A_329 : i32 to vector<16xi32>
            %reduce_max3A_331 = arith.xori %convert_element_type3A_326, %reduce_max3A_330 : vector<16xi32>
            %reduce_max3A_332 = tpu.scan <max>, %reduce_max3A_331 masked %reduce_max3A_328 : vector<16xi32>, vector<16xi1> -> vector<16xi32>
            %reduce_max3A_333 = arith.xori %reduce_max3A_332, %reduce_max3A_330 : vector<16xi32>
            %reduce_max3A_334 = vector.extract %reduce_max3A_333[15] : i32 from vector<16xi32>
            %gt3A_335 = arith.constant 0 : i32
            %gt3A_336 = arith.cmpi sgt, %reduce_max3A_334, %gt3A_335 : i32
            scf.condition(%gt3A_336) %while3A_325 : vector<16xi1>
          } do {
          ^bb0(%while3A_325: vector<16xi1>):
            %gather3A_326 = tpu.vector_load_idx %arg7[%get3A_172] : memref<100096xf32, #tpu.memory_space<vmem>>[vector<16xi32>], vector<16xf32>,
            %max3A_327 = arith.maximumf %gather3A_326, %get3A_228 : vector<16xf32>
            tpu.vector_store_idx %arg7[%get3A_172], %max3A_327 masked %while3A_325 : memref<100096xf32, #tpu.memory_space<vmem>>[vector<16xi32>], vector<16xf32>, vector<16xi1>
            %gather3A_328 = tpu.vector_load_idx %arg7[%get3A_172] : memref<100096xf32, #tpu.memory_space<vmem>>[vector<16xi32>], vector<16xf32>,
            %lt3A_329 = arith.cmpf olt, %gather3A_328, %get3A_228 : vector<16xf32>
            scf.yield %lt3A_329 : vector<16xi1>
          }
          %gather3A_319 = tpu.vector_load_idx %arg7[%get3A_179] : memref<100096xf32, #tpu.memory_space<vmem>>[vector<16xi32>], vector<16xf32>,
          %lt3A_320 = arith.cmpf olt, %gather3A_319, %get3A_235 : vector<16xf32>
          %while3A_321 = scf.while (%while3A_325 = %lt3A_320) : (vector<16xi1>) -> vector<16xi1> {
            %convert_element_type3A_326 = arith.extui %while3A_325 : vector<16xi1> to vector<16xi32>
            %reduce_max3A_327 = arith.constant true
            %reduce_max3A_328 = vector.broadcast %reduce_max3A_327 : i1 to vector<16xi1>
            %reduce_max3A_329 = arith.constant -2147483648 : i32
            %reduce_max3A_330 = vector.broadcast %reduce_max3A_329 : i32 to vector<16xi32>
            %reduce_max3A_331 = arith.xori %convert_element_type3A_326, %reduce_max3A_330 : vector<16xi32>
            %reduce_max3A_332 = tpu.scan <max>, %reduce_max3A_331 masked %reduce_max3A_328 : vector<16xi32>, vector<16xi1> -> vector<16xi32>
            %reduce_max3A_333 = arith.xori %reduce_max3A_332, %reduce_max3A_330 : vector<16xi32>
            %reduce_max3A_334 = vector.extract %reduce_max3A_333[15] : i32 from vector<16xi32>
            %gt3A_335 = arith.constant 0 : i32
            %gt3A_336 = arith.cmpi sgt, %reduce_max3A_334, %gt3A_335 : i32
            scf.condition(%gt3A_336) %while3A_325 : vector<16xi1>
          } do {
          ^bb0(%while3A_325: vector<16xi1>):
            %gather3A_326 = tpu.vector_load_idx %arg7[%get3A_179] : memref<100096xf32, #tpu.memory_space<vmem>>[vector<16xi32>], vector<16xf32>,
            %max3A_327 = arith.maximumf %gather3A_326, %get3A_235 : vector<16xf32>
            tpu.vector_store_idx %arg7[%get3A_179], %max3A_327 masked %while3A_325 : memref<100096xf32, #tpu.memory_space<vmem>>[vector<16xi32>], vector<16xf32>, vector<16xi1>
            %gather3A_328 = tpu.vector_load_idx %arg7[%get3A_179] : memref<100096xf32, #tpu.memory_space<vmem>>[vector<16xi32>], vector<16xf32>,
            %lt3A_329 = arith.cmpf olt, %gather3A_328, %get3A_235 : vector<16xf32>
            scf.yield %lt3A_329 : vector<16xi1>
          }
          %gather3A_322 = tpu.vector_load_idx %arg7[%get3A_186] : memref<100096xf32, #tpu.memory_space<vmem>>[vector<16xi32>], vector<16xf32>,
          %lt3A_323 = arith.cmpf olt, %gather3A_322, %get3A_242 : vector<16xf32>
          %while3A_324 = scf.while (%while3A_325 = %lt3A_323) : (vector<16xi1>) -> vector<16xi1> {
            %convert_element_type3A_326 = arith.extui %while3A_325 : vector<16xi1> to vector<16xi32>
            %reduce_max3A_327 = arith.constant true
            %reduce_max3A_328 = vector.broadcast %reduce_max3A_327 : i1 to vector<16xi1>
            %reduce_max3A_329 = arith.constant -2147483648 : i32
            %reduce_max3A_330 = vector.broadcast %reduce_max3A_329 : i32 to vector<16xi32>
            %reduce_max3A_331 = arith.xori %convert_element_type3A_326, %reduce_max3A_330 : vector<16xi32>
            %reduce_max3A_332 = tpu.scan <max>, %reduce_max3A_331 masked %reduce_max3A_328 : vector<16xi32>, vector<16xi1> -> vector<16xi32>
            %reduce_max3A_333 = arith.xori %reduce_max3A_332, %reduce_max3A_330 : vector<16xi32>
            %reduce_max3A_334 = vector.extract %reduce_max3A_333[15] : i32 from vector<16xi32>
            %gt3A_335 = arith.constant 0 : i32
            %gt3A_336 = arith.cmpi sgt, %reduce_max3A_334, %gt3A_335 : i32
            scf.condition(%gt3A_336) %while3A_325 : vector<16xi1>
          } do {
          ^bb0(%while3A_325: vector<16xi1>):
            %gather3A_326 = tpu.vector_load_idx %arg7[%get3A_186] : memref<100096xf32, #tpu.memory_space<vmem>>[vector<16xi32>], vector<16xf32>,
            %max3A_327 = arith.maximumf %gather3A_326, %get3A_242 : vector<16xf32>
            tpu.vector_store_idx %arg7[%get3A_186], %max3A_327 masked %while3A_325 : memref<100096xf32, #tpu.memory_space<vmem>>[vector<16xi32>], vector<16xf32>, vector<16xi1>
            %gather3A_328 = tpu.vector_load_idx %arg7[%get3A_186] : memref<100096xf32, #tpu.memory_space<vmem>>[vector<16xi32>], vector<16xf32>,
            %lt3A_329 = arith.cmpf olt, %gather3A_328, %get3A_242 : vector<16xf32>
            scf.yield %lt3A_329 : vector<16xi1>
          }
        } else {
        }
        %scan3A_300 = arith.constant 0 : i32
        scf.yield %scan3A_300 : i32
      }
      %scan3A_94 = arith.constant 8 : i32
    } else {
    }
    "tpu.region"() ({
      %run_scoped3A = tpu.sem_alloc : memref<!tpu.dma_semaphore, #tpu.memory_space<semaphore_mem>>
      %dma_start3A_86 = tpu.memref_slice %arg5[%mul3A_2] : memref<3203072xf32, #tpu.memory_space<hbm>> -> memref<100096xf32, #tpu.memory_space<hbm>>
      %dma_start3A_87 = tpu.memref_slice %arg5[%mul3A_2] : memref<3203072xf32, #tpu.memory_space<hbm>> -> memref<100096xf32, #tpu.memory_space<hbm>>
      tpu.enqueue_dma source(%arg7 : memref<100096xf32, #tpu.memory_space<vmem>>) target(%dma_start3A_87 : memref<100096xf32, #tpu.memory_space<hbm>>) target_semaphore(%run_scoped3A : memref<!tpu.dma_semaphore, #tpu.memory_space<semaphore_mem>>)
      %dma_wait3A = tpu.memref_slice %arg5[%mul3A_2] : memref<3203072xf32, #tpu.memory_space<hbm>> -> memref<100096xf32, #tpu.memory_space<hbm>>
      %dma_wait3A_88 = tpu.memref_slice %arg5[%mul3A_2] : memref<3203072xf32, #tpu.memory_space<hbm>> -> memref<100096xf32, #tpu.memory_space<hbm>>
      tpu.wait_dma2 semaphore(%run_scoped3A : memref<!tpu.dma_semaphore, #tpu.memory_space<semaphore_mem>>) src(%arg7 : memref<100096xf32, #tpu.memory_space<vmem>>) dst(%dma_wait3A_88 : memref<100096xf32, #tpu.memory_space<hbm>>)
      tpu.yield
    }) : () -> ()
    %parallel_loop3A_56 = arith.constant 0 : i32
    %parallel_loop3A_57 = arith.constant 6256 : i32
    %parallel_loop3A_58 = arith.constant 1 : i32
    scf.for %parallel_loop3A_86 = %parallel_loop3A_56 to %parallel_loop3A_57 step %parallel_loop3A_58  : i32 {
      %parallel_loop3A_87 = arith.constant 0.000000e+00 : f32
      %parallel_loop3A_88 = vector.broadcast %parallel_loop3A_87 : f32 to vector<16xf32>
      %parallel_loop3A_89 = arith.constant 16 : i32
      %parallel_loop3A_90 = arith.muli %parallel_loop3A_86, %parallel_loop3A_89 : i32
      %parallel_loop3A_91 = arith.index_cast %parallel_loop3A_90 : i32 to index
      %parallel_loop3A_92 = tpu.vector_load %arg7[%parallel_loop3A_91] {strides = array<i32>} : memref<100096xf32, #tpu.memory_space<vmem>>, vector<16xf32>,
      tpu.vector_store %arg7[%parallel_loop3A_91], %parallel_loop3A_88 {strides = array<i32>} : memref<100096xf32, #tpu.memory_space<vmem>>, vector<16xf32>,
    } {sc.loop_unroll_factor = 8 : i64, sc.parallel_access}
    %mul3A_59 = arith.constant 784 : i32
    %mul3A_60 = arith.muli %add3A, %mul3A_59 : i32
    %eq3A_61 = arith.constant 31 : i32
    %eq3A_62 = arith.cmpi eq, %add3A, %eq3A_61 : i32
    %jit3A_63 = arith.constant 43 : i32
    %jit3A_64 = arith.constant 49 : i32
    %select_n3A_65 = arith.select %eq3A_62, %jit3A_63, %jit3A_64 : i32
    %dma_start3A_66 = arith.constant 0 : i32
    %dma_start3A_67 = tpu.memref_slice %arg3[%mul3A_60, %dma_start3A_66] : memref<25000x128xi32, #tpu.memory_space<hbm>> -> memref<8x128xi32, #tpu.memory_space<hbm>>
    %dma_start3A_68 = arith.constant 0 : i32
    %dma_start3A_69 = tpu.memref_slice %arg3[%mul3A_60, %dma_start3A_68] : memref<25000x128xi32, #tpu.memory_space<hbm>> -> memref<8x128xi32, #tpu.memory_space<hbm>>
    tpu.enqueue_dma source(%dma_start3A_69 : memref<8x128xi32, #tpu.memory_space<hbm>>) target(%arg9 : memref<8x128xi32, #tpu.memory_space<vmem>>) target_semaphore(%arg12 : memref<!tpu.dma_semaphore, #tpu.memory_space<semaphore_mem>>)
    %while3A = arith.constant 0 : i32
    %while3A_70 = arith.constant 0 : i32
    %while3A_71 = arith.subi %select_n3A_65, %while3A : i32
    %while3A_72 = arith.addi %while3A, %while3A_71 : i32
    %while3A_73 = arith.constant 1 : i32
    %while3A_74 = arith.divsi %while3A_71, %while3A_73 : i32
    %while3A_75 = arith.muli %while3A_74, %while3A_73 : i32
    %while3A_76 = arith.addi %while3A, %while3A_75 : i32
    %while3A_77 = arith.constant 1 : i32
    %while3A_78 = scf.for %while3A_86 = %while3A to %while3A_76 step %while3A_77 iter_args(%while3A_87 = %while3A_70) -> (i32)  : i32 {
      %mul3A_88 = arith.constant 2 : i32
      %mul3A_89 = arith.muli %mul3A_88, %while3A_86 : i32
      %add3A_90 = arith.constant 1 : i32
      %add3A_91 = arith.addi %mul3A_89, %add3A_90 : i32
      %mul3A_92 = arith.constant 8 : i32
      %mul3A_93 = arith.muli %add3A_91, %mul3A_92 : i32
      %add3A_94 = arith.addi %mul3A_60, %mul3A_93 : i32
      %dma_start3A_95 = arith.constant 0 : i32
      %dma_start3A_96 = tpu.memref_slice %arg3[%add3A_94, %dma_start3A_95] : memref<25000x128xi32, #tpu.memory_space<hbm>> -> memref<8x128xi32, #tpu.memory_space<hbm>>
      %dma_start3A_97 = arith.constant 0 : i32
      %dma_start3A_98 = tpu.memref_slice %arg3[%add3A_94, %dma_start3A_97] : memref<25000x128xi32, #tpu.memory_space<hbm>> -> memref<8x128xi32, #tpu.memory_space<hbm>>
      tpu.enqueue_dma source(%dma_start3A_98 : memref<8x128xi32, #tpu.memory_space<hbm>>) target(%arg11 : memref<8x128xi32, #tpu.memory_space<vmem>>) target_semaphore(%arg13 : memref<!tpu.dma_semaphore, #tpu.memory_space<semaphore_mem>>)
      %dma_wait3A = arith.constant 0 : i32
      %dma_wait3A_99 = tpu.memref_slice %arg3[%mul3A_60, %dma_wait3A] : memref<25000x128xi32, #tpu.memory_space<hbm>> -> memref<8x128xi32, #tpu.memory_space<hbm>>
      %dma_wait3A_100 = arith.constant 0 : i32
      %dma_wait3A_101 = tpu.memref_slice %arg3[%mul3A_60, %dma_wait3A_100] : memref<25000x128xi32, #tpu.memory_space<hbm>> -> memref<8x128xi32, #tpu.memory_space<hbm>>
      tpu.wait_dma2 semaphore(%arg12 : memref<!tpu.dma_semaphore, #tpu.memory_space<semaphore_mem>>) src(%dma_wait3A_101 : memref<8x128xi32, #tpu.memory_space<hbm>>) dst(%arg9 : memref<8x128xi32, #tpu.memory_space<vmem>>)
      %broadcast_in_dim3A = arith.constant 1.000000e+00 : f32
      %broadcast_in_dim3A_102 = vector.broadcast %broadcast_in_dim3A : f32 to vector<16xf32>
      %parallel_loop3A_103 = arith.constant 0 : i32
      %parallel_loop3A_104 = arith.constant 64 : i32
      %parallel_loop3A_105 = arith.constant 1 : i32
      scf.for %parallel_loop3A_120 = %parallel_loop3A_103 to %parallel_loop3A_104 step %parallel_loop3A_105  : i32 {
        %parallel_loop3A_121 = arith.constant 8 : i32
        %parallel_loop3A_122 = arith.divsi %parallel_loop3A_120, %parallel_loop3A_121 : i32
        %parallel_loop3A_123 = arith.constant 0 : i32
        %parallel_loop3A_124 = arith.cmpi sgt, %parallel_loop3A_120, %parallel_loop3A_123 : i32
        %parallel_loop3A_125 = arith.extui %parallel_loop3A_124 : i1 to i32
        %parallel_loop3A_126 = arith.constant 0 : i32
        %parallel_loop3A_127 = arith.cmpi slt, %parallel_loop3A_120, %parallel_loop3A_126 : i32
        %parallel_loop3A_128 = arith.extui %parallel_loop3A_127 : i1 to i32
        %parallel_loop3A_129 = arith.subi %parallel_loop3A_125, %parallel_loop3A_128 : i32
        %parallel_loop3A_130 = arith.constant 0 : i32
        %parallel_loop3A_131 = arith.cmpi sgt, %parallel_loop3A_121, %parallel_loop3A_130 : i32
        %parallel_loop3A_132 = arith.extui %parallel_loop3A_131 : i1 to i32
        %parallel_loop3A_133 = arith.constant 0 : i32
        %parallel_loop3A_134 = arith.cmpi slt, %parallel_loop3A_121, %parallel_loop3A_133 : i32
        %parallel_loop3A_135 = arith.extui %parallel_loop3A_134 : i1 to i32
        %parallel_loop3A_136 = arith.subi %parallel_loop3A_132, %parallel_loop3A_135 : i32
        %parallel_loop3A_137 = arith.cmpi ne, %parallel_loop3A_129, %parallel_loop3A_136 : i32
        %parallel_loop3A_138 = arith.remsi %parallel_loop3A_120, %parallel_loop3A_121 : i32
        %parallel_loop3A_139 = arith.constant 0 : i32
        %parallel_loop3A_140 = arith.cmpi ne, %parallel_loop3A_138, %parallel_loop3A_139 : i32
        %parallel_loop3A_141 = arith.andi %parallel_loop3A_137, %parallel_loop3A_140 : i1
        %parallel_loop3A_142 = arith.constant 1 : i32
        %parallel_loop3A_143 = arith.subi %parallel_loop3A_122, %parallel_loop3A_142 : i32
        %parallel_loop3A_144 = arith.select %parallel_loop3A_141, %parallel_loop3A_143, %parallel_loop3A_122 : i32
        %parallel_loop3A_145 = arith.constant 8 : i32
        %parallel_loop3A_146 = arith.constant 0 : i32
        %parallel_loop3A_147 = arith.cmpi eq, %parallel_loop3A_145, %parallel_loop3A_146 : i32
        %parallel_loop3A_148 = arith.constant 1 : i32
        %parallel_loop3A_149 = arith.select %parallel_loop3A_147, %parallel_loop3A_148, %parallel_loop3A_145 : i32
        %parallel_loop3A_150 = arith.remsi %parallel_loop3A_120, %parallel_loop3A_149 : i32
        %parallel_loop3A_151 = arith.constant 0 : i32
        %parallel_loop3A_152 = arith.cmpi ne, %parallel_loop3A_150, %parallel_loop3A_151 : i32
        %parallel_loop3A_153 = arith.constant 0 : i32
        %parallel_loop3A_154 = arith.cmpi slt, %parallel_loop3A_150, %parallel_loop3A_153 : i32
        %parallel_loop3A_155 = arith.constant 0 : i32
        %parallel_loop3A_156 = arith.cmpi slt, %parallel_loop3A_149, %parallel_loop3A_155 : i32
        %parallel_loop3A_157 = arith.xori %parallel_loop3A_154, %parallel_loop3A_156 : i1
        %parallel_loop3A_158 = arith.andi %parallel_loop3A_157, %parallel_loop3A_152 : i1
        %parallel_loop3A_159 = arith.addi %parallel_loop3A_150, %parallel_loop3A_149 : i32
        %parallel_loop3A_160 = arith.select %parallel_loop3A_158, %parallel_loop3A_159, %parallel_loop3A_150 : i32
        %parallel_loop3A_161 = arith.constant 16 : i32
        %parallel_loop3A_162 = arith.muli %parallel_loop3A_160, %parallel_loop3A_161 : i32
        %parallel_loop3A_163 = arith.index_cast %parallel_loop3A_144 : i32 to index
        %parallel_loop3A_164 = arith.index_cast %parallel_loop3A_162 : i32 to index
        %parallel_loop3A_165 = tpu.vector_load %arg9[%parallel_loop3A_163, %parallel_loop3A_164] {strides = array<i32>} : memref<8x128xi32, #tpu.memory_space<vmem>>, vector<16xi32>,
        tpu.vector_store_idx %arg7[%parallel_loop3A_165], %broadcast_in_dim3A_102 {add = true} : memref<100096xf32, #tpu.memory_space<vmem>>[vector<16xi32>], vector<16xf32>,
      } {sc.loop_unroll_factor = 8 : i64, sc.parallel_access}
      %sub3A = arith.constant 1 : i32
      %sub3A_106 = arith.subi %select_n3A_65, %sub3A : i32
      %lt3A = arith.cmpi slt, %while3A_86, %sub3A_106 : i32
      %convert_element_type3A_107 = arith.extui %lt3A : i1 to i32
      %cond3A_108 = arith.constant 0 : i32
      %cond3A_109 = arith.cmpi ne, %convert_element_type3A_107, %cond3A_108 : i32
      scf.if %cond3A_109 {
        %add3A_120 = arith.constant 1 : i32
        %add3A_121 = arith.addi %add3A_91, %add3A_120 : i32
        %mul3A_122 = arith.constant 8 : i32
        %mul3A_123 = arith.muli %add3A_121, %mul3A_122 : i32
        %add3A_124 = arith.addi %mul3A_60, %mul3A_123 : i32
        %dma_start3A_125 = arith.constant 0 : i32
        %dma_start3A_126 = tpu.memref_slice %arg3[%add3A_124, %dma_start3A_125] : memref<25000x128xi32, #tpu.memory_space<hbm>> -> memref<8x128xi32, #tpu.memory_space<hbm>>
        %dma_start3A_127 = arith.constant 0 : i32
        %dma_start3A_128 = tpu.memref_slice %arg3[%add3A_124, %dma_start3A_127] : memref<25000x128xi32, #tpu.memory_space<hbm>> -> memref<8x128xi32, #tpu.memory_space<hbm>>
        tpu.enqueue_dma source(%dma_start3A_128 : memref<8x128xi32, #tpu.memory_space<hbm>>) target(%arg9 : memref<8x128xi32, #tpu.memory_space<vmem>>) target_semaphore(%arg12 : memref<!tpu.dma_semaphore, #tpu.memory_space<semaphore_mem>>)
      } else {
      }
      %dma_wait3A_110 = arith.constant 0 : i32
      %dma_wait3A_111 = tpu.memref_slice %arg3[%mul3A_60, %dma_wait3A_110] : memref<25000x128xi32, #tpu.memory_space<hbm>> -> memref<8x128xi32, #tpu.memory_space<hbm>>
      %dma_wait3A_112 = arith.constant 0 : i32
      %dma_wait3A_113 = tpu.memref_slice %arg3[%mul3A_60, %dma_wait3A_112] : memref<25000x128xi32, #tpu.memory_space<hbm>> -> memref<8x128xi32, #tpu.memory_space<hbm>>
      tpu.wait_dma2 semaphore(%arg13 : memref<!tpu.dma_semaphore, #tpu.memory_space<semaphore_mem>>) src(%dma_wait3A_113 : memref<8x128xi32, #tpu.memory_space<hbm>>) dst(%arg11 : memref<8x128xi32, #tpu.memory_space<vmem>>)
      %broadcast_in_dim3A_114 = arith.constant 1.000000e+00 : f32
      %broadcast_in_dim3A_115 = vector.broadcast %broadcast_in_dim3A_114 : f32 to vector<16xf32>
      %parallel_loop3A_116 = arith.constant 0 : i32
      %parallel_loop3A_117 = arith.constant 64 : i32
      %parallel_loop3A_118 = arith.constant 1 : i32
      scf.for %parallel_loop3A_120 = %parallel_loop3A_116 to %parallel_loop3A_117 step %parallel_loop3A_118  : i32 {
        %parallel_loop3A_121 = arith.constant 8 : i32
        %parallel_loop3A_122 = arith.divsi %parallel_loop3A_120, %parallel_loop3A_121 : i32
        %parallel_loop3A_123 = arith.constant 0 : i32
        %parallel_loop3A_124 = arith.cmpi sgt, %parallel_loop3A_120, %parallel_loop3A_123 : i32
        %parallel_loop3A_125 = arith.extui %parallel_loop3A_124 : i1 to i32
        %parallel_loop3A_126 = arith.constant 0 : i32
        %parallel_loop3A_127 = arith.cmpi slt, %parallel_loop3A_120, %parallel_loop3A_126 : i32
        %parallel_loop3A_128 = arith.extui %parallel_loop3A_127 : i1 to i32
        %parallel_loop3A_129 = arith.subi %parallel_loop3A_125, %parallel_loop3A_128 : i32
        %parallel_loop3A_130 = arith.constant 0 : i32
        %parallel_loop3A_131 = arith.cmpi sgt, %parallel_loop3A_121, %parallel_loop3A_130 : i32
        %parallel_loop3A_132 = arith.extui %parallel_loop3A_131 : i1 to i32
        %parallel_loop3A_133 = arith.constant 0 : i32
        %parallel_loop3A_134 = arith.cmpi slt, %parallel_loop3A_121, %parallel_loop3A_133 : i32
        %parallel_loop3A_135 = arith.extui %parallel_loop3A_134 : i1 to i32
        %parallel_loop3A_136 = arith.subi %parallel_loop3A_132, %parallel_loop3A_135 : i32
        %parallel_loop3A_137 = arith.cmpi ne, %parallel_loop3A_129, %parallel_loop3A_136 : i32
        %parallel_loop3A_138 = arith.remsi %parallel_loop3A_120, %parallel_loop3A_121 : i32
        %parallel_loop3A_139 = arith.constant 0 : i32
        %parallel_loop3A_140 = arith.cmpi ne, %parallel_loop3A_138, %parallel_loop3A_139 : i32
        %parallel_loop3A_141 = arith.andi %parallel_loop3A_137, %parallel_loop3A_140 : i1
        %parallel_loop3A_142 = arith.constant 1 : i32
        %parallel_loop3A_143 = arith.subi %parallel_loop3A_122, %parallel_loop3A_142 : i32
        %parallel_loop3A_144 = arith.select %parallel_loop3A_141, %parallel_loop3A_143, %parallel_loop3A_122 : i32
        %parallel_loop3A_145 = arith.constant 8 : i32
        %parallel_loop3A_146 = arith.constant 0 : i32
        %parallel_loop3A_147 = arith.cmpi eq, %parallel_loop3A_145, %parallel_loop3A_146 : i32
        %parallel_loop3A_148 = arith.constant 1 : i32
        %parallel_loop3A_149 = arith.select %parallel_loop3A_147, %parallel_loop3A_148, %parallel_loop3A_145 : i32
        %parallel_loop3A_150 = arith.remsi %parallel_loop3A_120, %parallel_loop3A_149 : i32
        %parallel_loop3A_151 = arith.constant 0 : i32
        %parallel_loop3A_152 = arith.cmpi ne, %parallel_loop3A_150, %parallel_loop3A_151 : i32
        %parallel_loop3A_153 = arith.constant 0 : i32
        %parallel_loop3A_154 = arith.cmpi slt, %parallel_loop3A_150, %parallel_loop3A_153 : i32
        %parallel_loop3A_155 = arith.constant 0 : i32
        %parallel_loop3A_156 = arith.cmpi slt, %parallel_loop3A_149, %parallel_loop3A_155 : i32
        %parallel_loop3A_157 = arith.xori %parallel_loop3A_154, %parallel_loop3A_156 : i1
        %parallel_loop3A_158 = arith.andi %parallel_loop3A_157, %parallel_loop3A_152 : i1
        %parallel_loop3A_159 = arith.addi %parallel_loop3A_150, %parallel_loop3A_149 : i32
        %parallel_loop3A_160 = arith.select %parallel_loop3A_158, %parallel_loop3A_159, %parallel_loop3A_150 : i32
        %parallel_loop3A_161 = arith.constant 16 : i32
        %parallel_loop3A_162 = arith.muli %parallel_loop3A_160, %parallel_loop3A_161 : i32
        %parallel_loop3A_163 = arith.index_cast %parallel_loop3A_144 : i32 to index
        %parallel_loop3A_164 = arith.index_cast %parallel_loop3A_162 : i32 to index
        %parallel_loop3A_165 = tpu.vector_load %arg11[%parallel_loop3A_163, %parallel_loop3A_164] {strides = array<i32>} : memref<8x128xi32, #tpu.memory_space<vmem>>, vector<16xi32>,
        tpu.vector_store_idx %arg7[%parallel_loop3A_165], %broadcast_in_dim3A_115 {add = true} : memref<100096xf32, #tpu.memory_space<vmem>>[vector<16xi32>], vector<16xf32>,
      } {sc.loop_unroll_factor = 8 : i64, sc.parallel_access}
      %while3A_119 = arith.constant 0 : i32
      scf.yield %while3A_119 : i32
    }
    %while3A_79 = arith.constant 1 : i32
    %while3A_80 = scf.for %while3A_86 = %while3A_76 to %while3A_72 step %while3A_79 iter_args(%while3A_87 = %while3A_78) -> (i32)  : i32 {
      %mul3A_88 = arith.constant 2 : i32
      %mul3A_89 = arith.muli %mul3A_88, %while3A_86 : i32
      %add3A_90 = arith.constant 1 : i32
      %add3A_91 = arith.addi %mul3A_89, %add3A_90 : i32
      %mul3A_92 = arith.constant 8 : i32
      %mul3A_93 = arith.muli %add3A_91, %mul3A_92 : i32
      %add3A_94 = arith.addi %mul3A_60, %mul3A_93 : i32
      %dma_start3A_95 = arith.constant 0 : i32
      %dma_start3A_96 = tpu.memref_slice %arg3[%add3A_94, %dma_start3A_95] : memref<25000x128xi32, #tpu.memory_space<hbm>> -> memref<8x128xi32, #tpu.memory_space<hbm>>
      %dma_start3A_97 = arith.constant 0 : i32
      %dma_start3A_98 = tpu.memref_slice %arg3[%add3A_94, %dma_start3A_97] : memref<25000x128xi32, #tpu.memory_space<hbm>> -> memref<8x128xi32, #tpu.memory_space<hbm>>
      tpu.enqueue_dma source(%dma_start3A_98 : memref<8x128xi32, #tpu.memory_space<hbm>>) target(%arg11 : memref<8x128xi32, #tpu.memory_space<vmem>>) target_semaphore(%arg13 : memref<!tpu.dma_semaphore, #tpu.memory_space<semaphore_mem>>)
      %dma_wait3A = arith.constant 0 : i32
      %dma_wait3A_99 = tpu.memref_slice %arg3[%mul3A_60, %dma_wait3A] : memref<25000x128xi32, #tpu.memory_space<hbm>> -> memref<8x128xi32, #tpu.memory_space<hbm>>
      %dma_wait3A_100 = arith.constant 0 : i32
      %dma_wait3A_101 = tpu.memref_slice %arg3[%mul3A_60, %dma_wait3A_100] : memref<25000x128xi32, #tpu.memory_space<hbm>> -> memref<8x128xi32, #tpu.memory_space<hbm>>
      tpu.wait_dma2 semaphore(%arg12 : memref<!tpu.dma_semaphore, #tpu.memory_space<semaphore_mem>>) src(%dma_wait3A_101 : memref<8x128xi32, #tpu.memory_space<hbm>>) dst(%arg9 : memref<8x128xi32, #tpu.memory_space<vmem>>)
      %broadcast_in_dim3A = arith.constant 1.000000e+00 : f32
      %broadcast_in_dim3A_102 = vector.broadcast %broadcast_in_dim3A : f32 to vector<16xf32>
      %parallel_loop3A_103 = arith.constant 0 : i32
      %parallel_loop3A_104 = arith.constant 64 : i32
      %parallel_loop3A_105 = arith.constant 1 : i32
      scf.for %parallel_loop3A_120 = %parallel_loop3A_103 to %parallel_loop3A_104 step %parallel_loop3A_105  : i32 {
        %parallel_loop3A_121 = arith.constant 8 : i32
        %parallel_loop3A_122 = arith.divsi %parallel_loop3A_120, %parallel_loop3A_121 : i32
        %parallel_loop3A_123 = arith.constant 0 : i32
        %parallel_loop3A_124 = arith.cmpi sgt, %parallel_loop3A_120, %parallel_loop3A_123 : i32
        %parallel_loop3A_125 = arith.extui %parallel_loop3A_124 : i1 to i32
        %parallel_loop3A_126 = arith.constant 0 : i32
        %parallel_loop3A_127 = arith.cmpi slt, %parallel_loop3A_120, %parallel_loop3A_126 : i32
        %parallel_loop3A_128 = arith.extui %parallel_loop3A_127 : i1 to i32
        %parallel_loop3A_129 = arith.subi %parallel_loop3A_125, %parallel_loop3A_128 : i32
        %parallel_loop3A_130 = arith.constant 0 : i32
        %parallel_loop3A_131 = arith.cmpi sgt, %parallel_loop3A_121, %parallel_loop3A_130 : i32
        %parallel_loop3A_132 = arith.extui %parallel_loop3A_131 : i1 to i32
        %parallel_loop3A_133 = arith.constant 0 : i32
        %parallel_loop3A_134 = arith.cmpi slt, %parallel_loop3A_121, %parallel_loop3A_133 : i32
        %parallel_loop3A_135 = arith.extui %parallel_loop3A_134 : i1 to i32
        %parallel_loop3A_136 = arith.subi %parallel_loop3A_132, %parallel_loop3A_135 : i32
        %parallel_loop3A_137 = arith.cmpi ne, %parallel_loop3A_129, %parallel_loop3A_136 : i32
        %parallel_loop3A_138 = arith.remsi %parallel_loop3A_120, %parallel_loop3A_121 : i32
        %parallel_loop3A_139 = arith.constant 0 : i32
        %parallel_loop3A_140 = arith.cmpi ne, %parallel_loop3A_138, %parallel_loop3A_139 : i32
        %parallel_loop3A_141 = arith.andi %parallel_loop3A_137, %parallel_loop3A_140 : i1
        %parallel_loop3A_142 = arith.constant 1 : i32
        %parallel_loop3A_143 = arith.subi %parallel_loop3A_122, %parallel_loop3A_142 : i32
        %parallel_loop3A_144 = arith.select %parallel_loop3A_141, %parallel_loop3A_143, %parallel_loop3A_122 : i32
        %parallel_loop3A_145 = arith.constant 8 : i32
        %parallel_loop3A_146 = arith.constant 0 : i32
        %parallel_loop3A_147 = arith.cmpi eq, %parallel_loop3A_145, %parallel_loop3A_146 : i32
        %parallel_loop3A_148 = arith.constant 1 : i32
        %parallel_loop3A_149 = arith.select %parallel_loop3A_147, %parallel_loop3A_148, %parallel_loop3A_145 : i32
        %parallel_loop3A_150 = arith.remsi %parallel_loop3A_120, %parallel_loop3A_149 : i32
        %parallel_loop3A_151 = arith.constant 0 : i32
        %parallel_loop3A_152 = arith.cmpi ne, %parallel_loop3A_150, %parallel_loop3A_151 : i32
        %parallel_loop3A_153 = arith.constant 0 : i32
        %parallel_loop3A_154 = arith.cmpi slt, %parallel_loop3A_150, %parallel_loop3A_153 : i32
        %parallel_loop3A_155 = arith.constant 0 : i32
        %parallel_loop3A_156 = arith.cmpi slt, %parallel_loop3A_149, %parallel_loop3A_155 : i32
        %parallel_loop3A_157 = arith.xori %parallel_loop3A_154, %parallel_loop3A_156 : i1
        %parallel_loop3A_158 = arith.andi %parallel_loop3A_157, %parallel_loop3A_152 : i1
        %parallel_loop3A_159 = arith.addi %parallel_loop3A_150, %parallel_loop3A_149 : i32
        %parallel_loop3A_160 = arith.select %parallel_loop3A_158, %parallel_loop3A_159, %parallel_loop3A_150 : i32
        %parallel_loop3A_161 = arith.constant 16 : i32
        %parallel_loop3A_162 = arith.muli %parallel_loop3A_160, %parallel_loop3A_161 : i32
        %parallel_loop3A_163 = arith.index_cast %parallel_loop3A_144 : i32 to index
        %parallel_loop3A_164 = arith.index_cast %parallel_loop3A_162 : i32 to index
        %parallel_loop3A_165 = tpu.vector_load %arg9[%parallel_loop3A_163, %parallel_loop3A_164] {strides = array<i32>} : memref<8x128xi32, #tpu.memory_space<vmem>>, vector<16xi32>,
        tpu.vector_store_idx %arg7[%parallel_loop3A_165], %broadcast_in_dim3A_102 {add = true} : memref<100096xf32, #tpu.memory_space<vmem>>[vector<16xi32>], vector<16xf32>,
      } {sc.loop_unroll_factor = 8 : i64, sc.parallel_access}
      %sub3A = arith.constant 1 : i32
      %sub3A_106 = arith.subi %select_n3A_65, %sub3A : i32
      %lt3A = arith.cmpi slt, %while3A_86, %sub3A_106 : i32
      %convert_element_type3A_107 = arith.extui %lt3A : i1 to i32
      %cond3A_108 = arith.constant 0 : i32
      %cond3A_109 = arith.cmpi ne, %convert_element_type3A_107, %cond3A_108 : i32
      scf.if %cond3A_109 {
        %add3A_120 = arith.constant 1 : i32
        %add3A_121 = arith.addi %add3A_91, %add3A_120 : i32
        %mul3A_122 = arith.constant 8 : i32
        %mul3A_123 = arith.muli %add3A_121, %mul3A_122 : i32
        %add3A_124 = arith.addi %mul3A_60, %mul3A_123 : i32
        %dma_start3A_125 = arith.constant 0 : i32
        %dma_start3A_126 = tpu.memref_slice %arg3[%add3A_124, %dma_start3A_125] : memref<25000x128xi32, #tpu.memory_space<hbm>> -> memref<8x128xi32, #tpu.memory_space<hbm>>
        %dma_start3A_127 = arith.constant 0 : i32
        %dma_start3A_128 = tpu.memref_slice %arg3[%add3A_124, %dma_start3A_127] : memref<25000x128xi32, #tpu.memory_space<hbm>> -> memref<8x128xi32, #tpu.memory_space<hbm>>
        tpu.enqueue_dma source(%dma_start3A_128 : memref<8x128xi32, #tpu.memory_space<hbm>>) target(%arg9 : memref<8x128xi32, #tpu.memory_space<vmem>>) target_semaphore(%arg12 : memref<!tpu.dma_semaphore, #tpu.memory_space<semaphore_mem>>)
      } else {
      }
      %dma_wait3A_110 = arith.constant 0 : i32
      %dma_wait3A_111 = tpu.memref_slice %arg3[%mul3A_60, %dma_wait3A_110] : memref<25000x128xi32, #tpu.memory_space<hbm>> -> memref<8x128xi32, #tpu.memory_space<hbm>>
      %dma_wait3A_112 = arith.constant 0 : i32
      %dma_wait3A_113 = tpu.memref_slice %arg3[%mul3A_60, %dma_wait3A_112] : memref<25000x128xi32, #tpu.memory_space<hbm>> -> memref<8x128xi32, #tpu.memory_space<hbm>>
      tpu.wait_dma2 semaphore(%arg13 : memref<!tpu.dma_semaphore, #tpu.memory_space<semaphore_mem>>) src(%dma_wait3A_113 : memref<8x128xi32, #tpu.memory_space<hbm>>) dst(%arg11 : memref<8x128xi32, #tpu.memory_space<vmem>>)
      %broadcast_in_dim3A_114 = arith.constant 1.000000e+00 : f32
      %broadcast_in_dim3A_115 = vector.broadcast %broadcast_in_dim3A_114 : f32 to vector<16xf32>
      %parallel_loop3A_116 = arith.constant 0 : i32
      %parallel_loop3A_117 = arith.constant 64 : i32
      %parallel_loop3A_118 = arith.constant 1 : i32
      scf.for %parallel_loop3A_120 = %parallel_loop3A_116 to %parallel_loop3A_117 step %parallel_loop3A_118  : i32 {
        %parallel_loop3A_121 = arith.constant 8 : i32
        %parallel_loop3A_122 = arith.divsi %parallel_loop3A_120, %parallel_loop3A_121 : i32
        %parallel_loop3A_123 = arith.constant 0 : i32
        %parallel_loop3A_124 = arith.cmpi sgt, %parallel_loop3A_120, %parallel_loop3A_123 : i32
        %parallel_loop3A_125 = arith.extui %parallel_loop3A_124 : i1 to i32
        %parallel_loop3A_126 = arith.constant 0 : i32
        %parallel_loop3A_127 = arith.cmpi slt, %parallel_loop3A_120, %parallel_loop3A_126 : i32
        %parallel_loop3A_128 = arith.extui %parallel_loop3A_127 : i1 to i32
        %parallel_loop3A_129 = arith.subi %parallel_loop3A_125, %parallel_loop3A_128 : i32
        %parallel_loop3A_130 = arith.constant 0 : i32
        %parallel_loop3A_131 = arith.cmpi sgt, %parallel_loop3A_121, %parallel_loop3A_130 : i32
        %parallel_loop3A_132 = arith.extui %parallel_loop3A_131 : i1 to i32
        %parallel_loop3A_133 = arith.constant 0 : i32
        %parallel_loop3A_134 = arith.cmpi slt, %parallel_loop3A_121, %parallel_loop3A_133 : i32
        %parallel_loop3A_135 = arith.extui %parallel_loop3A_134 : i1 to i32
        %parallel_loop3A_136 = arith.subi %parallel_loop3A_132, %parallel_loop3A_135 : i32
        %parallel_loop3A_137 = arith.cmpi ne, %parallel_loop3A_129, %parallel_loop3A_136 : i32
        %parallel_loop3A_138 = arith.remsi %parallel_loop3A_120, %parallel_loop3A_121 : i32
        %parallel_loop3A_139 = arith.constant 0 : i32
        %parallel_loop3A_140 = arith.cmpi ne, %parallel_loop3A_138, %parallel_loop3A_139 : i32
        %parallel_loop3A_141 = arith.andi %parallel_loop3A_137, %parallel_loop3A_140 : i1
        %parallel_loop3A_142 = arith.constant 1 : i32
        %parallel_loop3A_143 = arith.subi %parallel_loop3A_122, %parallel_loop3A_142 : i32
        %parallel_loop3A_144 = arith.select %parallel_loop3A_141, %parallel_loop3A_143, %parallel_loop3A_122 : i32
        %parallel_loop3A_145 = arith.constant 8 : i32
        %parallel_loop3A_146 = arith.constant 0 : i32
        %parallel_loop3A_147 = arith.cmpi eq, %parallel_loop3A_145, %parallel_loop3A_146 : i32
        %parallel_loop3A_148 = arith.constant 1 : i32
        %parallel_loop3A_149 = arith.select %parallel_loop3A_147, %parallel_loop3A_148, %parallel_loop3A_145 : i32
        %parallel_loop3A_150 = arith.remsi %parallel_loop3A_120, %parallel_loop3A_149 : i32
        %parallel_loop3A_151 = arith.constant 0 : i32
        %parallel_loop3A_152 = arith.cmpi ne, %parallel_loop3A_150, %parallel_loop3A_151 : i32
        %parallel_loop3A_153 = arith.constant 0 : i32
        %parallel_loop3A_154 = arith.cmpi slt, %parallel_loop3A_150, %parallel_loop3A_153 : i32
        %parallel_loop3A_155 = arith.constant 0 : i32
        %parallel_loop3A_156 = arith.cmpi slt, %parallel_loop3A_149, %parallel_loop3A_155 : i32
        %parallel_loop3A_157 = arith.xori %parallel_loop3A_154, %parallel_loop3A_156 : i1
        %parallel_loop3A_158 = arith.andi %parallel_loop3A_157, %parallel_loop3A_152 : i1
        %parallel_loop3A_159 = arith.addi %parallel_loop3A_150, %parallel_loop3A_149 : i32
        %parallel_loop3A_160 = arith.select %parallel_loop3A_158, %parallel_loop3A_159, %parallel_loop3A_150 : i32
        %parallel_loop3A_161 = arith.constant 16 : i32
        %parallel_loop3A_162 = arith.muli %parallel_loop3A_160, %parallel_loop3A_161 : i32
        %parallel_loop3A_163 = arith.index_cast %parallel_loop3A_144 : i32 to index
        %parallel_loop3A_164 = arith.index_cast %parallel_loop3A_162 : i32 to index
        %parallel_loop3A_165 = tpu.vector_load %arg11[%parallel_loop3A_163, %parallel_loop3A_164] {strides = array<i32>} : memref<8x128xi32, #tpu.memory_space<vmem>>, vector<16xi32>,
        tpu.vector_store_idx %arg7[%parallel_loop3A_165], %broadcast_in_dim3A_115 {add = true} : memref<100096xf32, #tpu.memory_space<vmem>>[vector<16xi32>], vector<16xf32>,
      } {sc.loop_unroll_factor = 8 : i64, sc.parallel_access}
      %while3A_119 = arith.constant 0 : i32
      scf.yield %while3A_119 : i32
    }
    %eq3A_81 = arith.constant 31 : i32
    %eq3A_82 = arith.cmpi eq, %add3A, %eq3A_81 : i32
    %convert_element_type3A_83 = arith.extui %eq3A_82 : i1 to i32
    %cond3A_84 = arith.constant 0 : i32
    %cond3A_85 = arith.cmpi ne, %convert_element_type3A_83, %cond3A_84 : i32
    scf.if %cond3A_85 {
      %add3A_86 = arith.constant 688 : i32
      %add3A_87 = arith.addi %mul3A_60, %add3A_86 : i32
      "tpu.region"() ({
        %run_scoped3A = tpu.sem_alloc : memref<!tpu.dma_semaphore, #tpu.memory_space<semaphore_mem>>
        %dma_start3A_92 = arith.constant 0 : i32
        %dma_start3A_93 = tpu.memref_slice %arg3[%add3A_87, %dma_start3A_92] : memref<25000x128xi32, #tpu.memory_space<hbm>> -> memref<8x128xi32, #tpu.memory_space<hbm>>
        %dma_start3A_94 = arith.constant 0 : i32
        %dma_start3A_95 = tpu.memref_slice %arg3[%add3A_87, %dma_start3A_94] : memref<25000x128xi32, #tpu.memory_space<hbm>> -> memref<8x128xi32, #tpu.memory_space<hbm>>
        tpu.enqueue_dma source(%dma_start3A_95 : memref<8x128xi32, #tpu.memory_space<hbm>>) target(%arg9 : memref<8x128xi32, #tpu.memory_space<vmem>>) target_semaphore(%run_scoped3A : memref<!tpu.dma_semaphore, #tpu.memory_space<semaphore_mem>>)
        %dma_wait3A = arith.constant 0 : i32
        %dma_wait3A_96 = tpu.memref_slice %arg3[%add3A_87, %dma_wait3A] : memref<25000x128xi32, #tpu.memory_space<hbm>> -> memref<8x128xi32, #tpu.memory_space<hbm>>
        %dma_wait3A_97 = arith.constant 0 : i32
        %dma_wait3A_98 = tpu.memref_slice %arg3[%add3A_87, %dma_wait3A_97] : memref<25000x128xi32, #tpu.memory_space<hbm>> -> memref<8x128xi32, #tpu.memory_space<hbm>>
        tpu.wait_dma2 semaphore(%run_scoped3A : memref<!tpu.dma_semaphore, #tpu.memory_space<semaphore_mem>>) src(%dma_wait3A_98 : memref<8x128xi32, #tpu.memory_space<hbm>>) dst(%arg9 : memref<8x128xi32, #tpu.memory_space<vmem>>)
        tpu.yield
      }) : () -> ()
      %broadcast_in_dim3A = arith.constant 1.000000e+00 : f32
      %broadcast_in_dim3A_88 = vector.broadcast %broadcast_in_dim3A : f32 to vector<16xf32>
      %parallel_loop3A_89 = arith.constant 0 : i32
      %parallel_loop3A_90 = arith.constant 64 : i32
      %parallel_loop3A_91 = arith.constant 1 : i32
      scf.for %parallel_loop3A_92 = %parallel_loop3A_89 to %parallel_loop3A_90 step %parallel_loop3A_91  : i32 {
        %parallel_loop3A_93 = arith.constant 8 : i32
        %parallel_loop3A_94 = arith.divsi %parallel_loop3A_92, %parallel_loop3A_93 : i32
        %parallel_loop3A_95 = arith.constant 0 : i32
        %parallel_loop3A_96 = arith.cmpi sgt, %parallel_loop3A_92, %parallel_loop3A_95 : i32
        %parallel_loop3A_97 = arith.extui %parallel_loop3A_96 : i1 to i32
        %parallel_loop3A_98 = arith.constant 0 : i32
        %parallel_loop3A_99 = arith.cmpi slt, %parallel_loop3A_92, %parallel_loop3A_98 : i32
        %parallel_loop3A_100 = arith.extui %parallel_loop3A_99 : i1 to i32
        %parallel_loop3A_101 = arith.subi %parallel_loop3A_97, %parallel_loop3A_100 : i32
        %parallel_loop3A_102 = arith.constant 0 : i32
        %parallel_loop3A_103 = arith.cmpi sgt, %parallel_loop3A_93, %parallel_loop3A_102 : i32
        %parallel_loop3A_104 = arith.extui %parallel_loop3A_103 : i1 to i32
        %parallel_loop3A_105 = arith.constant 0 : i32
        %parallel_loop3A_106 = arith.cmpi slt, %parallel_loop3A_93, %parallel_loop3A_105 : i32
        %parallel_loop3A_107 = arith.extui %parallel_loop3A_106 : i1 to i32
        %parallel_loop3A_108 = arith.subi %parallel_loop3A_104, %parallel_loop3A_107 : i32
        %parallel_loop3A_109 = arith.cmpi ne, %parallel_loop3A_101, %parallel_loop3A_108 : i32
        %parallel_loop3A_110 = arith.remsi %parallel_loop3A_92, %parallel_loop3A_93 : i32
        %parallel_loop3A_111 = arith.constant 0 : i32
        %parallel_loop3A_112 = arith.cmpi ne, %parallel_loop3A_110, %parallel_loop3A_111 : i32
        %parallel_loop3A_113 = arith.andi %parallel_loop3A_109, %parallel_loop3A_112 : i1
        %parallel_loop3A_114 = arith.constant 1 : i32
        %parallel_loop3A_115 = arith.subi %parallel_loop3A_94, %parallel_loop3A_114 : i32
        %parallel_loop3A_116 = arith.select %parallel_loop3A_113, %parallel_loop3A_115, %parallel_loop3A_94 : i32
        %parallel_loop3A_117 = arith.constant 8 : i32
        %parallel_loop3A_118 = arith.constant 0 : i32
        %parallel_loop3A_119 = arith.cmpi eq, %parallel_loop3A_117, %parallel_loop3A_118 : i32
        %parallel_loop3A_120 = arith.constant 1 : i32
        %parallel_loop3A_121 = arith.select %parallel_loop3A_119, %parallel_loop3A_120, %parallel_loop3A_117 : i32
        %parallel_loop3A_122 = arith.remsi %parallel_loop3A_92, %parallel_loop3A_121 : i32
        %parallel_loop3A_123 = arith.constant 0 : i32
        %parallel_loop3A_124 = arith.cmpi ne, %parallel_loop3A_122, %parallel_loop3A_123 : i32
        %parallel_loop3A_125 = arith.constant 0 : i32
        %parallel_loop3A_126 = arith.cmpi slt, %parallel_loop3A_122, %parallel_loop3A_125 : i32
        %parallel_loop3A_127 = arith.constant 0 : i32
        %parallel_loop3A_128 = arith.cmpi slt, %parallel_loop3A_121, %parallel_loop3A_127 : i32
        %parallel_loop3A_129 = arith.xori %parallel_loop3A_126, %parallel_loop3A_128 : i1
        %parallel_loop3A_130 = arith.andi %parallel_loop3A_129, %parallel_loop3A_124 : i1
        %parallel_loop3A_131 = arith.addi %parallel_loop3A_122, %parallel_loop3A_121 : i32
        %parallel_loop3A_132 = arith.select %parallel_loop3A_130, %parallel_loop3A_131, %parallel_loop3A_122 : i32
        %parallel_loop3A_133 = arith.constant 16 : i32
        %parallel_loop3A_134 = arith.muli %parallel_loop3A_132, %parallel_loop3A_133 : i32
        %parallel_loop3A_135 = arith.index_cast %parallel_loop3A_116 : i32 to index
        %parallel_loop3A_136 = arith.index_cast %parallel_loop3A_134 : i32 to index
        %parallel_loop3A_137 = tpu.vector_load %arg9[%parallel_loop3A_135, %parallel_loop3A_136] {strides = array<i32>} : memref<8x128xi32, #tpu.memory_space<vmem>>, vector<16xi32>,
        tpu.vector_store_idx %arg7[%parallel_loop3A_137], %broadcast_in_dim3A_88 {add = true} : memref<100096xf32, #tpu.memory_space<vmem>>[vector<16xi32>], vector<16xf32>,
      } {sc.loop_unroll_factor = 8 : i64, sc.parallel_access}
    } else {
    }
    "tpu.region"() ({
      %run_scoped3A = tpu.sem_alloc : memref<!tpu.dma_semaphore, #tpu.memory_space<semaphore_mem>>
      %dma_start3A_86 = tpu.memref_slice %arg6[%mul3A_2] : memref<3203072xf32, #tpu.memory_space<hbm>> -> memref<100096xf32, #tpu.memory_space<hbm>>
      %dma_start3A_87 = tpu.memref_slice %arg6[%mul3A_2] : memref<3203072xf32, #tpu.memory_space<hbm>> -> memref<100096xf32, #tpu.memory_space<hbm>>
      tpu.enqueue_dma source(%arg7 : memref<100096xf32, #tpu.memory_space<vmem>>) target(%dma_start3A_87 : memref<100096xf32, #tpu.memory_space<hbm>>) target_semaphore(%run_scoped3A : memref<!tpu.dma_semaphore, #tpu.memory_space<semaphore_mem>>)
      %dma_wait3A = tpu.memref_slice %arg6[%mul3A_2] : memref<3203072xf32, #tpu.memory_space<hbm>> -> memref<100096xf32, #tpu.memory_space<hbm>>
      %dma_wait3A_88 = tpu.memref_slice %arg6[%mul3A_2] : memref<3203072xf32, #tpu.memory_space<hbm>> -> memref<100096xf32, #tpu.memory_space<hbm>>
      tpu.wait_dma2 semaphore(%run_scoped3A : memref<!tpu.dma_semaphore, #tpu.memory_space<semaphore_mem>>) src(%arg7 : memref<100096xf32, #tpu.memory_space<vmem>>) dst(%dma_wait3A_88 : memref<100096xf32, #tpu.memory_space<hbm>>)
      tpu.yield
    }) : () -> ()
    return
  }
}

module attributes {stable_mosaic.version = 14 : i64} {
  func.func @_tr_body(%arg0: i32, %arg1: memref<3200x16xf32, #tpu.memory_space<vmem>>, %arg2: memref<16x3200xf32, #tpu.memory_space<vmem>>) attributes {dimension_semantics = [#tpu.dimension_semantics<arbitrary>], iteration_bounds = array<i64: 1000>, scalar_prefetch = 0 : i64, scratch_operands = 0 : i64, tpu.core_type = #tpu.core_type<tc>, window_params = [{transform_indices = @transform_0, window_bounds = array<i64: 3200, 16>}, {transform_indices = @transform_1, window_bounds = array<i64: 16, 3200>}]} {
    %get3A = arith.constant 0 : index
    %get3A_0 = arith.constant 0 : index
    %get3A_1 = vector.load %arg1[%get3A, %get3A_0] : memref<3200x16xf32, #tpu.memory_space<vmem>>, vector<3200x16xf32>
    %transpose3A = tpu.transpose %get3A_1, [1, 0] : vector<3200x16xf32> -> vector<16x3200xf32>
    %swap3A = arith.constant 0 : index
    %swap3A_2 = arith.constant 0 : index
    %swap3A_3 = vector.load %arg2[%swap3A, %swap3A_2] : memref<16x3200xf32, #tpu.memory_space<vmem>>, vector<16x3200xf32>
    tpu.vector_store %arg2[%swap3A, %swap3A_2], %transpose3A {strides = array<i32>} : memref<16x3200xf32, #tpu.memory_space<vmem>>, vector<16x3200xf32>,
    return
  }
  func.func @transform_0(%arg0: i32) -> (i32, i32) {
    %c0_i32 = arith.constant 0 : i32
    %c0_i32_0 = arith.constant 0 : i32
    return %arg0, %c0_i32 : i32, i32
  }
  func.func @transform_1(%arg0: i32) -> (i32, i32) {
    %c0_i32 = arith.constant 0 : i32
    %c0_i32_0 = arith.constant 0 : i32
    return %c0_i32, %arg0 : i32, i32
  }
}

module attributes {stable_mosaic.version = 14 : i64} {
  func.func @_mlp_body(%arg0: i32, %arg1: memref<2000x16xf32, #tpu.memory_space<vmem>>, %arg2: memref<2000x1xf32, #tpu.memory_space<vmem>>, %arg3: memref<2000x16xf32, #tpu.memory_space<vmem>>, %arg4: memref<1x1xf32, #tpu.memory_space<vmem>>, %arg5: memref<64x256xf32, #tpu.memory_space<vmem>>, %arg6: memref<1x256xf32, #tpu.memory_space<vmem>>, %arg7: memref<256x128xf32, #tpu.memory_space<vmem>>, %arg8: memref<1x128xf32, #tpu.memory_space<vmem>>, %arg9: memref<2000x128xf32, #tpu.memory_space<vmem>>) attributes {dimension_semantics = [#tpu.dimension_semantics<arbitrary>], iteration_bounds = array<i64: 50>, scalar_prefetch = 0 : i64, scratch_operands = 0 : i64, tpu.core_type = #tpu.core_type<tc>, window_params = [{transform_indices = @transform_0, window_bounds = array<i64: 2000, 16>}, {transform_indices = @transform_1, window_bounds = array<i64: 2000, 1>}, {transform_indices = @transform_2, window_bounds = array<i64: 2000, 16>}, {pipeline_mode = #tpu.pipeline_mode<synchronous>, transform_indices = @transform_3, window_bounds = array<i64: 1, 1>}, {pipeline_mode = #tpu.pipeline_mode<synchronous>, transform_indices = @transform_4, window_bounds = array<i64: 64, 256>}, {pipeline_mode = #tpu.pipeline_mode<synchronous>, transform_indices = @transform_5, window_bounds = array<i64: 1, 256>}, {pipeline_mode = #tpu.pipeline_mode<synchronous>, transform_indices = @transform_6, window_bounds = array<i64: 256, 128>}, {pipeline_mode = #tpu.pipeline_mode<synchronous>, transform_indices = @transform_7, window_bounds = array<i64: 1, 128>}, {transform_indices = @transform_8, window_bounds = array<i64: 2000, 128>}]} {
    %get3A = arith.constant 0 : index
    %get3A_0 = arith.constant 0 : index
    %get3A_1 = vector.load %arg1[%get3A, %get3A_0] : memref<2000x16xf32, #tpu.memory_space<vmem>>, vector<2000x16xf32>
    %get3A_2 = arith.constant 0 : index
    %get3A_3 = arith.constant 0 : index
    %get3A_4 = vector.load %arg2[%get3A_2, %get3A_3] : memref<2000x1xf32, #tpu.memory_space<vmem>>, vector<2000x1xf32>
    %get3A_5 = arith.constant 0 : index
    %get3A_6 = arith.constant 0 : index
    %get3A_7 = vector.load %arg3[%get3A_5, %get3A_6] : memref<2000x16xf32, #tpu.memory_space<vmem>>, vector<2000x16xf32>
    %gt3A = arith.constant 0.000000e+00 : f32
    %gt3A_8 = vector.broadcast %gt3A : f32 to vector<2000x1xf32>
    %gt3A_9 = arith.cmpf ogt, %get3A_4, %gt3A_8 : vector<2000x1xf32>
    %jit3A = arith.constant 0.000000e+00 : f32
    %broadcast_in_dim3A = vector.shape_cast %gt3A_9 : vector<2000x1xi1> to vector<2000x1xi1>
    %broadcast_in_dim3A_10 = vector.broadcast %broadcast_in_dim3A : vector<2000x1xi1> to vector<2000x16xi1>
    %broadcast_in_dim3A_11 = vector.broadcast %jit3A : f32 to vector<2000x16xf32>
    %select_n3A = arith.select %broadcast_in_dim3A_10, %get3A_7, %broadcast_in_dim3A_11 : vector<2000x16xi1>, vector<2000x16xf32>
    %max3A = arith.constant 1.000000e+00 : f32
    %max3A_12 = vector.broadcast %max3A : f32 to vector<2000x1xf32>
    %max3A_13 = arith.maximumf %get3A_4, %max3A_12 : vector<2000x1xf32>
    %div3A = vector.broadcast %max3A_13 : vector<2000x1xf32> to vector<2000x16xf32>
    %div3A_14 = arith.divf %get3A_1, %div3A : vector<2000x16xf32>
    %get3A_15 = arith.constant 0 : index
    %get3A_16 = arith.constant 0 : index
    %get3A_17 = vector.load %arg4[%get3A_15, %get3A_16] : memref<1x1xf32, #tpu.memory_space<vmem>>, vector<1x1xf32>
    %get3A_18 = vector.extract %get3A_17[0, 0] : f32 from vector<1x1xf32>
    %broadcast_in_dim3A_19 = vector.broadcast %get3A_18 : f32 to vector<2000x1xf32>
    %broadcast_in_dim3A_20 = arith.constant 0.000000e+00 : f32
    %broadcast_in_dim3A_21 = vector.broadcast %broadcast_in_dim3A_20 : f32 to vector<2000x15xf32>
    %concatenate3A = tpu.concatenate %get3A_1, %select_n3A, %div3A_14, %broadcast_in_dim3A_19, %broadcast_in_dim3A_21 in 1 : vector<2000x16xf32>, vector<2000x16xf32>, vector<2000x16xf32>, vector<2000x1xf32>, vector<2000x15xf32> -> vector<2000x64xf32>
    %get3A_22 = arith.constant 0 : index
    %get3A_23 = arith.constant 0 : index
    %get3A_24 = vector.load %arg5[%get3A_22, %get3A_23] : memref<64x256xf32, #tpu.memory_space<vmem>>, vector<64x256xf32>
    %dot_general3A = arith.constant dense<0.000000e+00> : vector<2000x256xf32>
    %dot_general3A_25 = tpu.matmul %concatenate3A, %get3A_24, %dot_general3A {dimension_numbers = #tpu.dot_dimension_numbers<[1], [0], [0], [1], [0, 0, 1, 1], [], []>, transpose_lhs_hint = false} : vector<2000x64xf32>, vector<64x256xf32>, vector<2000x256xf32> -> vector<2000x256xf32>
    %get3A_26 = arith.constant 0 : index
    %get3A_27 = arith.constant 0 : index
    %get3A_28 = vector.load %arg6[%get3A_26, %get3A_27] : memref<1x256xf32, #tpu.memory_space<vmem>>, vector<1x256xf32>
    %add3A = vector.broadcast %get3A_28 : vector<1x256xf32> to vector<2000x256xf32>
    %add3A_29 = arith.addf %dot_general3A_25, %add3A : vector<2000x256xf32>
    %mul3A = arith.constant 5.000000e-01 : f32
    %mul3A_30 = vector.broadcast %mul3A : f32 to vector<2000x256xf32>
    %mul3A_31 = arith.mulf %mul3A_30, %add3A_29 : vector<2000x256xf32>
    %mul3A_32 = arith.constant 0.707106769 : f32
    %mul3A_33 = vector.broadcast %mul3A_32 : f32 to vector<2000x256xf32>
    %mul3A_34 = arith.mulf %add3A_29, %mul3A_33 : vector<2000x256xf32>
    %erf3A = math.erf %mul3A_34 : vector<2000x256xf32>
    %add3A_35 = arith.constant 1.000000e+00 : f32
    %add3A_36 = vector.broadcast %add3A_35 : f32 to vector<2000x256xf32>
    %add3A_37 = arith.addf %add3A_36, %erf3A : vector<2000x256xf32>
    %mul3A_38 = arith.mulf %mul3A_31, %add3A_37 : vector<2000x256xf32>
    %get3A_39 = arith.constant 0 : index
    %get3A_40 = arith.constant 0 : index
    %get3A_41 = vector.load %arg7[%get3A_39, %get3A_40] : memref<256x128xf32, #tpu.memory_space<vmem>>, vector<256x128xf32>
    %dot_general3A_42 = arith.constant dense<0.000000e+00> : vector<2000x128xf32>
    %dot_general3A_43 = tpu.matmul %mul3A_38, %get3A_41, %dot_general3A_42 {dimension_numbers = #tpu.dot_dimension_numbers<[1], [0], [0], [1], [0, 0, 1, 1], [], []>, transpose_lhs_hint = false} : vector<2000x256xf32>, vector<256x128xf32>, vector<2000x128xf32> -> vector<2000x128xf32>
    %get3A_44 = arith.constant 0 : index
    %get3A_45 = arith.constant 0 : index
    %get3A_46 = vector.load %arg8[%get3A_44, %get3A_45] : memref<1x128xf32, #tpu.memory_space<vmem>>, vector<1x128xf32>
    %add3A_47 = vector.broadcast %get3A_46 : vector<1x128xf32> to vector<2000x128xf32>
    %add3A_48 = arith.addf %dot_general3A_43, %add3A_47 : vector<2000x128xf32>
    %swap3A = arith.constant 0 : index
    %swap3A_49 = arith.constant 0 : index
    %swap3A_50 = vector.load %arg9[%swap3A, %swap3A_49] : memref<2000x128xf32, #tpu.memory_space<vmem>>, vector<2000x128xf32>
    tpu.vector_store %arg9[%swap3A, %swap3A_49], %add3A_48 {strides = array<i32>} : memref<2000x128xf32, #tpu.memory_space<vmem>>, vector<2000x128xf32>,
    return
  }
  func.func @transform_0(%arg0: i32) -> (i32, i32) {
    %c0_i32 = arith.constant 0 : i32
    %c0_i32_0 = arith.constant 0 : i32
    return %arg0, %c0_i32 : i32, i32
  }
  func.func @transform_1(%arg0: i32) -> (i32, i32) {
    %c0_i32 = arith.constant 0 : i32
    %c0_i32_0 = arith.constant 0 : i32
    return %arg0, %c0_i32 : i32, i32
  }
  func.func @transform_2(%arg0: i32) -> (i32, i32) {
    %c0_i32 = arith.constant 0 : i32
    %c0_i32_0 = arith.constant 0 : i32
    return %arg0, %c0_i32 : i32, i32
  }
  func.func @transform_3(%arg0: i32) -> (i32, i32) {
    %c0_i32 = arith.constant 0 : i32
    %c0_i32_0 = arith.constant 0 : i32
    %c0_i32_1 = arith.constant 0 : i32
    return %c0_i32, %c0_i32_0 : i32, i32
  }
  func.func @transform_4(%arg0: i32) -> (i32, i32) {
    %c0_i32 = arith.constant 0 : i32
    %c0_i32_0 = arith.constant 0 : i32
    %c0_i32_1 = arith.constant 0 : i32
    return %c0_i32, %c0_i32_0 : i32, i32
  }
  func.func @transform_5(%arg0: i32) -> (i32, i32) {
    %c0_i32 = arith.constant 0 : i32
    %c0_i32_0 = arith.constant 0 : i32
    %c0_i32_1 = arith.constant 0 : i32
    return %c0_i32, %c0_i32_0 : i32, i32
  }
  func.func @transform_6(%arg0: i32) -> (i32, i32) {
    %c0_i32 = arith.constant 0 : i32
    %c0_i32_0 = arith.constant 0 : i32
    %c0_i32_1 = arith.constant 0 : i32
    return %c0_i32, %c0_i32_0 : i32, i32
  }
  func.func @transform_7(%arg0: i32) -> (i32, i32) {
    %c0_i32 = arith.constant 0 : i32
    %c0_i32_0 = arith.constant 0 : i32
    %c0_i32_1 = arith.constant 0 : i32
    return %c0_i32, %c0_i32_0 : i32, i32
  }
  func.func @transform_8(%arg0: i32) -> (i32, i32) {
    %c0_i32 = arith.constant 0 : i32
    %c0_i32_0 = arith.constant 0 : i32
    return %arg0, %c0_i32 : i32, i32
  }
}

</mosaic_0001>

<sc_bundles>
// kernel: kernel.5.cloned.1.call-start
scs
__scs_entry_jumppad:
0x0: {  	(pc) =	sbr.rel $0x88, $3  }
0x1: {  	(tag) =	ssettag $0x0;
	lr =	simm.s32 $0x1  }
0x2: {  	[smem:$0x3F9A] =	sst lr;
	_ =	strace $0xD0000000  }
0x3: {  	_ = 	snop  }
0x4: {  	_ = 	snop  }
0x5: {  	_ = 	snop  }
0x6: {  	_ = 	snop  }
0x7: {  	_ = 	snop  }
__scs_overlays_trampoline_lowered:
0x8: {  	[smem:$0x3FA9] =	sst s0  }
0x9: {  	[smem:$0x3FAA] =	sst s1  }
0xa: {  	[smem:$0x3FAB] =	sst s2  }
0xb: {  	[smem:$0x3FAC] =	sst s3  }
0xc: {  	[smem:$0x3FAD] =	sst s4  }
0xd: {  	[smem:$0x3FAE] =	sst s5  }
0xe: {  	[smem:$0x3FAF] =	sst s6  }
0xf: {  	[smem:$0x3FB0] =	sst s7  }
0x10: {  	[smem:$0x3FB1] =	sst s8  }
0x11: {  	[smem:$0x3FB2] =	sst s9;
	s0 =	simm.s32 @!p0 $0x0  }
0x12: {  	s1 =	sld [smem:$0x3F98];
	s0 =	simm.s32 @p0 $0x1  }
0x13: {  	[smem:$0x3FB3] =	sst s0;
	s0 =	simm.s32 @!p1 $0x0  }
0x14: {  	s2 =	sld [smem:$0x3F97];
	s0 =	simm.s32 @p1 $0x1  }
0x15: {  	[smem:$0x3FB4] =	sst s0;
	s0 =	simm.s32 @!p2 $0x0  }
0x16: {  	s3 =	sld [smem:$0x3FDB];
	s0 =	simm.s32 @p2 $0x1  }
0x17: {  	s4 =	simm.s32 $0x1BF5;
	[smem:$0x3FB6] =	sst s0  }
0x18: {  	s0 =	sld [smem:$0x3F99];
	_ =	swait.ge [sflag:s4], $0x0  }
0x19: {  	s7 =	sld [smem:$0x3F9A]  }
0x1a: {  	s8 =	sadd.s32 $0xFFFFE003, lr  }
0x1b: {  	s9 =	sadd.s32 $0xFFFFFEF7, lr;
	s5 =	simm.s32 $0xFFFFFFFF;
	p2 =	slt.u32 s8, $0xFFFFF086  }
0x1c: {  	p1 =	slt.u32 s9, $0xF7A;
	s5 =	simm.s32 @!p2 $0x0  }
0x1d: {  	s5 =	simm.s32 @p1 $0x1;
	p0 =	seq.s32 s7, s2  }
0x1e: {  	s7 =	smul.u32 @!p0 $0xF7A, s2;
	p2 =	seq.s32 @!p0 s5, $0x0  }
0x1f: {  	s9 =	smul.u32 $0xF7A, s1;
	s8 =	simm.s32 @!p0 $0x1BF5;
	p2 =	por !p2, p0  }
0x20: {  	[sflag:s8] =	ssyncset.s32 @!p0 $0xFFFFF086;
	s6 =	sadd.s32 @!p0 s3, s7;
	s7 =	simm.s32 @!p0 $0x108  }
0x21: {  	s3 =	sadd.s32 s3, s9;
	s6 =	sadd.s32 @!p0 $0x88, s6;
	s7 =	simm.s32 @p2 $0x1082  }
0x22: {  	[simem:s7], [sflag:s8] =	dma.local @!p0 [hbm:s6], $0xF7A  }
0x23: {  	s9 =	sor.u32 $0xD0000000, s2;
	s6 =	simm.s32 $0x108;
	_ =	swait.ge @!p0 [sflag:s8], $0x0  }
0x24: {  	s3 =	sadd.s32 $0x88, s3;
	s6 =	simm.s32 @!p1 $0x1082;
	[sflag:s4] =	ssyncset.s32 $0xFFFFF086  }
0x25: {  	[simem:s6], [sflag:s4] =	dma.local [hbm:s3], $0xF7A  }
0x26: {  	[smem:$0x3F9A] =	sst s1;
	(tag) =	ssettag s2;
	_ =	strace s9  }
0x27: {  	s1 =	sld [smem:$0x3FAA]  }
0x28: {  	s2 =	sld [smem:$0x3FAB]  }
0x29: {  	s4 =	sld [smem:$0x3FAD]  }
0x2a: {  	p0 =	seq.s32 s5, $0x0;
	s5 =	sld [smem:$0x3FAE]  }
0x2b: {  	s6 =	sld [smem:$0x3FAF]  }
0x2c: {  	s7 =	sld [smem:$0x3FB0]  }
0x2d: {  	s3 =	simm.s32 $0x108;
	s8 =	sld [smem:$0x3FB1]  }
0x2e: {  	s3 =	simm.s32 @!p0 $0x1082;
	s9 =	sld [smem:$0x3FB2]  }
0x2f: {  	lr =	sadd.s32 s0, s3;
	s0 =	sld [smem:$0x3FA9]  }
0x30: {  	s3 =	sld [smem:$0x3FAC]  }
0x31: {  	[smem:$0x3FB5] =	sst s10  }
0x32: {  	s10 =	sld [smem:$0x3FB3];
	_ =	sdelay $0x3  }
0x33: {  	p0 =	seq.s32 s10, $0x1;
	s10 =	sld [smem:$0x3FB5];
	_ =	sdelay $0x3  }
0x34: {  	[smem:$0x3FB5] =	sst s10  }
0x35: {  	s10 =	sld [smem:$0x3FB4];
	_ =	sdelay $0x3  }
0x36: {  	p1 =	seq.s32 s10, $0x1;
	s10 =	sld [smem:$0x3FB5];
	_ =	sdelay $0x3  }
0x37: {  	[smem:$0x3FB5] =	sst s10  }
0x38: {  	s10 =	sld [smem:$0x3FB6]  }
0x39: {  	_ = 	snop;
	(pc) =	sbr.ind lr, $3  }
0x3a: {  	_ = 	snop  }
0x3b: {  	_ = 	snop  }
0x3c: {  	p2 =	seq.s32 s10, $0x1;
	s10 =	sld [smem:$0x3FB5]  }
0x3d: {  	_ =	shalt  }
0x3e: {  	_ =	shalt  }
0x3f: {  	_ =	shalt  }
0x40: {  	_ =	shalt  }
0x41: {  	_ =	shalt  }
0x42: {  	_ =	shalt  }
0x43: {  	_ =	shalt  }
0x44: {  	_ =	shalt  }
0x45: {  	_ =	shalt  }
0x46: {  	_ =	shalt  }
0x47: {  	_ =	shalt  }
0x48: {  	_ =	shalt  }
0x49: {  	_ =	shalt  }
0x4a: {  	_ =	shalt  }
0x4b: {  	_ =	shalt  }
0x4c: {  	_ =	shalt  }
0x4d: {  	_ =	shalt  }
0x4e: {  	_ =	shalt  }
0x4f: {  	_ =	shalt  }
0x50: {  	_ =	shalt  }
0x51: {  	_ =	shalt  }
0x52: {  	_ =	shalt  }
0x53: {  	_ =	shalt  }
0x54: {  	_ =	shalt  }
0x55: {  	_ =	shalt  }
0x56: {  	_ =	shalt  }
0x57: {  	_ =	shalt  }
0x58: {  	_ =	shalt  }
0x59: {  	_ =	shalt  }
0x5a: {  	_ =	shalt  }
0x5b: {  	_ =	shalt  }
0x5c: {  	_ =	shalt  }
0x5d: {  	_ =	shalt  }
0x5e: {  	_ =	shalt  }
0x5f: {  	_ =	shalt  }
0x60: {  	_ =	shalt  }
0x61: {  	_ =	shalt  }
0x62: {  	_ =	shalt  }
0x63: {  	_ =	shalt  }
0x64: {  	_ =	shalt  }
0x65: {  	_ =	shalt  }
0x66: {  	_ =	shalt  }
0x67: {  	_ =	shalt  }
0x68: {  	_ =	shalt  }
0x69: {  	_ =	shalt  }
0x6a: {  	_ =	shalt  }
0x6b: {  	_ =	shalt  }
0x6c: {  	_ =	shalt  }
0x6d: {  	_ =	shalt  }
0x6e: {  	_ =	shalt  }
0x6f: {  	_ =	shalt  }
0x70: {  	_ =	shalt  }
0x71: {  	_ =	shalt  }
0x72: {  	_ =	shalt  }
0x73: {  	_ =	shalt  }
0x74: {  	_ =	shalt  }
0x75: {  	_ =	shalt  }
0x76: {  	_ =	shalt  }
0x77: {  	_ =	shalt  }
0x78: {  	_ =	shalt  }
0x79: {  	_ =	shalt  }
0x7a: {  	_ =	shalt  }
0x7b: {  	_ =	shalt  }
0x7c: {  	_ =	shalt  }
0x7d: {  	_ =	shalt  }
0x7e: {  	_ =	shalt  }
0x7f: {  	_ =	shalt  }
0x80: {  	_ =	shalt  }
0x81: {  	_ =	shalt  }
0x82: {  	_ =	shalt  }
0x83: {  	_ =	shalt  }
0x84: {  	_ =	shalt  }
0x85: {  	_ =	shalt  }
0x86: {  	_ =	shalt  }
0x87: {  	_ =	shalt  }
.Lfunc_end0:
.L_simem_size_0:
called_computation.1_lowered:
.L_overlay_start_0:
0x88: {  	s2 =	sld [smem:$0x3FD9]  }
0x89: {  	s3 =	sld [smem:$0x3FFE];
	_ =	sdelay $0x1  }
0x8a: {  	s1 =	srdreg.scid  }
0x8b: {  	s0 =	sand.u32 $0x1, s1  }
0x8c: {  	s17 =	sshll.u32 s0, $0xA;
	s2 =	sadd.s32 s3, s2  }
0x8d: {  	s2 =	sadd.s32 s2, s17  }
0x8e: {  	[smem:$0x3FC1] =	sst s2  }
0x8f: {  	_ = 	snop  }
0x90: {  	s2 =	sld [smem:$0x3FD0];
	(tm) =	ssettm $0x1  }
0x91: {  	s18 =	sld [smem:$0x3FFB];
	_ =	sdelay $0x3  }
0x92: {  	_ =	strace s18  }
0x93: {  	s3 =	sld [smem:$0x3FFC];
	_ =	sdelay $0x3  }
0x94: {  	_ =	strace s3  }
0x95: {  	s3 =	sld [smem:$0x3FFD];
	_ =	sdelay $0x3  }
0x96: {  	_ =	strace s3  }
0x97: {  	_ =	strace $0x8FFFFFFF  }
0x98: {  	s19 =	sld [smem:$0x3FDB];
	_ =	sdelay $0x1  }
0x99: {  	s4 =	simm.s32 $_scs_section_size  }
0x9a: {  	s5 =	simm.s32 $_size__tile_overlayer_lowered;
	s6 =	simm.s32 $_tile_overlayer_lowered  }
0x9b: {  	s22 =	simm.s32 $0x1BFF;
	s21 =	sshll.u32 s6, $0x1;
	s3 =	sadd.s32 s4, s19  }
0x9c: {  	s7 =	simm.s32 $0x0;
	s20 =	sshll.u32 s5, $0x1;
	s5 =	sadd.s32 s21, s3  }
0x9d: {  	[timem:s7], [sflag:s22] =	dma.local [hbm:s5], s20  }
0x9e: {  	_ =	swait.ge [sflag:s22], s20  }
0x9f: {  	s4 =	ssub.s32 $0x0, s20;
	[sflag:s22] =	ssyncset.done $0x0  }
0xa0: {  	[sflag:s22] =	ssyncadd.s32 s4;
	_ =	sdelay $0x1  }
0xa1: {  	s23 =	simm.s32 $0x1B8B  }
0xa2: {  	_ =	swait.ge [sflag:s23], $0x1  }
0xa3: {  	[sflag:s23] =	ssyncset.done $0x0  }
0xa4: {  	s25 =	simm.s32 $0x1B8E;
	s24 =	sld [smem:$0x3FFE];
	[sflag:s23] =	ssyncadd.s32 $0xFFFFFFFF  }
0xa5: {  	s26 =	simm.s32 $execute0_lowered;
	[smem:$0x3FD2] =	sst s25  }
0xa6: {  	s5 =	sshll.u32 s26, $0x1;
	_ =	strace $0x80000049;
	[dreg:$0x1] =	wrdreg $0xFFFFFFFF  }
0xa7: {  	s28 =	simm.s32 $_size_execute0_lowered;
	s3 =	sadd.s32 s3, s5;
	[dreg:$0x0] =	wrdreg $0x0  }
0xa8: {  	s5 =	sshll.u32 s28, $0x1;
	[dreg:$0x2] =	wrdreg s3  }
0xa9: {  	[dreg:$0x3] =	wrdreg s5  }
0xaa: {  	[dreg:$0x4] =	wrdreg $0xC0  }
0xab: {  	_ =	task [dreg:s7], $0x5FFFF  }
0xac: {  	[dreg:$0x1] =	wrdreg $0xFFFFFFFF  }
0xad: {  	[dreg:$0x0] =	wrdreg $0x60  }
0xae: {  	[dreg:$0x2] =	wrdreg s24  }
0xaf: {  	[dreg:$0x3] =	wrdreg s2  }
0xb0: {  	[dreg:$0x4] =	wrdreg $0x9  }
0xb1: {  	_ =	task.clear_ibuf [dreg:s7], $0x5FFFF;
	_ =	strace $0x90000049  }
0xb2: {  	s29 =	simm.s32 $0x9;
	_ =	strace $0x8000004B  }
0xb3: {  	_ =	swait.ge [sflag:s29], $0x1  }
0xb4: {  	[sflag:s29] =	ssyncadd.s32 $0xFFFFFFFF  }
0xb5: {  	_ =	strace $0x9000004B  }
0xb6: {  	_ =	sfence  }
0xb7: {  	s30 =	sld [smem:$0x0];
	_ =	sdelay $0x2  }
0xb8: {  	s31 =	sshll.u32 s1, $0xD;
	s1 =	sshrl.u32 s1, $0x2  }
0xb9: {  	s3 =	sand.u32 $0x4000, s31;
	s1 =	sadd.s32 s1, s30  }
0xba: {  	s0 =	sor.u32 s3, s0;
	s1 =	sshll.u32 s1, $0x11  }
0xbb: {  	s0 =	sor.u32 s1, s0  }
0xbc: {  	s0 =	sadd.s32 $0x8F2B, s0  }
0xbd: {  	[sflag:s0] =	ssyncadd.remote.s32 $0x1  }
0xbe: {  	_ =	sfence.sel $0xFFFF  }
0xbf: {  	[dreg:$0x0] =	wrdreg $0xFFFFFFFF;
	(pc) =	sbr.abs _section_cstart, $3  }
0xc0: {  	[dreg:$0x1] =	wrdreg $0xFFFFFFFF  }
0xc1: {  	_ =	task.clear_ibuf [dreg:s7], $0x2FFFF;
	_ =	strace $0x9FFFFFFF  }
0xc2: {  	(tm) =	ssettm $0x7FFFFFFF  }
0xc3: {  	_ =	shalt  }
tec
execute0_lowered:
.L_overlay_start_1:
0x0: {  	(tag) =	ssettag $0x1  }
0x1: {  	s0 =	srdreg.scid;
	s1 =	rddreg [dreg:$0x0]  }
0x2: {  	s10 =	rddreg [dreg:$0x1];
	s4 =	stileid.u32;
	s2 =	simm.s32 $0x0  }
0x3: {  	s14 =	simm.s32 $0x2B;
	s22 =	simm.s32 $0x18700;
	s23 =	simm.s32 $0x18B00  }
0x4: {  	s24 =	simm.s32 $0x18F00;
	s28 =	simm.s32 $0x2;
	s29 =	simm.s32 $0x3  }
0x5: {  	s30 =	simm.s32 $0x0;
	s0 =	sand.u32 $0x1, s0;
	[smem:$0x7FF] =	sst s2  }
0x6: {  	s5 =	sadd.s32 $0x61B200, s1;
	s3 =	sshll.u32 s0, $0x4;
	s7 =	smul.u32 $0x186C00, s0  }
0x7: {  	s6 =	ssub.s32 $0x2, s0;
	s19 =	sor.u32 s4, s3;
	s3 =	smul.u32 $0x30D400, s4  }
0x8: {  	s26 =	sadd.s32 $0x64BF00, s1;
	s8 =	sshrl.u32 s6, $0x1;
	s12 =	smul.u32 $0x30E0, s19  }
0x9: {  	_ =	strace $0x8000004A;
	s21 =	ssub.s32 s6, s8;
	s6 =	smul.u32 $0x30D8, s0  }
0xa: {  	[dreg:$0x4] =	wrdreg s26;
	s26 =	simm.s32 $0x1;
	s18 =	smul.u32 $0x310, s19  }
0xb: {  	s4 =	sadd.s32 $0xA00, s1;
	s9 =	sshrl.u32 s7, $0x3;
	s31 =	smul.u32 $0x3100, s19  }
0xc: {  	p0 =	seq.s32 s19, $0x1F;
	p1 =	sne.s32 s19, $0x1F;
	s25 =	sadd.s32 s7, s3  }
0xd: {  	s11 =	sshrl.u32 s3, $0x3;
	s14 =	simm.s32 @!p0 $0x31;
	s21 =	smax.u32 s21, $0x1  }
0xe: {  	p0 =	sne.s32 s0, $0x0;
	s20 =	sadd.s32 s12, s1;
	s8 =	sshrl.u32 s25, $0x3  }
0xf: {  	s11 =	sadd.s32 s4, s11;
	s10 =	sadd.s32 s10, s12;
	s15 =	sadd.s32 s5, s31  }
.Ltmp0:
0x10: {  	s16 =	sor.u32 $0x8, s18;
	s17 =	sadd.s32 $0xFFFFFFFF, s14;
	(pc) =	sbr.rel .LBB2_1-.Ltmp0, $4  }
0x11: {  	s18 =	sadd.s32 $0x10, s18;
	s1 =	sadd.s32 $0x67CC00, s1;
	s25 =	simm.s32 $0x19300  }
0x12: {  	s7 =	sadd.s32 s4, s8;
	s8 =	sadd.s32 s5, s9;
	[dreg:$0x5] =	wrdreg s10  }
0x13: {  	v0 =	vimm.f32 $0.0e+00;
	s9 =	sadd.s32 $0x10, s6;
	s11 =	sadd.s32 $0x30D00, s11;
	[dreg:$0x6] =	wrdreg s1  }
0x14: {  	v1 =	vimm.f32 $-3.000000010e+38;
	v2 =	vimm.s32 $0x0;
	v3 =	vimm.f32 $1.000000000e+00;
	s13 =	sadd.s32 $0x67CE00, s20;
	s20 =	sadd.s32 $0x6DEA00, s20;
	[dreg:$0x3] =	wrdreg s11  }
.LBB2_86:
0x15: {  	s30 =	sadd.s32 $0x1, s30  }
0x16: {  	p2 =	sne.s32 s30, s21  }
.Ltmp1:
0x17: {  	_ = 	snop;
	(pc) =	sbr.rel @!p2 .LBB2_87-.Ltmp1, $4  }
0x18: {  	[hbm4b:s20+s2] =	stream.linear.scatter [tilespmem:s2], [sflag:$0x3], $0x18700, $0x38;
	[tilespmem:$0x19700] =	vst v63  }
0x19: {  	_ =	swait.ge [sflag:s29], $0x18700  }
0x1a: {  	[sflag:s29] =	ssyncset.done $0x0  }
0x1b: {  	[sflag:s29] =	ssyncadd.s32 $0xFFFE7900  }
.LBB2_1:
0x1c: {  	s0 =	simm.s32 $0x40  }
0x1d: {  	[tilespmem:s0+$0xFFFFFFC0] =	vst v0  }
0x1e: {  	[tilespmem:s0+$0x30] =	vst v0  }
0x1f: {  	[tilespmem:s0+$0x20] =	vst v0  }
0x20: {  	[tilespmem:s0+$0x10] =	vst v0  }
0x21: {  	[tilespmem:s0+$0x0] =	vst v0  }
0x22: {  	[tilespmem:s0+$0xFFFFFFF0] =	vst v0  }
0x23: {  	s1 =	simm.s32 $0x0;
	[tilespmem:s0+$0xFFFFFFE0] =	vst v0  }
.LBB2_2:
0x24: {  	s1 =	sadd.s32 $0x8, s1;
	[tilespmem:s0+$0xFFFFFFD0] =	vst v0;
	s0 =	sadd.s32 $0x80, s0  }
0x25: {  	[tilespmem:s0+$0xFFFFFFC0] =	vst v0;
	p2 =	slt.u32 s1, $0x1868  }
0x26: {  	[tilespmem:s0+$0x30] =	vst v0  }
.Ltmp2:
0x27: {  	[tilespmem:s0+$0x20] =	vst v0;
	(pc) =	sbr.rel @p2 .LBB2_2-.Ltmp2, $4  }
0x28: {  	[tilespmem:s0+$0x10] =	vst v0  }
0x29: {  	[tilespmem:s0+$0x0] =	vst v0  }
0x2a: {  	[tilespmem:s0+$0xFFFFFFF0] =	vst v0  }
0x2b: {  	[tilespmem:s0+$0xFFFFFFE0] =	vst v0  }
0x2c: {  	[tilespmem:s0+$0xFFFFFFD0] =	vst v0;
	s0 =	simm.s32 $0x0  }
0x2d: {  	[tilespmem:s22], [sflag:$0x1] =	stream.linear.gather [hbm4b:s7+s0], $0x400, $0x38;
	[tilespmem:$0x19700] =	vst v63  }
0x2e: {  	_ = 	snop  }
0x2f: {  	[tilespmem:s23], [sflag:$0x1] =	stream.linear.gather [hbm4b:s8+s0], $0x400, $0x38;
	[tilespmem:$0x19700] =	vst v63  }
.LBB2_4:
0x30: {  	s1 =	sshll.u32 s0, $0x4  }
0x31: {  	s10 =	sadd.s32 s1, s6  }
0x32: {  	s10 =	sadd.s32 $0x8, s10  }
0x33: {  	s19 =	sshll.u32 s10, $0x7  }
0x34: {  	s19 =	sadd.s32 s3, s19  }
0x35: {  	s19 =	sshrl.u32 s19, $0x3  }
0x36: {  	s10 =	sshll.u32 s10, $0x4;
	s19 =	sadd.s32 s4, s19  }
0x37: {  	[tilespmem:s24], [sflag:$0x2] =	stream.linear.gather [hbm4b:s19+s2], $0x400, $0x38;
	[tilespmem:$0x19700] =	vst v63  }
0x38: {  	s10 =	sadd.s32 s5, s10  }
0x39: {  	[tilespmem:s25], [sflag:$0x2] =	stream.linear.gather [hbm4b:s10+s2], $0x400, $0x38;
	[tilespmem:$0x19700] =	vst v63  }
0x3a: {  	_ =	swait.ge [sflag:s26], $0x400  }
0x3b: {  	[sflag:s26] =	ssyncset.done $0x0  }
0x3c: {  	[sflag:s26] =	ssyncadd.s32 $0xFFFFFC00  }
0x3d: {  	_ =	swait.ge [sflag:s26], $0x400  }
0x3e: {  	[sflag:s26] =	ssyncset.done $0x0  }
0x3f: {  	s12 =	simm.s32 $0x18B40;
	[sflag:s26] =	ssyncadd.s32 $0xFFFFFC00  }
0x40: {  	v4 =	vld [tilespmem:s12+$0x30]  }
0x41: {  	v5 =	vld [tilespmem:s12+$0xFFFFFFD0]  }
0x42: {  	s19 =	simm.s32 $0x18740;
	v6 =	vld [tilespmem:s12+$0xFFFFFFE0]  }
0x43: {  	v7 =	vld [tilespmem:s19+$0x30]  }
0x44: {  	v8 =	vld [tilespmem:s12+$0xFFFFFFF0]  }
0x45: {  	v9 =	vld [tilespmem:s12+$0x0]  }
0x46: {  	v10 =	vld [tilespmem:s12+$0x10]  }
0x47: {  	v11 =	vld [tilespmem:s12+$0x20]  }
0x48: {  	v63 =	vld [tilespmem:s19+$0xFFFFFFC0]  }
0x49: {  	v12 =	vld [tilespmem:s19+$0xFFFFFFD0]  }
0x4a: {  	v13 =	vld [tilespmem:s19+$0xFFFFFFE0]  }
0x4b: {  	v14 =	vld [tilespmem:s19+$0xFFFFFFF0]  }
0x4c: {  	v15 =	vld [tilespmem:s19+$0x0]  }
0x4d: {  	v16 =	vld [tilespmem:s19+$0x10]  }
0x4e: {  	[tilespmem:v4+s2+$0x0] =	vst.idx.add.f32.msk $0xffff, v7  }
0x4f: {  	v4 =	vld [tilespmem:s12+$0xFFFFFFC0]  }
0x50: {  	v17 =	vld [tilespmem:s19+$0x20]  }
0x51: {  	[tilespmem:v5+s2+$0x0] =	vst.idx.add.f32.msk $0xffff, v12  }
0x52: {  	[tilespmem:v6+s2+$0x0] =	vst.idx.add.f32.msk $0xffff, v13  }
0x53: {  	[tilespmem:v8+s2+$0x0] =	vst.idx.add.f32.msk $0xffff, v14  }
0x54: {  	[tilespmem:v9+s2+$0x0] =	vst.idx.add.f32.msk $0xffff, v15  }
0x55: {  	[tilespmem:v10+s2+$0x0] =	vst.idx.add.f32.msk $0xffff, v16  }
0x56: {  	[tilespmem:v11+s2+$0x0] =	vst.idx.add.f32.msk $0xffff, v17  }
0x57: {  	s31 =	simm.s32 $0x0;
	s10 =	simm.s32 $0x18BC0;
	[tilespmem:v4+s2+$0x0] =	vst.idx.add.f32.msk $0xffff, v63  }
.LBB2_5:
0x58: {  	v4 =	vld [tilespmem:s10+$0x30];
	s31 =	sadd.s32 $0x8, s31  }
0x59: {  	v5 =	vld [tilespmem:s10+$0xFFFFFFD0];
	p2 =	slt.u32 s31, $0x38  }
0x5a: {  	s19 =	sadd.s32 $0x80, s19;
	v6 =	vld [tilespmem:s10+$0xFFFFFFE0]  }
0x5b: {  	v7 =	vld [tilespmem:s19+$0x30]  }
0x5c: {  	v8 =	vld [tilespmem:s10+$0xFFFFFFF0]  }
0x5d: {  	v9 =	vld [tilespmem:s10+$0x0]  }
0x5e: {  	v10 =	vld [tilespmem:s10+$0x10]  }
0x5f: {  	v11 =	vld [tilespmem:s10+$0x20]  }
0x60: {  	[tilespmem:v4+s2+$0x0] =	vst.idx.add.f32.msk $0xffff, v7  }
0x61: {  	v4 =	vld [tilespmem:s10+$0xFFFFFFC0]  }
0x62: {  	v7 =	vld [tilespmem:s19+$0xFFFFFFC0]  }
0x63: {  	v12 =	vld [tilespmem:s19+$0xFFFFFFD0]  }
0x64: {  	v13 =	vld [tilespmem:s19+$0xFFFFFFE0]  }
0x65: {  	v14 =	vld [tilespmem:s19+$0xFFFFFFF0]  }
0x66: {  	v15 =	vld [tilespmem:s19+$0x0]  }
0x67: {  	v16 =	vld [tilespmem:s19+$0x10]  }
0x68: {  	v17 =	vld [tilespmem:s19+$0x20]  }
0x69: {  	[tilespmem:v4+s2+$0x0] =	vst.idx.add.f32.msk $0xffff, v7  }
0x6a: {  	[tilespmem:v5+s2+$0x0] =	vst.idx.add.f32.msk $0xffff, v12  }
.Ltmp3:
0x6b: {  	[tilespmem:v6+s2+$0x0] =	vst.idx.add.f32.msk $0xffff, v13;
	(pc) =	sbr.rel @p2 .LBB2_5-.Ltmp3, $4  }
0x6c: {  	[tilespmem:v8+s2+$0x0] =	vst.idx.add.f32.msk $0xffff, v14  }
0x6d: {  	[tilespmem:v9+s2+$0x0] =	vst.idx.add.f32.msk $0xffff, v15  }
0x6e: {  	[tilespmem:v10+s2+$0x0] =	vst.idx.add.f32.msk $0xffff, v16  }
0x6f: {  	s10 =	sadd.s32 $0x80, s10;
	[tilespmem:v11+s2+$0x0] =	vst.idx.add.f32.msk $0xffff, v17  }
0x70: {  	p2 =	seq.s32 s0, $0x30C  }
0x71: {  	s1 =	sadd.s32 @!p2 s1, s9  }
0x72: {  	s10 =	sshll.u32 @!p2 s1, $0x7  }
0x73: {  	s10 =	sadd.s32 @!p2 s3, s10  }
0x74: {  	s19 =	simm.s32 @!p2 $0x0;
	s10 =	sshrl.u32 @!p2 s10, $0x3  }
0x75: {  	s31 =	simm.s32 @!p2 $0x18700;
	s1 =	sshll.u32 @!p2 s1, $0x4;
	s10 =	sadd.s32 @!p2 s4, s10  }
0x76: {  	[tilespmem:s31], [sflag:$0x1] =	stream.linear.gather @!p2 [hbm4b:s10+s19], $0x400, $0x38;
	[tilespmem:$0x19700] =	vst v63  }
0x77: {  	s1 =	sadd.s32 @!p2 s5, s1;
	s10 =	simm.s32 @!p2 $0x18B00  }
0x78: {  	[tilespmem:s10], [sflag:$0x1] =	stream.linear.gather @!p2 [hbm4b:s1+s19], $0x400, $0x38;
	[tilespmem:$0x19700] =	vst v63  }
0x79: {  	_ =	swait.ge [sflag:s28], $0x400  }
0x7a: {  	[sflag:s28] =	ssyncset.done $0x0  }
0x7b: {  	[sflag:s28] =	ssyncadd.s32 $0xFFFFFC00  }
0x7c: {  	_ =	swait.ge [sflag:s28], $0x400  }
0x7d: {  	[sflag:s28] =	ssyncset.done $0x0  }
0x7e: {  	s31 =	simm.s32 $0x19340;
	[sflag:s28] =	ssyncadd.s32 $0xFFFFFC00  }
0x7f: {  	v4 =	vld [tilespmem:s31+$0x30]  }
0x80: {  	v5 =	vld [tilespmem:s31+$0xFFFFFFD0]  }
0x81: {  	s1 =	simm.s32 $0x18F40;
	v6 =	vld [tilespmem:s31+$0xFFFFFFE0]  }
0x82: {  	v7 =	vld [tilespmem:s1+$0x30]  }
0x83: {  	v8 =	vld [tilespmem:s31+$0xFFFFFFF0]  }
0x84: {  	v9 =	vld [tilespmem:s31+$0x0]  }
0x85: {  	v10 =	vld [tilespmem:s31+$0x10]  }
0x86: {  	v11 =	vld [tilespmem:s31+$0x20]  }
0x87: {  	v63 =	vld [tilespmem:s1+$0xFFFFFFC0]  }
0x88: {  	v12 =	vld [tilespmem:s1+$0xFFFFFFD0]  }
0x89: {  	v13 =	vld [tilespmem:s1+$0xFFFFFFE0]  }
0x8a: {  	v14 =	vld [tilespmem:s1+$0xFFFFFFF0]  }
0x8b: {  	v15 =	vld [tilespmem:s1+$0x0]  }
0x8c: {  	v16 =	vld [tilespmem:s1+$0x10]  }
0x8d: {  	[tilespmem:v4+s2+$0x0] =	vst.idx.add.f32.msk $0xffff, v7  }
0x8e: {  	v4 =	vld [tilespmem:s31+$0xFFFFFFC0]  }
0x8f: {  	v17 =	vld [tilespmem:s1+$0x20]  }
0x90: {  	[tilespmem:v5+s2+$0x0] =	vst.idx.add.f32.msk $0xffff, v12  }
0x91: {  	[tilespmem:v6+s2+$0x0] =	vst.idx.add.f32.msk $0xffff, v13  }
0x92: {  	[tilespmem:v8+s2+$0x0] =	vst.idx.add.f32.msk $0xffff, v14  }
0x93: {  	[tilespmem:v9+s2+$0x0] =	vst.idx.add.f32.msk $0xffff, v15  }
0x94: {  	[tilespmem:v10+s2+$0x0] =	vst.idx.add.f32.msk $0xffff, v16  }
0x95: {  	[tilespmem:v11+s2+$0x0] =	vst.idx.add.f32.msk $0xffff, v17  }
0x96: {  	s19 =	simm.s32 $0x0;
	s10 =	simm.s32 $0x193C0;
	[tilespmem:v4+s2+$0x0] =	vst.idx.add.f32.msk $0xffff, v63  }
.LBB2_7:
0x97: {  	v4 =	vld [tilespmem:s10+$0x30];
	s19 =	sadd.s32 $0x8, s19  }
0x98: {  	v5 =	vld [tilespmem:s10+$0xFFFFFFD0];
	p2 =	slt.u32 s19, $0x38  }
0x99: {  	s1 =	sadd.s32 $0x80, s1;
	v6 =	vld [tilespmem:s10+$0xFFFFFFE0]  }
0x9a: {  	v7 =	vld [tilespmem:s1+$0x30]  }
0x9b: {  	v8 =	vld [tilespmem:s10+$0xFFFFFFF0]  }
0x9c: {  	v9 =	vld [tilespmem:s10+$0x0]  }
0x9d: {  	v10 =	vld [tilespmem:s10+$0x10]  }
0x9e: {  	v11 =	vld [tilespmem:s10+$0x20]  }
0x9f: {  	[tilespmem:v4+s2+$0x0] =	vst.idx.add.f32.msk $0xffff, v7  }
0xa0: {  	v4 =	vld [tilespmem:s10+$0xFFFFFFC0]  }
0xa1: {  	v7 =	vld [tilespmem:s1+$0xFFFFFFC0]  }
0xa2: {  	v12 =	vld [tilespmem:s1+$0xFFFFFFD0]  }
0xa3: {  	v13 =	vld [tilespmem:s1+$0xFFFFFFE0]  }
0xa4: {  	v14 =	vld [tilespmem:s1+$0xFFFFFFF0]  }
0xa5: {  	v15 =	vld [tilespmem:s1+$0x0]  }
0xa6: {  	v16 =	vld [tilespmem:s1+$0x10]  }
0xa7: {  	v17 =	vld [tilespmem:s1+$0x20]  }
0xa8: {  	[tilespmem:v4+s2+$0x0] =	vst.idx.add.f32.msk $0xffff, v7  }
0xa9: {  	[tilespmem:v5+s2+$0x0] =	vst.idx.add.f32.msk $0xffff, v12  }
.Ltmp4:
0xaa: {  	[tilespmem:v6+s2+$0x0] =	vst.idx.add.f32.msk $0xffff, v13;
	(pc) =	sbr.rel @p2 .LBB2_7-.Ltmp4, $4  }
0xab: {  	[tilespmem:v8+s2+$0x0] =	vst.idx.add.f32.msk $0xffff, v14  }
0xac: {  	[tilespmem:v9+s2+$0x0] =	vst.idx.add.f32.msk $0xffff, v15  }
0xad: {  	[tilespmem:v10+s2+$0x0] =	vst.idx.add.f32.msk $0xffff, v16  }
0xae: {  	s10 =	sadd.s32 $0x80, s10;
	[tilespmem:v11+s2+$0x0] =	vst.idx.add.f32.msk $0xffff, v17  }
0xaf: {  	s0 =	sadd.s32 $0x1, s0  }
0xb0: {  	p2 =	sne.s32 s0, $0x30D  }
.Ltmp5:
0xb1: {  	_ = 	snop;
	(pc) =	sbr.rel @p2 .LBB2_4-.Ltmp5, $1  }
0xb2: {  	_ =	sdelay $0x3  }
.Ltmp6:
0xb3: {  	(pc) =	sbr.rel @p0 .LBB2_12-.Ltmp6, $1  }
0xb4: {  	_ =	sdelay $0x3  }
0xb5: {  	s0 =	rddreg [dreg:$0x3]  }
0xb6: {  	[tilespmem:s22], [sflag:$0x3] =	stream.linear.gather [hbm4b:s0+s2], $0x400, $0x38;
	[tilespmem:$0x19700] =	vst v63  }
0xb7: {  	_ =	swait.ge [sflag:s29], $0x400  }
0xb8: {  	[sflag:s29] =	ssyncset.done $0x0  }
0xb9: {  	s31 =	rddreg [dreg:$0x4];
	[sflag:s29] =	ssyncadd.s32 $0xFFFFFC00  }
0xba: {  	[tilespmem:s23], [sflag:$0x3] =	stream.linear.gather [hbm4b:s31+s2], $0x400, $0x38;
	[tilespmem:$0x19700] =	vst v63  }
0xbb: {  	_ =	swait.ge [sflag:s29], $0x400  }
0xbc: {  	[sflag:s29] =	ssyncset.done $0x0  }
0xbd: {  	s1 =	simm.s32 $0x18B40;
	[sflag:s29] =	ssyncadd.s32 $0xFFFFFC00  }
0xbe: {  	v4 =	vld [tilespmem:s1+$0x30]  }
0xbf: {  	v5 =	vld [tilespmem:s1+$0xFFFFFFD0]  }
0xc0: {  	s0 =	simm.s32 $0x18740;
	v6 =	vld [tilespmem:s1+$0xFFFFFFE0]  }
0xc1: {  	v7 =	vld [tilespmem:s0+$0x30]  }
0xc2: {  	v8 =	vld [tilespmem:s1+$0xFFFFFFF0]  }
0xc3: {  	v9 =	vld [tilespmem:s1+$0x0]  }
0xc4: {  	v10 =	vld [tilespmem:s1+$0x10]  }
0xc5: {  	v11 =	vld [tilespmem:s1+$0x20]  }
0xc6: {  	v63 =	vld [tilespmem:s0+$0xFFFFFFC0]  }
0xc7: {  	v12 =	vld [tilespmem:s0+$0xFFFFFFD0]  }
0xc8: {  	v13 =	vld [tilespmem:s0+$0xFFFFFFE0]  }
0xc9: {  	v14 =	vld [tilespmem:s0+$0xFFFFFFF0]  }
0xca: {  	v15 =	vld [tilespmem:s0+$0x0]  }
0xcb: {  	v16 =	vld [tilespmem:s0+$0x10]  }
0xcc: {  	[tilespmem:v4+s2+$0x0] =	vst.idx.add.f32.msk $0xffff, v7  }
0xcd: {  	v4 =	vld [tilespmem:s1+$0xFFFFFFC0]  }
0xce: {  	v17 =	vld [tilespmem:s0+$0x20]  }
0xcf: {  	[tilespmem:v5+s2+$0x0] =	vst.idx.add.f32.msk $0xffff, v12  }
0xd0: {  	[tilespmem:v6+s2+$0x0] =	vst.idx.add.f32.msk $0xffff, v13  }
0xd1: {  	[tilespmem:v8+s2+$0x0] =	vst.idx.add.f32.msk $0xffff, v14  }
0xd2: {  	[tilespmem:v9+s2+$0x0] =	vst.idx.add.f32.msk $0xffff, v15  }
0xd3: {  	[tilespmem:v10+s2+$0x0] =	vst.idx.add.f32.msk $0xffff, v16  }
0xd4: {  	[tilespmem:v11+s2+$0x0] =	vst.idx.add.f32.msk $0xffff, v17  }
0xd5: {  	s10 =	simm.s32 $0x18BC0;
	s1 =	simm.s32 $0x0;
	[tilespmem:v4+s2+$0x0] =	vst.idx.add.f32.msk $0xffff, v63  }
.LBB2_11:
0xd6: {  	v4 =	vld [tilespmem:s10+$0x30];
	s1 =	sadd.s32 $0x8, s1  }
0xd7: {  	v5 =	vld [tilespmem:s10+$0xFFFFFFD0];
	p2 =	slt.u32 s1, $0x38  }
0xd8: {  	s0 =	sadd.s32 $0x80, s0;
	v6 =	vld [tilespmem:s10+$0xFFFFFFE0]  }
0xd9: {  	v7 =	vld [tilespmem:s0+$0x30]  }
0xda: {  	v8 =	vld [tilespmem:s10+$0xFFFFFFF0]  }
0xdb: {  	v9 =	vld [tilespmem:s10+$0x0]  }
0xdc: {  	v10 =	vld [tilespmem:s10+$0x10]  }
0xdd: {  	v11 =	vld [tilespmem:s10+$0x20]  }
0xde: {  	[tilespmem:v4+s2+$0x0] =	vst.idx.add.f32.msk $0xffff, v7  }
0xdf: {  	v4 =	vld [tilespmem:s10+$0xFFFFFFC0]  }
0xe0: {  	v7 =	vld [tilespmem:s0+$0xFFFFFFC0]  }
0xe1: {  	v12 =	vld [tilespmem:s0+$0xFFFFFFD0]  }
0xe2: {  	v13 =	vld [tilespmem:s0+$0xFFFFFFE0]  }
0xe3: {  	v14 =	vld [tilespmem:s0+$0xFFFFFFF0]  }
0xe4: {  	v15 =	vld [tilespmem:s0+$0x0]  }
0xe5: {  	v16 =	vld [tilespmem:s0+$0x10]  }
0xe6: {  	v17 =	vld [tilespmem:s0+$0x20]  }
0xe7: {  	[tilespmem:v4+s2+$0x0] =	vst.idx.add.f32.msk $0xffff, v7  }
0xe8: {  	[tilespmem:v5+s2+$0x0] =	vst.idx.add.f32.msk $0xffff, v12  }
.Ltmp7:
0xe9: {  	[tilespmem:v6+s2+$0x0] =	vst.idx.add.f32.msk $0xffff, v13;
	(pc) =	sbr.rel @p2 .LBB2_11-.Ltmp7, $4  }
0xea: {  	[tilespmem:v8+s2+$0x0] =	vst.idx.add.f32.msk $0xffff, v14  }
0xeb: {  	[tilespmem:v9+s2+$0x0] =	vst.idx.add.f32.msk $0xffff, v15  }
0xec: {  	[tilespmem:v10+s2+$0x0] =	vst.idx.add.f32.msk $0xffff, v16  }
0xed: {  	s10 =	sadd.s32 $0x80, s10;
	[tilespmem:v11+s2+$0x0] =	vst.idx.add.f32.msk $0xffff, v17  }
.LBB2_12:
0xee: {  	s0 =	rddreg [dreg:$0x5]  }
0xef: {  	[hbm4b:s0+s2] =	stream.linear.scatter [tilespmem:s2], [sflag:$0x3], $0x18700, $0x38;
	[tilespmem:$0x19700] =	vst v63  }
0xf0: {  	_ =	swait.ge [sflag:s29], $0x18700  }
0xf1: {  	[sflag:s29] =	ssyncset.done $0x0  }
0xf2: {  	s0 =	simm.s32 $0x40;
	[sflag:s29] =	ssyncadd.s32 $0xFFFE7900  }
0xf3: {  	[tilespmem:s0+$0xFFFFFFC0] =	vst v1  }
0xf4: {  	[tilespmem:s0+$0x30] =	vst v1  }
0xf5: {  	[tilespmem:s0+$0x20] =	vst v1  }
0xf6: {  	[tilespmem:s0+$0x10] =	vst v1  }
0xf7: {  	[tilespmem:s0+$0x0] =	vst v1  }
0xf8: {  	[tilespmem:s0+$0xFFFFFFF0] =	vst v1  }
0xf9: {  	s1 =	simm.s32 $0x0;
	[tilespmem:s0+$0xFFFFFFE0] =	vst v1  }
.LBB2_13:
0xfa: {  	s1 =	sadd.s32 $0x8, s1;
	[tilespmem:s0+$0xFFFFFFD0] =	vst v1;
	s0 =	sadd.s32 $0x80, s0  }
0xfb: {  	[tilespmem:s0+$0xFFFFFFC0] =	vst v1;
	p2 =	slt.u32 s1, $0x1868  }
0xfc: {  	[tilespmem:s0+$0x30] =	vst v1  }
.Ltmp8:
0xfd: {  	[tilespmem:s0+$0x20] =	vst v1;
	(pc) =	sbr.rel @p2 .LBB2_13-.Ltmp8, $4  }
0xfe: {  	[tilespmem:s0+$0x10] =	vst v1  }
0xff: {  	[tilespmem:s0+$0x0] =	vst v1  }
0x100: {  	[tilespmem:s0+$0xFFFFFFF0] =	vst v1  }
0x101: {  	[tilespmem:s0+$0xFFFFFFE0] =	vst v1  }
.Ltmp9:
0x102: {  	(pc) =	sbr.rel .LBB2_15-.Ltmp9, $4  }
0x103: {  	[tilespmem:s0+$0xFFFFFFD0] =	vst v1;
	s31 =	simm.s32 $0x0  }
0x104: {  	[tilespmem:s22], [sflag:$0x1] =	stream.linear.gather [hbm4b:s7+s31], $0x400, $0x38;
	[tilespmem:$0x19700] =	vst v63  }
0x105: {  	s0 =	simm.s32 $0x0  }
0x106: {  	[tilespmem:s23], [sflag:$0x1] =	stream.linear.gather [hbm4b:s8+s31], $0x400, $0x38;
	[tilespmem:$0x19700] =	vst v63  }
.LBB2_53:
0x107: {  	s0 =	sadd.s32 $0x1, s0  }
0x108: {  	p2 =	sne.s32 s0, $0x30D  }
.Ltmp10:
0x109: {  	_ = 	snop;
	(pc) =	sbr.rel @!p2 .LBB2_54-.Ltmp10, $1  }
0x10a: {  	_ =	sdelay $0x3  }
.LBB2_15:
0x10b: {  	s1 =	sshll.u32 s0, $0x4  }
0x10c: {  	s10 =	sadd.s32 s1, s6  }
0x10d: {  	s10 =	sadd.s32 $0x8, s10  }
0x10e: {  	s19 =	sshll.u32 s10, $0x7  }
0x10f: {  	s19 =	sadd.s32 s3, s19  }
0x110: {  	s19 =	sshrl.u32 s19, $0x3  }
0x111: {  	s10 =	sshll.u32 s10, $0x4;
	s19 =	sadd.s32 s4, s19  }
0x112: {  	[tilespmem:s24], [sflag:$0x2] =	stream.linear.gather [hbm4b:s19+s31], $0x400, $0x38;
	[tilespmem:$0x19700] =	vst v63  }
0x113: {  	s10 =	sadd.s32 s5, s10  }
0x114: {  	[tilespmem:s25], [sflag:$0x2] =	stream.linear.gather [hbm4b:s10+s31], $0x400, $0x38;
	[tilespmem:$0x19700] =	vst v63  }
0x115: {  	_ =	swait.ge [sflag:s26], $0x400  }
.Ltmp11:
0x116: {  	[sflag:s26] =	ssyncset.done $0x0;
	(pc) =	sbr.rel .LBB2_16-.Ltmp11, $4  }
0x117: {  	[sflag:s26] =	ssyncadd.s32 $0xFFFFFC00  }
0x118: {  	_ =	swait.ge [sflag:s26], $0x400  }
0x119: {  	[sflag:s26] =	ssyncset.done $0x0  }
0x11a: {  	s19 =	simm.s32 $0x0;
	[sflag:s26] =	ssyncadd.s32 $0xFFFFFC00  }
.LBB2_33:
0x11b: {  	s19 =	sadd.s32 $0x1, s19  }
0x11c: {  	p2 =	sne.s32 s19, $0x8  }
.Ltmp12:
0x11d: {  	_ = 	snop;
	(pc) =	sbr.rel @!p2 .LBB2_34-.Ltmp12, $1  }
0x11e: {  	_ =	sdelay $0x3  }
.LBB2_16:
0x11f: {  	s10 =	sshrl.u32 s19, $0x1;
	s11 =	sand.u32 $0x1, s19  }
0x120: {  	s12 =	sadd.s32 s11, s10  }
0x121: {  	s11 =	sshll.u32 s11, $0x7;
	s10 =	sshll.u32 s10, $0x7;
	s12 =	sshll.u32 s12, $0x7  }
0x122: {  	s10 =	sadd.s32 s11, s10;
	v18 =	vld [tilespmem:s12+$0x18B00]  }
0x123: {  	v16 =	vld [tilespmem:s10+$0x18B10]  }
0x124: {  	v14 =	vld [tilespmem:s10+$0x18B20]  }
0x125: {  	v12 =	vld [tilespmem:s10+$0x18B30]  }
0x126: {  	v10 =	vld [tilespmem:s10+$0x18B40]  }
0x127: {  	v8 =	vld [tilespmem:s10+$0x18B50]  }
0x128: {  	v6 =	vld [tilespmem:s10+$0x18B60]  }
0x129: {  	v4 =	vld [tilespmem:s10+$0x18B70]  }
0x12a: {  	v19 =	vld [tilespmem:s12+$0x18700]  }
0x12b: {  	v17 =	vld [tilespmem:s10+$0x18710]  }
0x12c: {  	v15 =	vld [tilespmem:s10+$0x18720]  }
0x12d: {  	v13 =	vld [tilespmem:s10+$0x18730]  }
0x12e: {  	v11 =	vld [tilespmem:s10+$0x18740]  }
0x12f: {  	v9 =	vld [tilespmem:s10+$0x18750]  }
0x130: {  	v7 =	vld [tilespmem:s10+$0x18760]  }
0x131: {  	v5 =	vld [tilespmem:s10+$0x18770]  }
0x132: {  	v20 =	vld.idx.msk [tilespmem:v18+s2+$0x0], $0xffff  }
0x133: {  	v21 =	vld.idx.msk [tilespmem:v16+s2+$0x0], $0xffff  }
0x134: {  	v22 =	vld.idx.msk [tilespmem:v14+s2+$0x0], $0xffff  }
0x135: {  	v23 =	vld.idx.msk [tilespmem:v12+s2+$0x0], $0xffff  }
0x136: {  	v24 =	vld.idx.msk [tilespmem:v10+s2+$0x0], $0xffff  }
0x137: {  	v25 =	vld.idx.msk [tilespmem:v8+s2+$0x0], $0xffff  }
0x138: {  	v26 =	vld.idx.msk [tilespmem:v6+s2+$0x0], $0xffff;
	v20 =	vmax.f32 v20, v19  }
0x139: {  	v27 =	vld.idx.msk [tilespmem:v4+s2+$0x0], $0xffff;
	[tilespmem:v18+s2+$0x0] =	vst.idx.msk $0xffff, v20;
	v20 =	vmax.f32 v21, v17  }
0x13a: {  	[tilespmem:v16+s2+$0x0] =	vst.idx.msk $0xffff, v20;
	v20 =	vmax.f32 v22, v15  }
0x13b: {  	[tilespmem:v14+s2+$0x0] =	vst.idx.msk $0xffff, v20;
	v20 =	vmax.f32 v23, v13  }
0x13c: {  	[tilespmem:v12+s2+$0x0] =	vst.idx.msk $0xffff, v20;
	v20 =	vmax.f32 v24, v11  }
0x13d: {  	[tilespmem:v10+s2+$0x0] =	vst.idx.msk $0xffff, v20;
	v20 =	vmax.f32 v25, v9  }
0x13e: {  	[tilespmem:v8+s2+$0x0] =	vst.idx.msk $0xffff, v20;
	v20 =	vmax.f32 v26, v7  }
0x13f: {  	[tilespmem:v6+s2+$0x0] =	vst.idx.msk $0xffff, v20;
	v20 =	vmax.f32 v27, v5  }
0x140: {  	[tilespmem:v4+s2+$0x0] =	vst.idx.msk $0xffff, v20  }
0x141: {  	v20 =	vld.idx.msk [tilespmem:v16+s2+$0x0], $0xffff  }
0x142: {  	v21 =	vld.idx.msk [tilespmem:v14+s2+$0x0], $0xffff  }
0x143: {  	v22 =	vld.idx.msk [tilespmem:v12+s2+$0x0], $0xffff  }
0x144: {  	v23 =	vld.idx.msk [tilespmem:v10+s2+$0x0], $0xffff  }
0x145: {  	v61 =	vld.idx.msk [tilespmem:v8+s2+$0x0], $0xffff  }
0x146: {  	v62 =	vld.idx.msk [tilespmem:v6+s2+$0x0], $0xffff  }
0x147: {  	v63 =	vld.idx.msk [tilespmem:v4+s2+$0x0], $0xffff;
	vm0 =	vlt.f32 v20, v17;
	vm1 =	vlt.f32 v21, v15  }
0x148: {  	v20 =	vld.idx.msk [tilespmem:v18+s2+$0x0], $0xffff;
	vm0 =	vmor vm0, vm1;
	vm1 =	vlt.f32 v22, v13  }
0x149: {  	vm0 =	vmor vm0, vm1;
	vm1 =	vlt.f32 v23, v11  }
0x14a: {  	vm0 =	vmor vm0, vm1;
	vm1 =	vlt.f32 v61, v9  }
0x14b: {  	vm0 =	vmor vm0, vm1;
	vm1 =	vlt.f32 v62, v7  }
0x14c: {  	vm2 =	vlt.f32 v63, v5;
	vm1 =	vmor vm0, vm1  }
0x14d: {  	vm0 =	vlt.f32 v20, v19;
	vm1 =	vmor vm1, vm2  }
0x14e: {  	vm1 =	vmor vm0, vm1  }
0x14f: {  	v21 =	vsel vm1, $0x1, v2  }
0x150: {  	v21 =	vor.u32 $0x80000000, v21  }
0x151: {  	(xrf0) =	vmax.scan.msk.u32 $0xffff, v21;
	_ =	sdelay $0x5  }
0x152: {  	v21, _, _ =	vpop (xrf0)  }
0x153: {  	(v2sf) =	vpush v21, $0xF;
	_ =	sdelay $0xe  }
0x154: {  	s12 =	spop (v2sf)  }
0x155: {  	p2 =	slt.u32 s12, $0x80000001  }
.Ltmp13:
0x156: {  	_ = 	snop;
	(pc) =	sbr.rel @p2 .LBB2_33-.Ltmp13, $1  }
0x157: {  	_ =	sdelay $0x3  }
0x158: {  	vm1 =	vlt.f32 v20, v19  }
0x159: {  	v20 =	vsel vm1, $0x1, v2  }
0x15a: {  	v20 =	vor.u32 $0x80000000, v20  }
0x15b: {  	(xrf0) =	vmax.scan.msk.u32 $0xffff, v20;
	_ =	sdelay $0x5  }
0x15c: {  	v20, _, _ =	vpop (xrf0)  }
0x15d: {  	(v2sf) =	vpush v20, $0xF;
	_ =	sdelay $0xe  }
0x15e: {  	s10 =	spop (v2sf)  }
0x15f: {  	p2 =	slt.u32 s10, $0x80000001  }
.Ltmp14:
0x160: {  	_ = 	snop;
	(pc) =	sbr.rel @p2 .LBB2_19-.Ltmp14, $1  }
0x161: {  	_ =	sdelay $0x3  }
.LBB2_18:
0x162: {  	v20 =	vld.idx.msk [tilespmem:v18+s2+$0x0], $0xffff;
	_ =	sdelay $0x4  }
0x163: {  	v20 =	vmax.f32 v20, v19  }
0x164: {  	[tilespmem:v18+s2+$0x0] =	vst.idx.msk vm0, v20  }
0x165: {  	v20 =	vld.idx.msk [tilespmem:v18+s2+$0x0], $0xffff;
	_ =	sdelay $0x4  }
0x166: {  	vm0 =	vlt.f32 v20, v19  }
0x167: {  	v20 =	vsel vm0, $0x1, v2  }
0x168: {  	v20 =	vor.u32 $0x80000000, v20  }
0x169: {  	(xrf0) =	vmax.scan.msk.u32 $0xffff, v20;
	_ =	sdelay $0x5  }
0x16a: {  	v20, _, _ =	vpop (xrf0)  }
0x16b: {  	(v2sf) =	vpush v20, $0xF;
	_ =	sdelay $0xe  }
0x16c: {  	s10 =	spop (v2sf)  }
0x16d: {  	p2 =	sgt.u32 s10, $0x80000000  }
.Ltmp15:
0x16e: {  	_ = 	snop;
	(pc) =	sbr.rel @p2 .LBB2_18-.Ltmp15, $1  }
0x16f: {  	_ =	sdelay $0x3  }
.LBB2_19:
0x170: {  	_ =	sdelay $0x3  }
0x171: {  	v18 =	vld.idx.msk [tilespmem:v16+s2+$0x0], $0xffff;
	_ =	sdelay $0x4  }
0x172: {  	vm0 =	vlt.f32 v18, v17  }
0x173: {  	v18 =	vsel vm0, $0x1, v2  }
0x174: {  	v18 =	vor.u32 $0x80000000, v18  }
0x175: {  	(xrf0) =	vmax.scan.msk.u32 $0xffff, v18;
	_ =	sdelay $0x5  }
0x176: {  	v18, _, _ =	vpop (xrf0)  }
0x177: {  	(v2sf) =	vpush v18, $0xF;
	_ =	sdelay $0xe  }
0x178: {  	s10 =	spop (v2sf)  }
0x179: {  	p2 =	slt.u32 s10, $0x80000001  }
.Ltmp16:
0x17a: {  	_ = 	snop;
	(pc) =	sbr.rel @p2 .LBB2_21-.Ltmp16, $1  }
0x17b: {  	_ =	sdelay $0x3  }
.LBB2_20:
0x17c: {  	v18 =	vld.idx.msk [tilespmem:v16+s2+$0x0], $0xffff;
	_ =	sdelay $0x4  }
0x17d: {  	v18 =	vmax.f32 v18, v17  }
0x17e: {  	[tilespmem:v16+s2+$0x0] =	vst.idx.msk vm0, v18  }
0x17f: {  	v18 =	vld.idx.msk [tilespmem:v16+s2+$0x0], $0xffff;
	_ =	sdelay $0x4  }
0x180: {  	vm0 =	vlt.f32 v18, v17  }
0x181: {  	v18 =	vsel vm0, $0x1, v2  }
0x182: {  	v18 =	vor.u32 $0x80000000, v18  }
0x183: {  	(xrf0) =	vmax.scan.msk.u32 $0xffff, v18;
	_ =	sdelay $0x5  }
0x184: {  	v18, _, _ =	vpop (xrf0)  }
0x185: {  	(v2sf) =	vpush v18, $0xF;
	_ =	sdelay $0xe  }
0x186: {  	s10 =	spop (v2sf)  }
0x187: {  	p2 =	sgt.u32 s10, $0x80000000  }
.Ltmp17:
0x188: {  	_ = 	snop;
	(pc) =	sbr.rel @p2 .LBB2_20-.Ltmp17, $1  }
0x189: {  	_ =	sdelay $0x3  }
.LBB2_21:
0x18a: {  	_ =	sdelay $0x3  }
0x18b: {  	v16 =	vld.idx.msk [tilespmem:v14+s2+$0x0], $0xffff;
	_ =	sdelay $0x4  }
0x18c: {  	vm0 =	vlt.f32 v16, v15  }
0x18d: {  	v16 =	vsel vm0, $0x1, v2  }
0x18e: {  	v16 =	vor.u32 $0x80000000, v16  }
0x18f: {  	(xrf0) =	vmax.scan.msk.u32 $0xffff, v16;
	_ =	sdelay $0x5  }
0x190: {  	v16, _, _ =	vpop (xrf0)  }
0x191: {  	(v2sf) =	vpush v16, $0xF;
	_ =	sdelay $0xe  }
0x192: {  	s10 =	spop (v2sf)  }
0x193: {  	p2 =	slt.u32 s10, $0x80000001  }
.Ltmp18:
0x194: {  	_ = 	snop;
	(pc) =	sbr.rel @p2 .LBB2_23-.Ltmp18, $1  }
0x195: {  	_ =	sdelay $0x3  }
.LBB2_22:
0x196: {  	v16 =	vld.idx.msk [tilespmem:v14+s2+$0x0], $0xffff;
	_ =	sdelay $0x4  }
0x197: {  	v16 =	vmax.f32 v16, v15  }
0x198: {  	[tilespmem:v14+s2+$0x0] =	vst.idx.msk vm0, v16  }
0x199: {  	v16 =	vld.idx.msk [tilespmem:v14+s2+$0x0], $0xffff;
	_ =	sdelay $0x4  }
0x19a: {  	vm0 =	vlt.f32 v16, v15  }
0x19b: {  	v16 =	vsel vm0, $0x1, v2  }
0x19c: {  	v16 =	vor.u32 $0x80000000, v16  }
0x19d: {  	(xrf0) =	vmax.scan.msk.u32 $0xffff, v16;
	_ =	sdelay $0x5  }
0x19e: {  	v16, _, _ =	vpop (xrf0)  }
0x19f: {  	(v2sf) =	vpush v16, $0xF;
	_ =	sdelay $0xe  }
0x1a0: {  	s10 =	spop (v2sf)  }
0x1a1: {  	p2 =	sgt.u32 s10, $0x80000000  }
.Ltmp19:
0x1a2: {  	_ = 	snop;
	(pc) =	sbr.rel @p2 .LBB2_22-.Ltmp19, $1  }
0x1a3: {  	_ =	sdelay $0x3  }
.LBB2_23:
0x1a4: {  	_ =	sdelay $0x3  }
0x1a5: {  	v14 =	vld.idx.msk [tilespmem:v12+s2+$0x0], $0xffff;
	_ =	sdelay $0x4  }
0x1a6: {  	vm0 =	vlt.f32 v14, v13  }
0x1a7: {  	v14 =	vsel vm0, $0x1, v2  }
0x1a8: {  	v14 =	vor.u32 $0x80000000, v14  }
0x1a9: {  	(xrf0) =	vmax.scan.msk.u32 $0xffff, v14;
	_ =	sdelay $0x5  }
0x1aa: {  	v14, _, _ =	vpop (xrf0)  }
0x1ab: {  	(v2sf) =	vpush v14, $0xF;
	_ =	sdelay $0xe  }
0x1ac: {  	s10 =	spop (v2sf)  }
0x1ad: {  	p2 =	slt.u32 s10, $0x80000001  }
.Ltmp20:
0x1ae: {  	_ = 	snop;
	(pc) =	sbr.rel @p2 .LBB2_25-.Ltmp20, $1  }
0x1af: {  	_ =	sdelay $0x3  }
.LBB2_24:
0x1b0: {  	v14 =	vld.idx.msk [tilespmem:v12+s2+$0x0], $0xffff;
	_ =	sdelay $0x4  }
0x1b1: {  	v14 =	vmax.f32 v14, v13  }
0x1b2: {  	[tilespmem:v12+s2+$0x0] =	vst.idx.msk vm0, v14  }
0x1b3: {  	v14 =	vld.idx.msk [tilespmem:v12+s2+$0x0], $0xffff;
	_ =	sdelay $0x4  }
0x1b4: {  	vm0 =	vlt.f32 v14, v13  }
0x1b5: {  	v14 =	vsel vm0, $0x1, v2  }
0x1b6: {  	v14 =	vor.u32 $0x80000000, v14  }
0x1b7: {  	(xrf0) =	vmax.scan.msk.u32 $0xffff, v14;
	_ =	sdelay $0x5  }
0x1b8: {  	v14, _, _ =	vpop (xrf0)  }
0x1b9: {  	(v2sf) =	vpush v14, $0xF;
	_ =	sdelay $0xe  }
0x1ba: {  	s10 =	spop (v2sf)  }
0x1bb: {  	p2 =	sgt.u32 s10, $0x80000000  }
.Ltmp21:
0x1bc: {  	_ = 	snop;
	(pc) =	sbr.rel @p2 .LBB2_24-.Ltmp21, $1  }
0x1bd: {  	_ =	sdelay $0x3  }
.LBB2_25:
0x1be: {  	_ =	sdelay $0x3  }
0x1bf: {  	v12 =	vld.idx.msk [tilespmem:v10+s2+$0x0], $0xffff;
	_ =	sdelay $0x4  }
0x1c0: {  	vm0 =	vlt.f32 v12, v11  }
0x1c1: {  	v12 =	vsel vm0, $0x1, v2  }
0x1c2: {  	v12 =	vor.u32 $0x80000000, v12  }
0x1c3: {  	(xrf0) =	vmax.scan.msk.u32 $0xffff, v12;
	_ =	sdelay $0x5  }
0x1c4: {  	v12, _, _ =	vpop (xrf0)  }
0x1c5: {  	(v2sf) =	vpush v12, $0xF;
	_ =	sdelay $0xe  }
0x1c6: {  	s10 =	spop (v2sf)  }
0x1c7: {  	p2 =	slt.u32 s10, $0x80000001  }
.Ltmp22:
0x1c8: {  	_ = 	snop;
	(pc) =	sbr.rel @p2 .LBB2_27-.Ltmp22, $1  }
0x1c9: {  	_ =	sdelay $0x3  }
.LBB2_26:
0x1ca: {  	v12 =	vld.idx.msk [tilespmem:v10+s2+$0x0], $0xffff;
	_ =	sdelay $0x4  }
0x1cb: {  	v12 =	vmax.f32 v12, v11  }
0x1cc: {  	[tilespmem:v10+s2+$0x0] =	vst.idx.msk vm0, v12  }
0x1cd: {  	v12 =	vld.idx.msk [tilespmem:v10+s2+$0x0], $0xffff;
	_ =	sdelay $0x4  }
0x1ce: {  	vm0 =	vlt.f32 v12, v11  }
0x1cf: {  	v12 =	vsel vm0, $0x1, v2  }
0x1d0: {  	v12 =	vor.u32 $0x80000000, v12  }
0x1d1: {  	(xrf0) =	vmax.scan.msk.u32 $0xffff, v12;
	_ =	sdelay $0x5  }
0x1d2: {  	v12, _, _ =	vpop (xrf0)  }
0x1d3: {  	(v2sf) =	vpush v12, $0xF;
	_ =	sdelay $0xe  }
0x1d4: {  	s10 =	spop (v2sf)  }
0x1d5: {  	p2 =	sgt.u32 s10, $0x80000000  }
.Ltmp23:
0x1d6: {  	_ = 	snop;
	(pc) =	sbr.rel @p2 .LBB2_26-.Ltmp23, $1  }
0x1d7: {  	_ =	sdelay $0x3  }
.LBB2_27:
0x1d8: {  	_ =	sdelay $0x3  }
0x1d9: {  	v10 =	vld.idx.msk [tilespmem:v8+s2+$0x0], $0xffff;
	_ =	sdelay $0x4  }
0x1da: {  	vm0 =	vlt.f32 v10, v9  }
0x1db: {  	v10 =	vsel vm0, $0x1, v2  }
0x1dc: {  	v10 =	vor.u32 $0x80000000, v10  }
0x1dd: {  	(xrf0) =	vmax.scan.msk.u32 $0xffff, v10;
	_ =	sdelay $0x5  }
0x1de: {  	v10, _, _ =	vpop (xrf0)  }
0x1df: {  	(v2sf) =	vpush v10, $0xF;
	_ =	sdelay $0xe  }
0x1e0: {  	s10 =	spop (v2sf)  }
0x1e1: {  	p2 =	slt.u32 s10, $0x80000001  }
.Ltmp24:
0x1e2: {  	_ = 	snop;
	(pc) =	sbr.rel @p2 .LBB2_29-.Ltmp24, $1  }
0x1e3: {  	_ =	sdelay $0x3  }
.LBB2_28:
0x1e4: {  	v10 =	vld.idx.msk [tilespmem:v8+s2+$0x0], $0xffff;
	_ =	sdelay $0x4  }
0x1e5: {  	v10 =	vmax.f32 v10, v9  }
0x1e6: {  	[tilespmem:v8+s2+$0x0] =	vst.idx.msk vm0, v10  }
0x1e7: {  	v10 =	vld.idx.msk [tilespmem:v8+s2+$0x0], $0xffff;
	_ =	sdelay $0x4  }
0x1e8: {  	vm0 =	vlt.f32 v10, v9  }
0x1e9: {  	v10 =	vsel vm0, $0x1, v2  }
0x1ea: {  	v10 =	vor.u32 $0x80000000, v10  }
0x1eb: {  	(xrf0) =	vmax.scan.msk.u32 $0xffff, v10;
	_ =	sdelay $0x5  }
0x1ec: {  	v10, _, _ =	vpop (xrf0)  }
0x1ed: {  	(v2sf) =	vpush v10, $0xF;
	_ =	sdelay $0xe  }
0x1ee: {  	s10 =	spop (v2sf)  }
0x1ef: {  	p2 =	sgt.u32 s10, $0x80000000  }
.Ltmp25:
0x1f0: {  	_ = 	snop;
	(pc) =	sbr.rel @p2 .LBB2_28-.Ltmp25, $1  }
0x1f1: {  	_ =	sdelay $0x3  }
.LBB2_29:
0x1f2: {  	_ =	sdelay $0x3  }
0x1f3: {  	v8 =	vld.idx.msk [tilespmem:v6+s2+$0x0], $0xffff;
	_ =	sdelay $0x4  }
0x1f4: {  	vm0 =	vlt.f32 v8, v7  }
0x1f5: {  	v8 =	vsel vm0, $0x1, v2  }
0x1f6: {  	v8 =	vor.u32 $0x80000000, v8  }
0x1f7: {  	(xrf0) =	vmax.scan.msk.u32 $0xffff, v8;
	_ =	sdelay $0x5  }
0x1f8: {  	v8, _, _ =	vpop (xrf0)  }
0x1f9: {  	(v2sf) =	vpush v8, $0xF;
	_ =	sdelay $0xe  }
0x1fa: {  	s10 =	spop (v2sf)  }
0x1fb: {  	p2 =	slt.u32 s10, $0x80000001  }
.Ltmp26:
0x1fc: {  	_ = 	snop;
	(pc) =	sbr.rel @p2 .LBB2_31-.Ltmp26, $1  }
0x1fd: {  	_ =	sdelay $0x3  }
.LBB2_30:
0x1fe: {  	v8 =	vld.idx.msk [tilespmem:v6+s2+$0x0], $0xffff;
	_ =	sdelay $0x4  }
0x1ff: {  	v8 =	vmax.f32 v8, v7  }
0x200: {  	[tilespmem:v6+s2+$0x0] =	vst.idx.msk vm0, v8  }
0x201: {  	v8 =	vld.idx.msk [tilespmem:v6+s2+$0x0], $0xffff;
	_ =	sdelay $0x4  }
0x202: {  	vm0 =	vlt.f32 v8, v7  }
0x203: {  	v8 =	vsel vm0, $0x1, v2  }
0x204: {  	v8 =	vor.u32 $0x80000000, v8  }
0x205: {  	(xrf0) =	vmax.scan.msk.u32 $0xffff, v8;
	_ =	sdelay $0x5  }
0x206: {  	v8, _, _ =	vpop (xrf0)  }
0x207: {  	(v2sf) =	vpush v8, $0xF;
	_ =	sdelay $0xe  }
0x208: {  	s10 =	spop (v2sf)  }
0x209: {  	p2 =	sgt.u32 s10, $0x80000000  }
.Ltmp27:
0x20a: {  	_ = 	snop;
	(pc) =	sbr.rel @p2 .LBB2_30-.Ltmp27, $1  }
0x20b: {  	_ =	sdelay $0x3  }
.LBB2_31:
0x20c: {  	_ =	sdelay $0x3  }
0x20d: {  	v6 =	vld.idx.msk [tilespmem:v4+s2+$0x0], $0xffff;
	_ =	sdelay $0x4  }
0x20e: {  	vm0 =	vlt.f32 v6, v5  }
0x20f: {  	v6 =	vsel vm0, $0x1, v2  }
0x210: {  	v6 =	vor.u32 $0x80000000, v6  }
0x211: {  	(xrf0) =	vmax.scan.msk.u32 $0xffff, v6;
	_ =	sdelay $0x5  }
0x212: {  	v6, _, _ =	vpop (xrf0)  }
0x213: {  	(v2sf) =	vpush v6, $0xF;
	_ =	sdelay $0xe  }
0x214: {  	s10 =	spop (v2sf)  }
0x215: {  	p2 =	slt.u32 s10, $0x80000001  }
.Ltmp28:
0x216: {  	_ = 	snop;
	(pc) =	sbr.rel @p2 .LBB2_33-.Ltmp28, $1  }
0x217: {  	_ =	sdelay $0x3  }
.LBB2_32:
0x218: {  	v6 =	vld.idx.msk [tilespmem:v4+s2+$0x0], $0xffff;
	_ =	sdelay $0x4  }
0x219: {  	v6 =	vmax.f32 v6, v5  }
0x21a: {  	[tilespmem:v4+s2+$0x0] =	vst.idx.msk vm0, v6  }
0x21b: {  	v6 =	vld.idx.msk [tilespmem:v4+s2+$0x0], $0xffff;
	_ =	sdelay $0x4  }
0x21c: {  	vm0 =	vlt.f32 v6, v5  }
0x21d: {  	v6 =	vsel vm0, $0x1, v2  }
0x21e: {  	v6 =	vor.u32 $0x80000000, v6  }
0x21f: {  	(xrf0) =	vmax.scan.msk.u32 $0xffff, v6;
	_ =	sdelay $0x5  }
0x220: {  	v6, _, _ =	vpop (xrf0)  }
0x221: {  	(v2sf) =	vpush v6, $0xF;
	_ =	sdelay $0xe  }
0x222: {  	s10 =	spop (v2sf)  }
0x223: {  	p2 =	sgt.u32 s10, $0x80000000  }
.Ltmp29:
0x224: {  	_ = 	snop;
	(pc) =	sbr.rel @p2 .LBB2_32-.Ltmp29, $1  }
0x225: {  	_ =	sdelay $0x3  }
.Ltmp30:
0x226: {  	_ = 	snop;
	(pc) =	sbr.rel .LBB2_33-.Ltmp30, $1  }
0x227: {  	_ =	sdelay $0x3  }
.LBB2_34:
0x228: {  	p2 =	seq.s32 s0, $0x30C  }
0x229: {  	s1 =	sadd.s32 @!p2 s1, s9  }
0x22a: {  	s10 =	sshll.u32 @!p2 s1, $0x7  }
0x22b: {  	s10 =	sadd.s32 @!p2 s3, s10  }
0x22c: {  	s11 =	simm.s32 @!p2 $0x0;
	s10 =	sshrl.u32 @!p2 s10, $0x3  }
0x22d: {  	s12 =	simm.s32 @!p2 $0x18700;
	s1 =	sshll.u32 @!p2 s1, $0x4;
	s10 =	sadd.s32 @!p2 s4, s10  }
0x22e: {  	[tilespmem:s12], [sflag:$0x1] =	stream.linear.gather @!p2 [hbm4b:s10+s11], $0x400, $0x38;
	[tilespmem:$0x19700] =	vst v63  }
0x22f: {  	s1 =	sadd.s32 @!p2 s5, s1;
	s10 =	simm.s32 @!p2 $0x18B00  }
0x230: {  	[tilespmem:s10], [sflag:$0x1] =	stream.linear.gather @!p2 [hbm4b:s1+s11], $0x400, $0x38;
	[tilespmem:$0x19700] =	vst v63  }
0x231: {  	_ =	swait.ge [sflag:s28], $0x400  }
.Ltmp31:
0x232: {  	[sflag:s28] =	ssyncset.done $0x0;
	(pc) =	sbr.rel .LBB2_35-.Ltmp31, $4  }
0x233: {  	[sflag:s28] =	ssyncadd.s32 $0xFFFFFC00  }
0x234: {  	_ =	swait.ge [sflag:s28], $0x400  }
0x235: {  	[sflag:s28] =	ssyncset.done $0x0  }
0x236: {  	s1 =	simm.s32 $0x0;
	[sflag:s28] =	ssyncadd.s32 $0xFFFFFC00  }
.LBB2_52:
0x237: {  	s1 =	sadd.s32 $0x1, s1  }
0x238: {  	p2 =	sne.s32 s1, $0x8  }
.Ltmp32:
0x239: {  	_ = 	snop;
	(pc) =	sbr.rel @!p2 .LBB2_53-.Ltmp32, $1  }
0x23a: {  	_ =	sdelay $0x3  }
.LBB2_35:
0x23b: {  	s10 =	sshrl.u32 s1, $0x1;
	s11 =	sand.u32 $0x1, s1  }
0x23c: {  	s12 =	sadd.s32 s11, s10  }
0x23d: {  	s11 =	sshll.u32 s11, $0x7;
	s10 =	sshll.u32 s10, $0x7;
	s12 =	sshll.u32 s12, $0x7  }
0x23e: {  	s10 =	sadd.s32 s11, s10;
	v18 =	vld [tilespmem:s12+$0x19300]  }
0x23f: {  	v16 =	vld [tilespmem:s10+$0x19310]  }
0x240: {  	v14 =	vld [tilespmem:s10+$0x19320]  }
0x241: {  	v12 =	vld [tilespmem:s10+$0x19330]  }
0x242: {  	v10 =	vld [tilespmem:s10+$0x19340]  }
0x243: {  	v8 =	vld [tilespmem:s10+$0x19350]  }
0x244: {  	v6 =	vld [tilespmem:s10+$0x19360]  }
0x245: {  	v4 =	vld [tilespmem:s10+$0x19370]  }
0x246: {  	v19 =	vld [tilespmem:s12+$0x18F00]  }
0x247: {  	v17 =	vld [tilespmem:s10+$0x18F10]  }
0x248: {  	v15 =	vld [tilespmem:s10+$0x18F20]  }
0x249: {  	v13 =	vld [tilespmem:s10+$0x18F30]  }
0x24a: {  	v11 =	vld [tilespmem:s10+$0x18F40]  }
0x24b: {  	v9 =	vld [tilespmem:s10+$0x18F50]  }
0x24c: {  	v7 =	vld [tilespmem:s10+$0x18F60]  }
0x24d: {  	v5 =	vld [tilespmem:s10+$0x18F70]  }
0x24e: {  	v20 =	vld.idx.msk [tilespmem:v18+s2+$0x0], $0xffff  }
0x24f: {  	v21 =	vld.idx.msk [tilespmem:v16+s2+$0x0], $0xffff  }
0x250: {  	v22 =	vld.idx.msk [tilespmem:v14+s2+$0x0], $0xffff  }
0x251: {  	v23 =	vld.idx.msk [tilespmem:v12+s2+$0x0], $0xffff  }
0x252: {  	v24 =	vld.idx.msk [tilespmem:v10+s2+$0x0], $0xffff  }
0x253: {  	v25 =	vld.idx.msk [tilespmem:v8+s2+$0x0], $0xffff  }
0x254: {  	v26 =	vld.idx.msk [tilespmem:v6+s2+$0x0], $0xffff;
	v20 =	vmax.f32 v20, v19  }
0x255: {  	v27 =	vld.idx.msk [tilespmem:v4+s2+$0x0], $0xffff;
	[tilespmem:v18+s2+$0x0] =	vst.idx.msk $0xffff, v20;
	v20 =	vmax.f32 v21, v17  }
0x256: {  	[tilespmem:v16+s2+$0x0] =	vst.idx.msk $0xffff, v20;
	v20 =	vmax.f32 v22, v15  }
0x257: {  	[tilespmem:v14+s2+$0x0] =	vst.idx.msk $0xffff, v20;
	v20 =	vmax.f32 v23, v13  }
0x258: {  	[tilespmem:v12+s2+$0x0] =	vst.idx.msk $0xffff, v20;
	v20 =	vmax.f32 v24, v11  }
0x259: {  	[tilespmem:v10+s2+$0x0] =	vst.idx.msk $0xffff, v20;
	v20 =	vmax.f32 v25, v9  }
0x25a: {  	[tilespmem:v8+s2+$0x0] =	vst.idx.msk $0xffff, v20;
	v20 =	vmax.f32 v26, v7  }
0x25b: {  	[tilespmem:v6+s2+$0x0] =	vst.idx.msk $0xffff, v20;
	v20 =	vmax.f32 v27, v5  }
0x25c: {  	[tilespmem:v4+s2+$0x0] =	vst.idx.msk $0xffff, v20  }
0x25d: {  	v20 =	vld.idx.msk [tilespmem:v16+s2+$0x0], $0xffff  }
0x25e: {  	v21 =	vld.idx.msk [tilespmem:v14+s2+$0x0], $0xffff  }
0x25f: {  	v22 =	vld.idx.msk [tilespmem:v12+s2+$0x0], $0xffff  }
0x260: {  	v23 =	vld.idx.msk [tilespmem:v10+s2+$0x0], $0xffff  }
0x261: {  	v61 =	vld.idx.msk [tilespmem:v8+s2+$0x0], $0xffff  }
0x262: {  	v62 =	vld.idx.msk [tilespmem:v6+s2+$0x0], $0xffff  }
0x263: {  	v63 =	vld.idx.msk [tilespmem:v4+s2+$0x0], $0xffff;
	vm0 =	vlt.f32 v20, v17;
	vm1 =	vlt.f32 v21, v15  }
0x264: {  	v20 =	vld.idx.msk [tilespmem:v18+s2+$0x0], $0xffff;
	vm0 =	vmor vm0, vm1;
	vm1 =	vlt.f32 v22, v13  }
0x265: {  	vm0 =	vmor vm0, vm1;
	vm1 =	vlt.f32 v23, v11  }
0x266: {  	vm0 =	vmor vm0, vm1;
	vm1 =	vlt.f32 v61, v9  }
0x267: {  	vm0 =	vmor vm0, vm1;
	vm1 =	vlt.f32 v62, v7  }
0x268: {  	vm2 =	vlt.f32 v63, v5;
	vm1 =	vmor vm0, vm1  }
0x269: {  	vm0 =	vlt.f32 v20, v19;
	vm1 =	vmor vm1, vm2  }
0x26a: {  	vm1 =	vmor vm0, vm1  }
0x26b: {  	v21 =	vsel vm1, $0x1, v2  }
0x26c: {  	v21 =	vor.u32 $0x80000000, v21  }
0x26d: {  	(xrf0) =	vmax.scan.msk.u32 $0xffff, v21;
	_ =	sdelay $0x5  }
0x26e: {  	v21, _, _ =	vpop (xrf0)  }
0x26f: {  	(v2sf) =	vpush v21, $0xF;
	_ =	sdelay $0xe  }
0x270: {  	s19 =	spop (v2sf)  }
0x271: {  	p2 =	slt.u32 s19, $0x80000001  }
.Ltmp33:
0x272: {  	_ = 	snop;
	(pc) =	sbr.rel @p2 .LBB2_52-.Ltmp33, $1  }
0x273: {  	_ =	sdelay $0x3  }
0x274: {  	vm1 =	vlt.f32 v20, v19  }
0x275: {  	v20 =	vsel vm1, $0x1, v2  }
0x276: {  	v20 =	vor.u32 $0x80000000, v20  }
0x277: {  	(xrf0) =	vmax.scan.msk.u32 $0xffff, v20;
	_ =	sdelay $0x5  }
0x278: {  	v20, _, _ =	vpop (xrf0)  }
0x279: {  	(v2sf) =	vpush v20, $0xF;
	_ =	sdelay $0xe  }
0x27a: {  	s10 =	spop (v2sf)  }
0x27b: {  	p2 =	slt.u32 s10, $0x80000001  }
.Ltmp34:
0x27c: {  	_ = 	snop;
	(pc) =	sbr.rel @p2 .LBB2_38-.Ltmp34, $1  }
0x27d: {  	_ =	sdelay $0x3  }
.LBB2_37:
0x27e: {  	v20 =	vld.idx.msk [tilespmem:v18+s2+$0x0], $0xffff;
	_ =	sdelay $0x4  }
0x27f: {  	v20 =	vmax.f32 v20, v19  }
0x280: {  	[tilespmem:v18+s2+$0x0] =	vst.idx.msk vm0, v20  }
0x281: {  	v20 =	vld.idx.msk [tilespmem:v18+s2+$0x0], $0xffff;
	_ =	sdelay $0x4  }
0x282: {  	vm0 =	vlt.f32 v20, v19  }
0x283: {  	v20 =	vsel vm0, $0x1, v2  }
0x284: {  	v20 =	vor.u32 $0x80000000, v20  }
0x285: {  	(xrf0) =	vmax.scan.msk.u32 $0xffff, v20;
	_ =	sdelay $0x5  }
0x286: {  	v20, _, _ =	vpop (xrf0)  }
0x287: {  	(v2sf) =	vpush v20, $0xF;
	_ =	sdelay $0xe  }
0x288: {  	s10 =	spop (v2sf)  }
0x289: {  	p2 =	sgt.u32 s10, $0x80000000  }
.Ltmp35:
0x28a: {  	_ = 	snop;
	(pc) =	sbr.rel @p2 .LBB2_37-.Ltmp35, $1  }
0x28b: {  	_ =	sdelay $0x3  }
.LBB2_38:
0x28c: {  	_ =	sdelay $0x3  }
0x28d: {  	v18 =	vld.idx.msk [tilespmem:v16+s2+$0x0], $0xffff;
	_ =	sdelay $0x4  }
0x28e: {  	vm0 =	vlt.f32 v18, v17  }
0x28f: {  	v18 =	vsel vm0, $0x1, v2  }
0x290: {  	v18 =	vor.u32 $0x80000000, v18  }
0x291: {  	(xrf0) =	vmax.scan.msk.u32 $0xffff, v18;
	_ =	sdelay $0x5  }
0x292: {  	v18, _, _ =	vpop (xrf0)  }
0x293: {  	(v2sf) =	vpush v18, $0xF;
	_ =	sdelay $0xe  }
0x294: {  	s10 =	spop (v2sf)  }
0x295: {  	p2 =	slt.u32 s10, $0x80000001  }
.Ltmp36:
0x296: {  	_ = 	snop;
	(pc) =	sbr.rel @p2 .LBB2_40-.Ltmp36, $1  }
0x297: {  	_ =	sdelay $0x3  }
.LBB2_39:
0x298: {  	v18 =	vld.idx.msk [tilespmem:v16+s2+$0x0], $0xffff;
	_ =	sdelay $0x4  }
0x299: {  	v18 =	vmax.f32 v18, v17  }
0x29a: {  	[tilespmem:v16+s2+$0x0] =	vst.idx.msk vm0, v18  }
0x29b: {  	v18 =	vld.idx.msk [tilespmem:v16+s2+$0x0], $0xffff;
	_ =	sdelay $0x4  }
0x29c: {  	vm0 =	vlt.f32 v18, v17  }
0x29d: {  	v18 =	vsel vm0, $0x1, v2  }
0x29e: {  	v18 =	vor.u32 $0x80000000, v18  }
0x29f: {  	(xrf0) =	vmax.scan.msk.u32 $0xffff, v18;
	_ =	sdelay $0x5  }
0x2a0: {  	v18, _, _ =	vpop (xrf0)  }
0x2a1: {  	(v2sf) =	vpush v18, $0xF;
	_ =	sdelay $0xe  }
0x2a2: {  	s10 =	spop (v2sf)  }
0x2a3: {  	p2 =	sgt.u32 s10, $0x80000000  }
.Ltmp37:
0x2a4: {  	_ = 	snop;
	(pc) =	sbr.rel @p2 .LBB2_39-.Ltmp37, $1  }
0x2a5: {  	_ =	sdelay $0x3  }
.LBB2_40:
0x2a6: {  	_ =	sdelay $0x3  }
0x2a7: {  	v16 =	vld.idx.msk [tilespmem:v14+s2+$0x0], $0xffff;
	_ =	sdelay $0x4  }
0x2a8: {  	vm0 =	vlt.f32 v16, v15  }
0x2a9: {  	v16 =	vsel vm0, $0x1, v2  }
0x2aa: {  	v16 =	vor.u32 $0x80000000, v16  }
0x2ab: {  	(xrf0) =	vmax.scan.msk.u32 $0xffff, v16;
	_ =	sdelay $0x5  }
0x2ac: {  	v16, _, _ =	vpop (xrf0)  }
0x2ad: {  	(v2sf) =	vpush v16, $0xF;
	_ =	sdelay $0xe  }
0x2ae: {  	s10 =	spop (v2sf)  }
0x2af: {  	p2 =	slt.u32 s10, $0x80000001  }
.Ltmp38:
0x2b0: {  	_ = 	snop;
	(pc) =	sbr.rel @p2 .LBB2_42-.Ltmp38, $1  }
0x2b1: {  	_ =	sdelay $0x3  }
.LBB2_41:
0x2b2: {  	v16 =	vld.idx.msk [tilespmem:v14+s2+$0x0], $0xffff;
	_ =	sdelay $0x4  }
0x2b3: {  	v16 =	vmax.f32 v16, v15  }
0x2b4: {  	[tilespmem:v14+s2+$0x0] =	vst.idx.msk vm0, v16  }
0x2b5: {  	v16 =	vld.idx.msk [tilespmem:v14+s2+$0x0], $0xffff;
	_ =	sdelay $0x4  }
0x2b6: {  	vm0 =	vlt.f32 v16, v15  }
0x2b7: {  	v16 =	vsel vm0, $0x1, v2  }
0x2b8: {  	v16 =	vor.u32 $0x80000000, v16  }
0x2b9: {  	(xrf0) =	vmax.scan.msk.u32 $0xffff, v16;
	_ =	sdelay $0x5  }
0x2ba: {  	v16, _, _ =	vpop (xrf0)  }
0x2bb: {  	(v2sf) =	vpush v16, $0xF;
	_ =	sdelay $0xe  }
0x2bc: {  	s10 =	spop (v2sf)  }
0x2bd: {  	p2 =	sgt.u32 s10, $0x80000000  }
.Ltmp39:
0x2be: {  	_ = 	snop;
	(pc) =	sbr.rel @p2 .LBB2_41-.Ltmp39, $1  }
0x2bf: {  	_ =	sdelay $0x3  }
.LBB2_42:
0x2c0: {  	_ =	sdelay $0x3  }
0x2c1: {  	v14 =	vld.idx.msk [tilespmem:v12+s2+$0x0], $0xffff;
	_ =	sdelay $0x4  }
0x2c2: {  	vm0 =	vlt.f32 v14, v13  }
0x2c3: {  	v14 =	vsel vm0, $0x1, v2  }
0x2c4: {  	v14 =	vor.u32 $0x80000000, v14  }
0x2c5: {  	(xrf0) =	vmax.scan.msk.u32 $0xffff, v14;
	_ =	sdelay $0x5  }
0x2c6: {  	v14, _, _ =	vpop (xrf0)  }
0x2c7: {  	(v2sf) =	vpush v14, $0xF;
	_ =	sdelay $0xe  }
0x2c8: {  	s10 =	spop (v2sf)  }
0x2c9: {  	p2 =	slt.u32 s10, $0x80000001  }
.Ltmp40:
0x2ca: {  	_ = 	snop;
	(pc) =	sbr.rel @p2 .LBB2_44-.Ltmp40, $1  }
0x2cb: {  	_ =	sdelay $0x3  }
.LBB2_43:
0x2cc: {  	v14 =	vld.idx.msk [tilespmem:v12+s2+$0x0], $0xffff;
	_ =	sdelay $0x4  }
0x2cd: {  	v14 =	vmax.f32 v14, v13  }
0x2ce: {  	[tilespmem:v12+s2+$0x0] =	vst.idx.msk vm0, v14  }
0x2cf: {  	v14 =	vld.idx.msk [tilespmem:v12+s2+$0x0], $0xffff;
	_ =	sdelay $0x4  }
0x2d0: {  	vm0 =	vlt.f32 v14, v13  }
0x2d1: {  	v14 =	vsel vm0, $0x1, v2  }
0x2d2: {  	v14 =	vor.u32 $0x80000000, v14  }
0x2d3: {  	(xrf0) =	vmax.scan.msk.u32 $0xffff, v14;
	_ =	sdelay $0x5  }
0x2d4: {  	v14, _, _ =	vpop (xrf0)  }
0x2d5: {  	(v2sf) =	vpush v14, $0xF;
	_ =	sdelay $0xe  }
0x2d6: {  	s10 =	spop (v2sf)  }
0x2d7: {  	p2 =	sgt.u32 s10, $0x80000000  }
.Ltmp41:
0x2d8: {  	_ = 	snop;
	(pc) =	sbr.rel @p2 .LBB2_43-.Ltmp41, $1  }
0x2d9: {  	_ =	sdelay $0x3  }
.LBB2_44:
0x2da: {  	_ =	sdelay $0x3  }
0x2db: {  	v12 =	vld.idx.msk [tilespmem:v10+s2+$0x0], $0xffff;
	_ =	sdelay $0x4  }
0x2dc: {  	vm0 =	vlt.f32 v12, v11  }
0x2dd: {  	v12 =	vsel vm0, $0x1, v2  }
0x2de: {  	v12 =	vor.u32 $0x80000000, v12  }
0x2df: {  	(xrf0) =	vmax.scan.msk.u32 $0xffff, v12;
	_ =	sdelay $0x5  }
0x2e0: {  	v12, _, _ =	vpop (xrf0)  }
0x2e1: {  	(v2sf) =	vpush v12, $0xF;
	_ =	sdelay $0xe  }
0x2e2: {  	s10 =	spop (v2sf)  }
0x2e3: {  	p2 =	slt.u32 s10, $0x80000001  }
.Ltmp42:
0x2e4: {  	_ = 	snop;
	(pc) =	sbr.rel @p2 .LBB2_46-.Ltmp42, $1  }
0x2e5: {  	_ =	sdelay $0x3  }
.LBB2_45:
0x2e6: {  	v12 =	vld.idx.msk [tilespmem:v10+s2+$0x0], $0xffff;
	_ =	sdelay $0x4  }
0x2e7: {  	v12 =	vmax.f32 v12, v11  }
0x2e8: {  	[tilespmem:v10+s2+$0x0] =	vst.idx.msk vm0, v12  }
0x2e9: {  	v12 =	vld.idx.msk [tilespmem:v10+s2+$0x0], $0xffff;
	_ =	sdelay $0x4  }
0x2ea: {  	vm0 =	vlt.f32 v12, v11  }
0x2eb: {  	v12 =	vsel vm0, $0x1, v2  }
0x2ec: {  	v12 =	vor.u32 $0x80000000, v12  }
0x2ed: {  	(xrf0) =	vmax.scan.msk.u32 $0xffff, v12;
	_ =	sdelay $0x5  }
0x2ee: {  	v12, _, _ =	vpop (xrf0)  }
0x2ef: {  	(v2sf) =	vpush v12, $0xF;
	_ =	sdelay $0xe  }
0x2f0: {  	s10 =	spop (v2sf)  }
0x2f1: {  	p2 =	sgt.u32 s10, $0x80000000  }
.Ltmp43:
0x2f2: {  	_ = 	snop;
	(pc) =	sbr.rel @p2 .LBB2_45-.Ltmp43, $1  }
0x2f3: {  	_ =	sdelay $0x3  }
.LBB2_46:
0x2f4: {  	_ =	sdelay $0x3  }
0x2f5: {  	v10 =	vld.idx.msk [tilespmem:v8+s2+$0x0], $0xffff;
	_ =	sdelay $0x4  }
0x2f6: {  	vm0 =	vlt.f32 v10, v9  }
0x2f7: {  	v10 =	vsel vm0, $0x1, v2  }
0x2f8: {  	v10 =	vor.u32 $0x80000000, v10  }
0x2f9: {  	(xrf0) =	vmax.scan.msk.u32 $0xffff, v10;
	_ =	sdelay $0x5  }
0x2fa: {  	v10, _, _ =	vpop (xrf0)  }
0x2fb: {  	(v2sf) =	vpush v10, $0xF;
	_ =	sdelay $0xe  }
0x2fc: {  	s10 =	spop (v2sf)  }
0x2fd: {  	p2 =	slt.u32 s10, $0x80000001  }
.Ltmp44:
0x2fe: {  	_ = 	snop;
	(pc) =	sbr.rel @p2 .LBB2_48-.Ltmp44, $1  }
0x2ff: {  	_ =	sdelay $0x3  }
.LBB2_47:
0x300: {  	v10 =	vld.idx.msk [tilespmem:v8+s2+$0x0], $0xffff;
	_ =	sdelay $0x4  }
0x301: {  	v10 =	vmax.f32 v10, v9  }
0x302: {  	[tilespmem:v8+s2+$0x0] =	vst.idx.msk vm0, v10  }
0x303: {  	v10 =	vld.idx.msk [tilespmem:v8+s2+$0x0], $0xffff;
	_ =	sdelay $0x4  }
0x304: {  	vm0 =	vlt.f32 v10, v9  }
0x305: {  	v10 =	vsel vm0, $0x1, v2  }
0x306: {  	v10 =	vor.u32 $0x80000000, v10  }
0x307: {  	(xrf0) =	vmax.scan.msk.u32 $0xffff, v10;
	_ =	sdelay $0x5  }
0x308: {  	v10, _, _ =	vpop (xrf0)  }
0x309: {  	(v2sf) =	vpush v10, $0xF;
	_ =	sdelay $0xe  }
0x30a: {  	s10 =	spop (v2sf)  }
0x30b: {  	p2 =	sgt.u32 s10, $0x80000000  }
.Ltmp45:
0x30c: {  	_ = 	snop;
	(pc) =	sbr.rel @p2 .LBB2_47-.Ltmp45, $1  }
0x30d: {  	_ =	sdelay $0x3  }
.LBB2_48:
0x30e: {  	_ =	sdelay $0x3  }
0x30f: {  	v8 =	vld.idx.msk [tilespmem:v6+s2+$0x0], $0xffff;
	_ =	sdelay $0x4  }
0x310: {  	vm0 =	vlt.f32 v8, v7  }
0x311: {  	v8 =	vsel vm0, $0x1, v2  }
0x312: {  	v8 =	vor.u32 $0x80000000, v8  }
0x313: {  	(xrf0) =	vmax.scan.msk.u32 $0xffff, v8;
	_ =	sdelay $0x5  }
0x314: {  	v8, _, _ =	vpop (xrf0)  }
0x315: {  	(v2sf) =	vpush v8, $0xF;
	_ =	sdelay $0xe  }
0x316: {  	s10 =	spop (v2sf)  }
0x317: {  	p2 =	slt.u32 s10, $0x80000001  }
.Ltmp46:
0x318: {  	_ = 	snop;
	(pc) =	sbr.rel @p2 .LBB2_50-.Ltmp46, $1  }
0x319: {  	_ =	sdelay $0x3  }
.LBB2_49:
0x31a: {  	v8 =	vld.idx.msk [tilespmem:v6+s2+$0x0], $0xffff;
	_ =	sdelay $0x4  }
0x31b: {  	v8 =	vmax.f32 v8, v7  }
0x31c: {  	[tilespmem:v6+s2+$0x0] =	vst.idx.msk vm0, v8  }
0x31d: {  	v8 =	vld.idx.msk [tilespmem:v6+s2+$0x0], $0xffff;
	_ =	sdelay $0x4  }
0x31e: {  	vm0 =	vlt.f32 v8, v7  }
0x31f: {  	v8 =	vsel vm0, $0x1, v2  }
0x320: {  	v8 =	vor.u32 $0x80000000, v8  }
0x321: {  	(xrf0) =	vmax.scan.msk.u32 $0xffff, v8;
	_ =	sdelay $0x5  }
0x322: {  	v8, _, _ =	vpop (xrf0)  }
0x323: {  	(v2sf) =	vpush v8, $0xF;
	_ =	sdelay $0xe  }
0x324: {  	s10 =	spop (v2sf)  }
0x325: {  	p2 =	sgt.u32 s10, $0x80000000  }
.Ltmp47:
0x326: {  	_ = 	snop;
	(pc) =	sbr.rel @p2 .LBB2_49-.Ltmp47, $1  }
0x327: {  	_ =	sdelay $0x3  }
.LBB2_50:
0x328: {  	_ =	sdelay $0x3  }
0x329: {  	v6 =	vld.idx.msk [tilespmem:v4+s2+$0x0], $0xffff;
	_ =	sdelay $0x4  }
0x32a: {  	vm0 =	vlt.f32 v6, v5  }
0x32b: {  	v6 =	vsel vm0, $0x1, v2  }
0x32c: {  	v6 =	vor.u32 $0x80000000, v6  }
0x32d: {  	(xrf0) =	vmax.scan.msk.u32 $0xffff, v6;
	_ =	sdelay $0x5  }
0x32e: {  	v6, _, _ =	vpop (xrf0)  }
0x32f: {  	(v2sf) =	vpush v6, $0xF;
	_ =	sdelay $0xe  }
0x330: {  	s10 =	spop (v2sf)  }
0x331: {  	p2 =	slt.u32 s10, $0x80000001  }
.Ltmp48:
0x332: {  	_ = 	snop;
	(pc) =	sbr.rel @p2 .LBB2_52-.Ltmp48, $1  }
0x333: {  	_ =	sdelay $0x3  }
.LBB2_51:
0x334: {  	v6 =	vld.idx.msk [tilespmem:v4+s2+$0x0], $0xffff;
	_ =	sdelay $0x4  }
0x335: {  	v6 =	vmax.f32 v6, v5  }
0x336: {  	[tilespmem:v4+s2+$0x0] =	vst.idx.msk vm0, v6  }
0x337: {  	v6 =	vld.idx.msk [tilespmem:v4+s2+$0x0], $0xffff;
	_ =	sdelay $0x4  }
0x338: {  	vm0 =	vlt.f32 v6, v5  }
0x339: {  	v6 =	vsel vm0, $0x1, v2  }
0x33a: {  	v6 =	vor.u32 $0x80000000, v6  }
0x33b: {  	(xrf0) =	vmax.scan.msk.u32 $0xffff, v6;
	_ =	sdelay $0x5  }
0x33c: {  	v6, _, _ =	vpop (xrf0)  }
0x33d: {  	(v2sf) =	vpush v6, $0xF;
	_ =	sdelay $0xe  }
0x33e: {  	s10 =	spop (v2sf)  }
0x33f: {  	p2 =	sgt.u32 s10, $0x80000000  }
.Ltmp49:
0x340: {  	_ = 	snop;
	(pc) =	sbr.rel @p2 .LBB2_51-.Ltmp49, $1  }
0x341: {  	_ =	sdelay $0x3  }
.Ltmp50:
0x342: {  	_ = 	snop;
	(pc) =	sbr.rel .LBB2_52-.Ltmp50, $1  }
0x343: {  	_ =	sdelay $0x3  }
.LBB2_54:
.Ltmp51:
0x344: {  	(pc) =	sbr.rel @p0 .LBB2_74-.Ltmp51, $1  }
0x345: {  	_ =	sdelay $0x3  }
0x346: {  	s0 =	simm.s32 $0x0;
	s1 =	rddreg [dreg:$0x3]  }
0x347: {  	[tilespmem:s22], [sflag:$0x3] =	stream.linear.gather [hbm4b:s1+s0], $0x400, $0x38;
	[tilespmem:$0x19700] =	vst v63  }
0x348: {  	_ =	swait.ge [sflag:s29], $0x400  }
0x349: {  	[sflag:s29] =	ssyncset.done $0x0  }
.Ltmp52:
0x34a: {  	s31 =	rddreg [dreg:$0x4];
	[sflag:s29] =	ssyncadd.s32 $0xFFFFFC00;
	(pc) =	sbr.rel .LBB2_56-.Ltmp52, $4  }
0x34b: {  	[tilespmem:s23], [sflag:$0x3] =	stream.linear.gather [hbm4b:s31+s0], $0x400, $0x38;
	[tilespmem:$0x19700] =	vst v63  }
0x34c: {  	_ =	swait.ge [sflag:s29], $0x400  }
0x34d: {  	[sflag:s29] =	ssyncset.done $0x0  }
0x34e: {  	[sflag:s29] =	ssyncadd.s32 $0xFFFFFC00  }
.LBB2_73:
0x34f: {  	s0 =	sadd.s32 $0x1, s0  }
0x350: {  	p2 =	sne.s32 s0, $0x8  }
.Ltmp53:
0x351: {  	_ = 	snop;
	(pc) =	sbr.rel @!p2 .LBB2_74-.Ltmp53, $1  }
0x352: {  	_ =	sdelay $0x3  }
.LBB2_56:
0x353: {  	s1 =	sshrl.u32 s0, $0x1;
	s10 =	sand.u32 $0x1, s0  }
0x354: {  	s11 =	sadd.s32 s10, s1  }
0x355: {  	s10 =	sshll.u32 s10, $0x7;
	s1 =	sshll.u32 s1, $0x7;
	s11 =	sshll.u32 s11, $0x7  }
0x356: {  	s1 =	sadd.s32 s10, s1;
	v18 =	vld [tilespmem:s11+$0x18B00]  }
0x357: {  	v16 =	vld [tilespmem:s1+$0x18B10]  }
0x358: {  	v14 =	vld [tilespmem:s1+$0x18B20]  }
0x359: {  	v12 =	vld [tilespmem:s1+$0x18B30]  }
0x35a: {  	v10 =	vld [tilespmem:s1+$0x18B40]  }
0x35b: {  	v8 =	vld [tilespmem:s1+$0x18B50]  }
0x35c: {  	v6 =	vld [tilespmem:s1+$0x18B60]  }
0x35d: {  	v4 =	vld [tilespmem:s1+$0x18B70]  }
0x35e: {  	v19 =	vld [tilespmem:s11+$0x18700]  }
0x35f: {  	v17 =	vld [tilespmem:s1+$0x18710]  }
0x360: {  	v15 =	vld [tilespmem:s1+$0x18720]  }
0x361: {  	v13 =	vld [tilespmem:s1+$0x18730]  }
0x362: {  	v11 =	vld [tilespmem:s1+$0x18740]  }
0x363: {  	v9 =	vld [tilespmem:s1+$0x18750]  }
0x364: {  	v7 =	vld [tilespmem:s1+$0x18760]  }
0x365: {  	v5 =	vld [tilespmem:s1+$0x18770]  }
0x366: {  	v20 =	vld.idx.msk [tilespmem:v18+s2+$0x0], $0xffff  }
0x367: {  	v21 =	vld.idx.msk [tilespmem:v16+s2+$0x0], $0xffff  }
0x368: {  	v22 =	vld.idx.msk [tilespmem:v14+s2+$0x0], $0xffff  }
0x369: {  	v23 =	vld.idx.msk [tilespmem:v12+s2+$0x0], $0xffff  }
0x36a: {  	v24 =	vld.idx.msk [tilespmem:v10+s2+$0x0], $0xffff  }
0x36b: {  	v25 =	vld.idx.msk [tilespmem:v8+s2+$0x0], $0xffff  }
0x36c: {  	v26 =	vld.idx.msk [tilespmem:v6+s2+$0x0], $0xffff;
	v20 =	vmax.f32 v20, v19  }
0x36d: {  	v27 =	vld.idx.msk [tilespmem:v4+s2+$0x0], $0xffff;
	[tilespmem:v18+s2+$0x0] =	vst.idx.msk $0xffff, v20;
	v20 =	vmax.f32 v21, v17  }
0x36e: {  	[tilespmem:v16+s2+$0x0] =	vst.idx.msk $0xffff, v20;
	v20 =	vmax.f32 v22, v15  }
0x36f: {  	[tilespmem:v14+s2+$0x0] =	vst.idx.msk $0xffff, v20;
	v20 =	vmax.f32 v23, v13  }
0x370: {  	[tilespmem:v12+s2+$0x0] =	vst.idx.msk $0xffff, v20;
	v20 =	vmax.f32 v24, v11  }
0x371: {  	[tilespmem:v10+s2+$0x0] =	vst.idx.msk $0xffff, v20;
	v20 =	vmax.f32 v25, v9  }
0x372: {  	[tilespmem:v8+s2+$0x0] =	vst.idx.msk $0xffff, v20;
	v20 =	vmax.f32 v26, v7  }
0x373: {  	[tilespmem:v6+s2+$0x0] =	vst.idx.msk $0xffff, v20;
	v20 =	vmax.f32 v27, v5  }
0x374: {  	[tilespmem:v4+s2+$0x0] =	vst.idx.msk $0xffff, v20  }
0x375: {  	v20 =	vld.idx.msk [tilespmem:v16+s2+$0x0], $0xffff  }
0x376: {  	v21 =	vld.idx.msk [tilespmem:v14+s2+$0x0], $0xffff  }
0x377: {  	v22 =	vld.idx.msk [tilespmem:v12+s2+$0x0], $0xffff  }
0x378: {  	v23 =	vld.idx.msk [tilespmem:v10+s2+$0x0], $0xffff  }
0x379: {  	v61 =	vld.idx.msk [tilespmem:v8+s2+$0x0], $0xffff  }
0x37a: {  	v62 =	vld.idx.msk [tilespmem:v6+s2+$0x0], $0xffff  }
0x37b: {  	v63 =	vld.idx.msk [tilespmem:v4+s2+$0x0], $0xffff;
	vm0 =	vlt.f32 v20, v17;
	vm1 =	vlt.f32 v21, v15  }
0x37c: {  	v20 =	vld.idx.msk [tilespmem:v18+s2+$0x0], $0xffff;
	vm0 =	vmor vm0, vm1;
	vm1 =	vlt.f32 v22, v13  }
0x37d: {  	vm0 =	vmor vm0, vm1;
	vm1 =	vlt.f32 v23, v11  }
0x37e: {  	vm0 =	vmor vm0, vm1;
	vm1 =	vlt.f32 v61, v9  }
0x37f: {  	vm0 =	vmor vm0, vm1;
	vm1 =	vlt.f32 v62, v7  }
0x380: {  	vm2 =	vlt.f32 v63, v5;
	vm1 =	vmor vm0, vm1  }
0x381: {  	vm0 =	vlt.f32 v20, v19;
	vm1 =	vmor vm1, vm2  }
0x382: {  	vm1 =	vmor vm0, vm1  }
0x383: {  	v21 =	vsel vm1, $0x1, v2  }
0x384: {  	v21 =	vor.u32 $0x80000000, v21  }
0x385: {  	(xrf0) =	vmax.scan.msk.u32 $0xffff, v21;
	_ =	sdelay $0x5  }
0x386: {  	v21, _, _ =	vpop (xrf0)  }
0x387: {  	(v2sf) =	vpush v21, $0xF;
	_ =	sdelay $0xe  }
0x388: {  	s31 =	spop (v2sf)  }
0x389: {  	p2 =	slt.u32 s31, $0x80000001  }
.Ltmp54:
0x38a: {  	_ = 	snop;
	(pc) =	sbr.rel @p2 .LBB2_73-.Ltmp54, $1  }
0x38b: {  	_ =	sdelay $0x3  }
0x38c: {  	vm1 =	vlt.f32 v20, v19  }
0x38d: {  	v20 =	vsel vm1, $0x1, v2  }
0x38e: {  	v20 =	vor.u32 $0x80000000, v20  }
0x38f: {  	(xrf0) =	vmax.scan.msk.u32 $0xffff, v20;
	_ =	sdelay $0x5  }
0x390: {  	v20, _, _ =	vpop (xrf0)  }
0x391: {  	(v2sf) =	vpush v20, $0xF;
	_ =	sdelay $0xe  }
0x392: {  	s1 =	spop (v2sf)  }
0x393: {  	p2 =	slt.u32 s1, $0x80000001  }
.Ltmp55:
0x394: {  	_ = 	snop;
	(pc) =	sbr.rel @p2 .LBB2_59-.Ltmp55, $1  }
0x395: {  	_ =	sdelay $0x3  }
.LBB2_58:
0x396: {  	v20 =	vld.idx.msk [tilespmem:v18+s2+$0x0], $0xffff;
	_ =	sdelay $0x4  }
0x397: {  	v20 =	vmax.f32 v20, v19  }
0x398: {  	[tilespmem:v18+s2+$0x0] =	vst.idx.msk vm0, v20  }
0x399: {  	v20 =	vld.idx.msk [tilespmem:v18+s2+$0x0], $0xffff;
	_ =	sdelay $0x4  }
0x39a: {  	vm0 =	vlt.f32 v20, v19  }
0x39b: {  	v20 =	vsel vm0, $0x1, v2  }
0x39c: {  	v20 =	vor.u32 $0x80000000, v20  }
0x39d: {  	(xrf0) =	vmax.scan.msk.u32 $0xffff, v20;
	_ =	sdelay $0x5  }
0x39e: {  	v20, _, _ =	vpop (xrf0)  }
0x39f: {  	(v2sf) =	vpush v20, $0xF;
	_ =	sdelay $0xe  }
0x3a0: {  	s1 =	spop (v2sf)  }
0x3a1: {  	p2 =	sgt.u32 s1, $0x80000000  }
.Ltmp56:
0x3a2: {  	_ = 	snop;
	(pc) =	sbr.rel @p2 .LBB2_58-.Ltmp56, $1  }
0x3a3: {  	_ =	sdelay $0x3  }
.LBB2_59:
0x3a4: {  	_ =	sdelay $0x3  }
0x3a5: {  	v18 =	vld.idx.msk [tilespmem:v16+s2+$0x0], $0xffff;
	_ =	sdelay $0x4  }
0x3a6: {  	vm0 =	vlt.f32 v18, v17  }
0x3a7: {  	v18 =	vsel vm0, $0x1, v2  }
0x3a8: {  	v18 =	vor.u32 $0x80000000, v18  }
0x3a9: {  	(xrf0) =	vmax.scan.msk.u32 $0xffff, v18;
	_ =	sdelay $0x5  }
0x3aa: {  	v18, _, _ =	vpop (xrf0)  }
0x3ab: {  	(v2sf) =	vpush v18, $0xF;
	_ =	sdelay $0xe  }
0x3ac: {  	s1 =	spop (v2sf)  }
0x3ad: {  	p2 =	slt.u32 s1, $0x80000001  }
.Ltmp57:
0x3ae: {  	_ = 	snop;
	(pc) =	sbr.rel @p2 .LBB2_61-.Ltmp57, $1  }
0x3af: {  	_ =	sdelay $0x3  }
.LBB2_60:
0x3b0: {  	v18 =	vld.idx.msk [tilespmem:v16+s2+$0x0], $0xffff;
	_ =	sdelay $0x4  }
0x3b1: {  	v18 =	vmax.f32 v18, v17  }
0x3b2: {  	[tilespmem:v16+s2+$0x0] =	vst.idx.msk vm0, v18  }
0x3b3: {  	v18 =	vld.idx.msk [tilespmem:v16+s2+$0x0], $0xffff;
	_ =	sdelay $0x4  }
0x3b4: {  	vm0 =	vlt.f32 v18, v17  }
0x3b5: {  	v18 =	vsel vm0, $0x1, v2  }
0x3b6: {  	v18 =	vor.u32 $0x80000000, v18  }
0x3b7: {  	(xrf0) =	vmax.scan.msk.u32 $0xffff, v18;
	_ =	sdelay $0x5  }
0x3b8: {  	v18, _, _ =	vpop (xrf0)  }
0x3b9: {  	(v2sf) =	vpush v18, $0xF;
	_ =	sdelay $0xe  }
0x3ba: {  	s1 =	spop (v2sf)  }
0x3bb: {  	p2 =	sgt.u32 s1, $0x80000000  }
.Ltmp58:
0x3bc: {  	_ = 	snop;
	(pc) =	sbr.rel @p2 .LBB2_60-.Ltmp58, $1  }
0x3bd: {  	_ =	sdelay $0x3  }
.LBB2_61:
0x3be: {  	_ =	sdelay $0x3  }
0x3bf: {  	v16 =	vld.idx.msk [tilespmem:v14+s2+$0x0], $0xffff;
	_ =	sdelay $0x4  }
0x3c0: {  	vm0 =	vlt.f32 v16, v15  }
0x3c1: {  	v16 =	vsel vm0, $0x1, v2  }
0x3c2: {  	v16 =	vor.u32 $0x80000000, v16  }
0x3c3: {  	(xrf0) =	vmax.scan.msk.u32 $0xffff, v16;
	_ =	sdelay $0x5  }
0x3c4: {  	v16, _, _ =	vpop (xrf0)  }
0x3c5: {  	(v2sf) =	vpush v16, $0xF;
	_ =	sdelay $0xe  }
0x3c6: {  	s1 =	spop (v2sf)  }
0x3c7: {  	p2 =	slt.u32 s1, $0x80000001  }
.Ltmp59:
0x3c8: {  	_ = 	snop;
	(pc) =	sbr.rel @p2 .LBB2_63-.Ltmp59, $1  }
0x3c9: {  	_ =	sdelay $0x3  }
.LBB2_62:
0x3ca: {  	v16 =	vld.idx.msk [tilespmem:v14+s2+$0x0], $0xffff;
	_ =	sdelay $0x4  }
0x3cb: {  	v16 =	vmax.f32 v16, v15  }
0x3cc: {  	[tilespmem:v14+s2+$0x0] =	vst.idx.msk vm0, v16  }
0x3cd: {  	v16 =	vld.idx.msk [tilespmem:v14+s2+$0x0], $0xffff;
	_ =	sdelay $0x4  }
0x3ce: {  	vm0 =	vlt.f32 v16, v15  }
0x3cf: {  	v16 =	vsel vm0, $0x1, v2  }
0x3d0: {  	v16 =	vor.u32 $0x80000000, v16  }
0x3d1: {  	(xrf0) =	vmax.scan.msk.u32 $0xffff, v16;
	_ =	sdelay $0x5  }
0x3d2: {  	v16, _, _ =	vpop (xrf0)  }
0x3d3: {  	(v2sf) =	vpush v16, $0xF;
	_ =	sdelay $0xe  }
0x3d4: {  	s1 =	spop (v2sf)  }
0x3d5: {  	p2 =	sgt.u32 s1, $0x80000000  }
.Ltmp60:
0x3d6: {  	_ = 	snop;
	(pc) =	sbr.rel @p2 .LBB2_62-.Ltmp60, $1  }
0x3d7: {  	_ =	sdelay $0x3  }
.LBB2_63:
0x3d8: {  	_ =	sdelay $0x3  }
0x3d9: {  	v14 =	vld.idx.msk [tilespmem:v12+s2+$0x0], $0xffff;
	_ =	sdelay $0x4  }
0x3da: {  	vm0 =	vlt.f32 v14, v13  }
0x3db: {  	v14 =	vsel vm0, $0x1, v2  }
0x3dc: {  	v14 =	vor.u32 $0x80000000, v14  }
0x3dd: {  	(xrf0) =	vmax.scan.msk.u32 $0xffff, v14;
	_ =	sdelay $0x5  }
0x3de: {  	v14, _, _ =	vpop (xrf0)  }
0x3df: {  	(v2sf) =	vpush v14, $0xF;
	_ =	sdelay $0xe  }
0x3e0: {  	s1 =	spop (v2sf)  }
0x3e1: {  	p2 =	slt.u32 s1, $0x80000001  }
.Ltmp61:
0x3e2: {  	_ = 	snop;
	(pc) =	sbr.rel @p2 .LBB2_65-.Ltmp61, $1  }
0x3e3: {  	_ =	sdelay $0x3  }
.LBB2_64:
0x3e4: {  	v14 =	vld.idx.msk [tilespmem:v12+s2+$0x0], $0xffff;
	_ =	sdelay $0x4  }
0x3e5: {  	v14 =	vmax.f32 v14, v13  }
0x3e6: {  	[tilespmem:v12+s2+$0x0] =	vst.idx.msk vm0, v14  }
0x3e7: {  	v14 =	vld.idx.msk [tilespmem:v12+s2+$0x0], $0xffff;
	_ =	sdelay $0x4  }
0x3e8: {  	vm0 =	vlt.f32 v14, v13  }
0x3e9: {  	v14 =	vsel vm0, $0x1, v2  }
0x3ea: {  	v14 =	vor.u32 $0x80000000, v14  }
0x3eb: {  	(xrf0) =	vmax.scan.msk.u32 $0xffff, v14;
	_ =	sdelay $0x5  }
0x3ec: {  	v14, _, _ =	vpop (xrf0)  }
0x3ed: {  	(v2sf) =	vpush v14, $0xF;
	_ =	sdelay $0xe  }
0x3ee: {  	s1 =	spop (v2sf)  }
0x3ef: {  	p2 =	sgt.u32 s1, $0x80000000  }
.Ltmp62:
0x3f0: {  	_ = 	snop;
	(pc) =	sbr.rel @p2 .LBB2_64-.Ltmp62, $1  }
0x3f1: {  	_ =	sdelay $0x3  }
.LBB2_65:
0x3f2: {  	_ =	sdelay $0x3  }
0x3f3: {  	v12 =	vld.idx.msk [tilespmem:v10+s2+$0x0], $0xffff;
	_ =	sdelay $0x4  }
0x3f4: {  	vm0 =	vlt.f32 v12, v11  }
0x3f5: {  	v12 =	vsel vm0, $0x1, v2  }
0x3f6: {  	v12 =	vor.u32 $0x80000000, v12  }
0x3f7: {  	(xrf0) =	vmax.scan.msk.u32 $0xffff, v12;
	_ =	sdelay $0x5  }
0x3f8: {  	v12, _, _ =	vpop (xrf0)  }
0x3f9: {  	(v2sf) =	vpush v12, $0xF;
	_ =	sdelay $0xe  }
0x3fa: {  	s1 =	spop (v2sf)  }
0x3fb: {  	p2 =	slt.u32 s1, $0x80000001  }
.Ltmp63:
0x3fc: {  	_ = 	snop;
	(pc) =	sbr.rel @p2 .LBB2_67-.Ltmp63, $1  }
0x3fd: {  	_ =	sdelay $0x3  }
.LBB2_66:
0x3fe: {  	v12 =	vld.idx.msk [tilespmem:v10+s2+$0x0], $0xffff;
	_ =	sdelay $0x4  }
0x3ff: {  	v12 =	vmax.f32 v12, v11  }
0x400: {  	[tilespmem:v10+s2+$0x0] =	vst.idx.msk vm0, v12  }
0x401: {  	v12 =	vld.idx.msk [tilespmem:v10+s2+$0x0], $0xffff;
	_ =	sdelay $0x4  }
0x402: {  	vm0 =	vlt.f32 v12, v11  }
0x403: {  	v12 =	vsel vm0, $0x1, v2  }
0x404: {  	v12 =	vor.u32 $0x80000000, v12  }
0x405: {  	(xrf0) =	vmax.scan.msk.u32 $0xffff, v12;
	_ =	sdelay $0x5  }
0x406: {  	v12, _, _ =	vpop (xrf0)  }
0x407: {  	(v2sf) =	vpush v12, $0xF;
	_ =	sdelay $0xe  }
0x408: {  	s1 =	spop (v2sf)  }
0x409: {  	p2 =	sgt.u32 s1, $0x80000000  }
.Ltmp64:
0x40a: {  	_ = 	snop;
	(pc) =	sbr.rel @p2 .LBB2_66-.Ltmp64, $1  }
0x40b: {  	_ =	sdelay $0x3  }
.LBB2_67:
0x40c: {  	_ =	sdelay $0x3  }
0x40d: {  	v10 =	vld.idx.msk [tilespmem:v8+s2+$0x0], $0xffff;
	_ =	sdelay $0x4  }
0x40e: {  	vm0 =	vlt.f32 v10, v9  }
0x40f: {  	v10 =	vsel vm0, $0x1, v2  }
0x410: {  	v10 =	vor.u32 $0x80000000, v10  }
0x411: {  	(xrf0) =	vmax.scan.msk.u32 $0xffff, v10;
	_ =	sdelay $0x5  }
0x412: {  	v10, _, _ =	vpop (xrf0)  }
0x413: {  	(v2sf) =	vpush v10, $0xF;
	_ =	sdelay $0xe  }
0x414: {  	s1 =	spop (v2sf)  }
0x415: {  	p2 =	slt.u32 s1, $0x80000001  }
.Ltmp65:
0x416: {  	_ = 	snop;
	(pc) =	sbr.rel @p2 .LBB2_69-.Ltmp65, $1  }
0x417: {  	_ =	sdelay $0x3  }
.LBB2_68:
0x418: {  	v10 =	vld.idx.msk [tilespmem:v8+s2+$0x0], $0xffff;
	_ =	sdelay $0x4  }
0x419: {  	v10 =	vmax.f32 v10, v9  }
0x41a: {  	[tilespmem:v8+s2+$0x0] =	vst.idx.msk vm0, v10  }
0x41b: {  	v10 =	vld.idx.msk [tilespmem:v8+s2+$0x0], $0xffff;
	_ =	sdelay $0x4  }
0x41c: {  	vm0 =	vlt.f32 v10, v9  }
0x41d: {  	v10 =	vsel vm0, $0x1, v2  }
0x41e: {  	v10 =	vor.u32 $0x80000000, v10  }
0x41f: {  	(xrf0) =	vmax.scan.msk.u32 $0xffff, v10;
	_ =	sdelay $0x5  }
0x420: {  	v10, _, _ =	vpop (xrf0)  }
0x421: {  	(v2sf) =	vpush v10, $0xF;
	_ =	sdelay $0xe  }
0x422: {  	s1 =	spop (v2sf)  }
0x423: {  	p2 =	sgt.u32 s1, $0x80000000  }
.Ltmp66:
0x424: {  	_ = 	snop;
	(pc) =	sbr.rel @p2 .LBB2_68-.Ltmp66, $1  }
0x425: {  	_ =	sdelay $0x3  }
.LBB2_69:
0x426: {  	_ =	sdelay $0x3  }
0x427: {  	v8 =	vld.idx.msk [tilespmem:v6+s2+$0x0], $0xffff;
	_ =	sdelay $0x4  }
0x428: {  	vm0 =	vlt.f32 v8, v7  }
0x429: {  	v8 =	vsel vm0, $0x1, v2  }
0x42a: {  	v8 =	vor.u32 $0x80000000, v8  }
0x42b: {  	(xrf0) =	vmax.scan.msk.u32 $0xffff, v8;
	_ =	sdelay $0x5  }
0x42c: {  	v8, _, _ =	vpop (xrf0)  }
0x42d: {  	(v2sf) =	vpush v8, $0xF;
	_ =	sdelay $0xe  }
0x42e: {  	s1 =	spop (v2sf)  }
0x42f: {  	p2 =	slt.u32 s1, $0x80000001  }
.Ltmp67:
0x430: {  	_ = 	snop;
	(pc) =	sbr.rel @p2 .LBB2_71-.Ltmp67, $1  }
0x431: {  	_ =	sdelay $0x3  }
.LBB2_70:
0x432: {  	v8 =	vld.idx.msk [tilespmem:v6+s2+$0x0], $0xffff;
	_ =	sdelay $0x4  }
0x433: {  	v8 =	vmax.f32 v8, v7  }
0x434: {  	[tilespmem:v6+s2+$0x0] =	vst.idx.msk vm0, v8  }
0x435: {  	v8 =	vld.idx.msk [tilespmem:v6+s2+$0x0], $0xffff;
	_ =	sdelay $0x4  }
0x436: {  	vm0 =	vlt.f32 v8, v7  }
0x437: {  	v8 =	vsel vm0, $0x1, v2  }
0x438: {  	v8 =	vor.u32 $0x80000000, v8  }
0x439: {  	(xrf0) =	vmax.scan.msk.u32 $0xffff, v8;
	_ =	sdelay $0x5  }
0x43a: {  	v8, _, _ =	vpop (xrf0)  }
0x43b: {  	(v2sf) =	vpush v8, $0xF;
	_ =	sdelay $0xe  }
0x43c: {  	s1 =	spop (v2sf)  }
0x43d: {  	p2 =	sgt.u32 s1, $0x80000000  }
.Ltmp68:
0x43e: {  	_ = 	snop;
	(pc) =	sbr.rel @p2 .LBB2_70-.Ltmp68, $1  }
0x43f: {  	_ =	sdelay $0x3  }
.LBB2_71:
0x440: {  	_ =	sdelay $0x3  }
0x441: {  	v6 =	vld.idx.msk [tilespmem:v4+s2+$0x0], $0xffff;
	_ =	sdelay $0x4  }
0x442: {  	vm0 =	vlt.f32 v6, v5  }
0x443: {  	v6 =	vsel vm0, $0x1, v2  }
0x444: {  	v6 =	vor.u32 $0x80000000, v6  }
0x445: {  	(xrf0) =	vmax.scan.msk.u32 $0xffff, v6;
	_ =	sdelay $0x5  }
0x446: {  	v6, _, _ =	vpop (xrf0)  }
0x447: {  	(v2sf) =	vpush v6, $0xF;
	_ =	sdelay $0xe  }
0x448: {  	s1 =	spop (v2sf)  }
0x449: {  	p2 =	slt.u32 s1, $0x80000001  }
.Ltmp69:
0x44a: {  	_ = 	snop;
	(pc) =	sbr.rel @p2 .LBB2_73-.Ltmp69, $1  }
0x44b: {  	_ =	sdelay $0x3  }
.LBB2_72:
0x44c: {  	v6 =	vld.idx.msk [tilespmem:v4+s2+$0x0], $0xffff;
	_ =	sdelay $0x4  }
0x44d: {  	v6 =	vmax.f32 v6, v5  }
0x44e: {  	[tilespmem:v4+s2+$0x0] =	vst.idx.msk vm0, v6  }
0x44f: {  	v6 =	vld.idx.msk [tilespmem:v4+s2+$0x0], $0xffff;
	_ =	sdelay $0x4  }
0x450: {  	vm0 =	vlt.f32 v6, v5  }
0x451: {  	v6 =	vsel vm0, $0x1, v2  }
0x452: {  	v6 =	vor.u32 $0x80000000, v6  }
0x453: {  	(xrf0) =	vmax.scan.msk.u32 $0xffff, v6;
	_ =	sdelay $0x5  }
0x454: {  	v6, _, _ =	vpop (xrf0)  }
0x455: {  	(v2sf) =	vpush v6, $0xF;
	_ =	sdelay $0xe  }
0x456: {  	s1 =	spop (v2sf)  }
0x457: {  	p2 =	sgt.u32 s1, $0x80000000  }
.Ltmp70:
0x458: {  	_ = 	snop;
	(pc) =	sbr.rel @p2 .LBB2_72-.Ltmp70, $1  }
0x459: {  	_ =	sdelay $0x3  }
.Ltmp71:
0x45a: {  	_ = 	snop;
	(pc) =	sbr.rel .LBB2_73-.Ltmp71, $1  }
0x45b: {  	_ =	sdelay $0x3  }
.LBB2_74:
0x45c: {  	[hbm4b:s13+s2] =	stream.linear.scatter [tilespmem:s2], [sflag:$0x3], $0x18700, $0x38;
	[tilespmem:$0x19700] =	vst v63  }
0x45d: {  	_ =	swait.ge [sflag:s29], $0x18700  }
0x45e: {  	[sflag:s29] =	ssyncset.done $0x0  }
0x45f: {  	s0 =	simm.s32 $0x40;
	[sflag:s29] =	ssyncadd.s32 $0xFFFE7900  }
0x460: {  	[tilespmem:s0+$0xFFFFFFC0] =	vst v0  }
0x461: {  	[tilespmem:s0+$0x30] =	vst v0  }
0x462: {  	[tilespmem:s0+$0x20] =	vst v0  }
0x463: {  	[tilespmem:s0+$0x10] =	vst v0  }
0x464: {  	[tilespmem:s0+$0x0] =	vst v0  }
0x465: {  	[tilespmem:s0+$0xFFFFFFF0] =	vst v0  }
0x466: {  	s1 =	simm.s32 $0x0;
	[tilespmem:s0+$0xFFFFFFE0] =	vst v0  }
.LBB2_75:
0x467: {  	s1 =	sadd.s32 $0x8, s1;
	[tilespmem:s0+$0xFFFFFFD0] =	vst v0;
	s0 =	sadd.s32 $0x80, s0  }
0x468: {  	[tilespmem:s0+$0xFFFFFFC0] =	vst v0;
	p2 =	slt.u32 s1, $0x1868  }
0x469: {  	[tilespmem:s0+$0x30] =	vst v0  }
.Ltmp72:
0x46a: {  	[tilespmem:s0+$0x20] =	vst v0;
	(pc) =	sbr.rel @p2 .LBB2_75-.Ltmp72, $4  }
0x46b: {  	[tilespmem:s0+$0x10] =	vst v0  }
0x46c: {  	[tilespmem:s0+$0x0] =	vst v0  }
0x46d: {  	[tilespmem:s0+$0xFFFFFFF0] =	vst v0  }
0x46e: {  	[tilespmem:s0+$0xFFFFFFE0] =	vst v0  }
0x46f: {  	[tilespmem:s0+$0xFFFFFFD0] =	vst v0;
	s0 =	simm.s32 $0x0  }
0x470: {  	[tilespmem:s23], [sflag:$0x1] =	stream.linear.gather [hbm4b:s15+s0], $0x400, $0x38;
	[tilespmem:$0x19700] =	vst v63  }
.LBB2_77:
0x471: {  	s1 =	sshll.u32 s0, $0x4  }
0x472: {  	s10 =	sadd.s32 s1, s16  }
0x473: {  	s10 =	sshll.u32 s10, $0x4  }
0x474: {  	s10 =	sand.u32 $0x1FFFFF80, s10  }
0x475: {  	s10 =	sadd.s32 s5, s10  }
0x476: {  	[tilespmem:s25], [sflag:$0x2] =	stream.linear.gather [hbm4b:s10+s2], $0x400, $0x38;
	[tilespmem:$0x19700] =	vst v63  }
0x477: {  	_ =	swait.ge [sflag:s26], $0x400  }
0x478: {  	[sflag:s26] =	ssyncset.done $0x0  }
0x479: {  	s10 =	simm.s32 $0x18B40;
	[sflag:s26] =	ssyncadd.s32 $0xFFFFFC00  }
0x47a: {  	v5 =	vld [tilespmem:s10+$0xFFFFFFC0]  }
0x47b: {  	v6 =	vld [tilespmem:s10+$0x30]  }
0x47c: {  	v7 =	vld [tilespmem:s10+$0x20]  }
0x47d: {  	v8 =	vld [tilespmem:s10+$0x10]  }
0x47e: {  	v9 =	vld [tilespmem:s10+$0x0]  }
0x47f: {  	v10 =	vld [tilespmem:s10+$0xFFFFFFF0]  }
0x480: {  	v11 =	vld [tilespmem:s10+$0xFFFFFFE0]  }
0x481: {  	v4 =	vld [tilespmem:s10+$0xFFFFFFD0]  }
0x482: {  	[tilespmem:v5+s2+$0x0] =	vst.idx.add.f32.msk $0xffff, v3  }
0x483: {  	[tilespmem:v6+s2+$0x0] =	vst.idx.add.f32.msk $0xffff, v3  }
0x484: {  	[tilespmem:v7+s2+$0x0] =	vst.idx.add.f32.msk $0xffff, v3  }
0x485: {  	[tilespmem:v8+s2+$0x0] =	vst.idx.add.f32.msk $0xffff, v3  }
0x486: {  	[tilespmem:v9+s2+$0x0] =	vst.idx.add.f32.msk $0xffff, v3  }
0x487: {  	[tilespmem:v10+s2+$0x0] =	vst.idx.add.f32.msk $0xffff, v3  }
0x488: {  	s19 =	simm.s32 $0x0;
	[tilespmem:v11+s2+$0x0] =	vst.idx.add.f32.msk $0xffff, v3  }
.LBB2_78:
0x489: {  	s19 =	sadd.s32 $0x8, s19;
	[tilespmem:v4+s2+$0x0] =	vst.idx.add.f32.msk $0xffff, v3;
	s10 =	sadd.s32 $0x80, s10  }
0x48a: {  	v5 =	vld [tilespmem:s10+$0xFFFFFFC0];
	p2 =	slt.u32 s19, $0x38  }
0x48b: {  	v6 =	vld [tilespmem:s10+$0x30]  }
0x48c: {  	v7 =	vld [tilespmem:s10+$0x20]  }
0x48d: {  	v8 =	vld [tilespmem:s10+$0x10]  }
0x48e: {  	v9 =	vld [tilespmem:s10+$0x0]  }
0x48f: {  	v10 =	vld [tilespmem:s10+$0xFFFFFFF0]  }
0x490: {  	v11 =	vld [tilespmem:s10+$0xFFFFFFE0]  }
0x491: {  	v4 =	vld [tilespmem:s10+$0xFFFFFFD0]  }
0x492: {  	[tilespmem:v5+s2+$0x0] =	vst.idx.add.f32.msk $0xffff, v3  }
0x493: {  	[tilespmem:v6+s2+$0x0] =	vst.idx.add.f32.msk $0xffff, v3  }
.Ltmp73:
0x494: {  	[tilespmem:v7+s2+$0x0] =	vst.idx.add.f32.msk $0xffff, v3;
	(pc) =	sbr.rel @p2 .LBB2_78-.Ltmp73, $4  }
0x495: {  	[tilespmem:v8+s2+$0x0] =	vst.idx.add.f32.msk $0xffff, v3  }
0x496: {  	[tilespmem:v9+s2+$0x0] =	vst.idx.add.f32.msk $0xffff, v3  }
0x497: {  	[tilespmem:v10+s2+$0x0] =	vst.idx.add.f32.msk $0xffff, v3  }
0x498: {  	[tilespmem:v11+s2+$0x0] =	vst.idx.add.f32.msk $0xffff, v3  }
0x499: {  	p2 =	sge.u32 s0, s17  }
0x49a: {  	s1 =	sadd.s32 @!p2 s1, s18  }
0x49b: {  	s1 =	sshll.u32 @!p2 s1, $0x4  }
0x49c: {  	s1 =	sand.u32 @!p2 $0x1FFFFF00, s1  }
0x49d: {  	[tilespmem:v4+s2+$0x0] =	vst.idx.add.f32.msk $0xffff, v3;
	s10 =	simm.s32 @!p2 $0x0;
	s11 =	simm.s32 @!p2 $0x18B00;
	s1 =	sadd.s32 @!p2 s5, s1  }
0x49e: {  	[tilespmem:s11], [sflag:$0x1] =	stream.linear.gather @!p2 [hbm4b:s1+s10], $0x400, $0x38;
	[tilespmem:$0x19700] =	vst v63  }
0x49f: {  	_ =	swait.ge [sflag:s28], $0x400  }
0x4a0: {  	[sflag:s28] =	ssyncset.done $0x0  }
0x4a1: {  	s1 =	simm.s32 $0x19340;
	[sflag:s28] =	ssyncadd.s32 $0xFFFFFC00  }
0x4a2: {  	v5 =	vld [tilespmem:s1+$0xFFFFFFC0]  }
0x4a3: {  	v6 =	vld [tilespmem:s1+$0x30]  }
0x4a4: {  	v7 =	vld [tilespmem:s1+$0x20]  }
0x4a5: {  	v8 =	vld [tilespmem:s1+$0x10]  }
0x4a6: {  	v9 =	vld [tilespmem:s1+$0x0]  }
0x4a7: {  	v10 =	vld [tilespmem:s1+$0xFFFFFFF0]  }
0x4a8: {  	v11 =	vld [tilespmem:s1+$0xFFFFFFE0]  }
0x4a9: {  	v4 =	vld [tilespmem:s1+$0xFFFFFFD0]  }
0x4aa: {  	[tilespmem:v5+s2+$0x0] =	vst.idx.add.f32.msk $0xffff, v3  }
0x4ab: {  	[tilespmem:v6+s2+$0x0] =	vst.idx.add.f32.msk $0xffff, v3  }
0x4ac: {  	[tilespmem:v7+s2+$0x0] =	vst.idx.add.f32.msk $0xffff, v3  }
0x4ad: {  	[tilespmem:v8+s2+$0x0] =	vst.idx.add.f32.msk $0xffff, v3  }
0x4ae: {  	[tilespmem:v9+s2+$0x0] =	vst.idx.add.f32.msk $0xffff, v3  }
0x4af: {  	[tilespmem:v10+s2+$0x0] =	vst.idx.add.f32.msk $0xffff, v3  }
0x4b0: {  	s10 =	simm.s32 $0x0;
	[tilespmem:v11+s2+$0x0] =	vst.idx.add.f32.msk $0xffff, v3  }
.LBB2_80:
0x4b1: {  	s10 =	sadd.s32 $0x8, s10;
	[tilespmem:v4+s2+$0x0] =	vst.idx.add.f32.msk $0xffff, v3;
	s1 =	sadd.s32 $0x80, s1  }
0x4b2: {  	v5 =	vld [tilespmem:s1+$0xFFFFFFC0];
	p2 =	slt.u32 s10, $0x38  }
0x4b3: {  	v6 =	vld [tilespmem:s1+$0x30]  }
0x4b4: {  	v7 =	vld [tilespmem:s1+$0x20]  }
0x4b5: {  	v8 =	vld [tilespmem:s1+$0x10]  }
0x4b6: {  	v9 =	vld [tilespmem:s1+$0x0]  }
0x4b7: {  	v10 =	vld [tilespmem:s1+$0xFFFFFFF0]  }
0x4b8: {  	v11 =	vld [tilespmem:s1+$0xFFFFFFE0]  }
0x4b9: {  	v4 =	vld [tilespmem:s1+$0xFFFFFFD0]  }
0x4ba: {  	[tilespmem:v5+s2+$0x0] =	vst.idx.add.f32.msk $0xffff, v3  }
0x4bb: {  	[tilespmem:v6+s2+$0x0] =	vst.idx.add.f32.msk $0xffff, v3  }
.Ltmp74:
0x4bc: {  	[tilespmem:v7+s2+$0x0] =	vst.idx.add.f32.msk $0xffff, v3;
	(pc) =	sbr.rel @p2 .LBB2_80-.Ltmp74, $4  }
0x4bd: {  	[tilespmem:v8+s2+$0x0] =	vst.idx.add.f32.msk $0xffff, v3  }
0x4be: {  	[tilespmem:v9+s2+$0x0] =	vst.idx.add.f32.msk $0xffff, v3  }
0x4bf: {  	[tilespmem:v10+s2+$0x0] =	vst.idx.add.f32.msk $0xffff, v3  }
0x4c0: {  	[tilespmem:v11+s2+$0x0] =	vst.idx.add.f32.msk $0xffff, v3  }
0x4c1: {  	s0 =	sadd.s32 $0x1, s0  }
0x4c2: {  	p2 =	sne.s32 s0, s14  }
.Ltmp75:
0x4c3: {  	_ = 	snop;
	(pc) =	sbr.rel @p2 .LBB2_77-.Ltmp75, $2  }
0x4c4: {  	_ =	sdelay $0x2  }
0x4c5: {  	[tilespmem:v4+s2+$0x0] =	vst.idx.add.f32.msk $0xffff, v3  }
.Ltmp76:
0x4c6: {  	(pc) =	sbr.rel @p1 .LBB2_86-.Ltmp76, $1  }
0x4c7: {  	_ =	sdelay $0x3  }
0x4c8: {  	s0 =	rddreg [dreg:$0x6]  }
0x4c9: {  	[tilespmem:s23], [sflag:$0x3] =	stream.linear.gather [hbm4b:s0+s2], $0x400, $0x38;
	[tilespmem:$0x19700] =	vst v63  }
0x4ca: {  	_ =	swait.ge [sflag:s29], $0x400  }
0x4cb: {  	[sflag:s29] =	ssyncset.done $0x0  }
0x4cc: {  	s0 =	simm.s32 $0x18B40;
	[sflag:s29] =	ssyncadd.s32 $0xFFFFFC00  }
0x4cd: {  	v5 =	vld [tilespmem:s0+$0xFFFFFFC0]  }
0x4ce: {  	v6 =	vld [tilespmem:s0+$0x30]  }
0x4cf: {  	v7 =	vld [tilespmem:s0+$0x20]  }
0x4d0: {  	v8 =	vld [tilespmem:s0+$0x10]  }
0x4d1: {  	v9 =	vld [tilespmem:s0+$0x0]  }
0x4d2: {  	v10 =	vld [tilespmem:s0+$0xFFFFFFF0]  }
0x4d3: {  	v11 =	vld [tilespmem:s0+$0xFFFFFFE0]  }
0x4d4: {  	v4 =	vld [tilespmem:s0+$0xFFFFFFD0]  }
0x4d5: {  	[tilespmem:v5+s2+$0x0] =	vst.idx.add.f32.msk $0xffff, v3  }
0x4d6: {  	[tilespmem:v6+s2+$0x0] =	vst.idx.add.f32.msk $0xffff, v3  }
0x4d7: {  	[tilespmem:v7+s2+$0x0] =	vst.idx.add.f32.msk $0xffff, v3  }
0x4d8: {  	[tilespmem:v8+s2+$0x0] =	vst.idx.add.f32.msk $0xffff, v3  }
0x4d9: {  	[tilespmem:v9+s2+$0x0] =	vst.idx.add.f32.msk $0xffff, v3  }
0x4da: {  	[tilespmem:v10+s2+$0x0] =	vst.idx.add.f32.msk $0xffff, v3  }
0x4db: {  	s1 =	simm.s32 $0x0;
	[tilespmem:v11+s2+$0x0] =	vst.idx.add.f32.msk $0xffff, v3  }
.LBB2_84:
0x4dc: {  	s1 =	sadd.s32 $0x8, s1;
	[tilespmem:v4+s2+$0x0] =	vst.idx.add.f32.msk $0xffff, v3;
	s0 =	sadd.s32 $0x80, s0  }
0x4dd: {  	v5 =	vld [tilespmem:s0+$0xFFFFFFC0];
	p2 =	slt.u32 s1, $0x38  }
0x4de: {  	v6 =	vld [tilespmem:s0+$0x30]  }
0x4df: {  	v7 =	vld [tilespmem:s0+$0x20]  }
0x4e0: {  	v8 =	vld [tilespmem:s0+$0x10]  }
0x4e1: {  	v9 =	vld [tilespmem:s0+$0x0]  }
0x4e2: {  	v10 =	vld [tilespmem:s0+$0xFFFFFFF0]  }
0x4e3: {  	v11 =	vld [tilespmem:s0+$0xFFFFFFE0]  }
0x4e4: {  	v4 =	vld [tilespmem:s0+$0xFFFFFFD0]  }
0x4e5: {  	[tilespmem:v5+s2+$0x0] =	vst.idx.add.f32.msk $0xffff, v3  }
0x4e6: {  	[tilespmem:v6+s2+$0x0] =	vst.idx.add.f32.msk $0xffff, v3  }
.Ltmp77:
0x4e7: {  	[tilespmem:v7+s2+$0x0] =	vst.idx.add.f32.msk $0xffff, v3;
	(pc) =	sbr.rel @p2 .LBB2_84-.Ltmp77, $4  }
0x4e8: {  	[tilespmem:v8+s2+$0x0] =	vst.idx.add.f32.msk $0xffff, v3  }
0x4e9: {  	[tilespmem:v9+s2+$0x0] =	vst.idx.add.f32.msk $0xffff, v3  }
0x4ea: {  	[tilespmem:v10+s2+$0x0] =	vst.idx.add.f32.msk $0xffff, v3  }
0x4eb: {  	[tilespmem:v11+s2+$0x0] =	vst.idx.add.f32.msk $0xffff, v3  }
.Ltmp78:
0x4ec: {  	_ = 	snop;
	(pc) =	sbr.rel .LBB2_86-.Ltmp78, $2  }
0x4ed: {  	_ =	sdelay $0x2  }
0x4ee: {  	[tilespmem:v4+s2+$0x0] =	vst.idx.add.f32.msk $0xffff, v3  }
.LBB2_87:
0x4ef: {  	_ =	sfence.sel $0x180000  }
0x4f0: {  	[bflag:$0x0] =	sbarrier.arrive $0xFFFF  }
0x4f1: {  	_ =	strace $0x9000004A  }
0x4f2: {  	s0 =	stileid.u32;
	[bflag:$0x2] =	sbarrier.arrive $0xFFFF  }
0x4f3: {  	p0 =	sne.s32 s0, $0x0;
	s0 =	rddreg [dreg:$0x2]  }
0x4f4: {  	s0 =	sadd.s32 @!p0 $0x100000, s0  }
0x4f5: {  	[sflag:s0] =	ssyncadd.tile.s32 @!p0 $0x1;
	_ =	shalt  }
.Lfunc_end2:
_tile_overlayer_lowered:
.L_overlay_start_2:
0x4f6: {  	(tag) =	ssettag $0x2  }
0x4f7: {  	s0 =	rddreg [dreg:$0x0];
	s2 =	stileid.u32  }
0x4f8: {  	s1 =	rddreg [dreg:$0x1];
	p0 =	sne.s32 s2, $0x0  }
0x4f9: {  	s3 =	rddreg [dreg:$0x2];
	[bflag:$0x3] =	sbarrier.arrive $0xFFFF;
	s2 =	simm.s32 @!p0 $0x1C03  }
0x4fa: {  	[timem:s3], [sflag:s2] =	dma.local @!p0 [hbm:s0], s1  }
0x4fb: {  	s0 =	simm.s32 @!p0 $0x3  }
0x4fc: {  	_ =	swait.ge @!p0 [sflag:s0], s1  }
0x4fd: {  	s1 =	ssub.s32 @!p0 $0x0, s1;
	[sflag:s0] =	ssyncset.done @!p0 $0x0  }
0x4fe: {  	[sflag:s0] =	ssyncadd.s32 @!p0 s1  }
0x4ff: {  	[bflag:$0x3] =	sbarrier.arrive $0xFFFF  }
0x500: {  	_ =	shalt  }

// kernel: sparse-core-data-format-call.cloned.1.call-start
scs
called_computation_lowered:
.L_overlay_start_0:
0x0: {  	s1 =	sld [smem:$0x3FD9]  }
0x1: {  	s2 =	sld [smem:$0x3FFE];
	_ =	sdelay $0x1  }
0x2: {  	s3 =	srdreg.scid  }
0x3: {  	s0 =	sand.u32 $0x1, s3  }
0x4: {  	s17 =	sshll.u32 s0, $0xA;
	s1 =	sadd.s32 s2, s1  }
0x5: {  	s1 =	sadd.s32 s1, s17  }
0x6: {  	[smem:$0x3FC1] =	sst s1  }
0x7: {  	_ = 	snop  }
0x8: {  	(tm) =	ssettm $0x1  }
0x9: {  	s18 =	sld [smem:$0x3FFB];
	_ =	sdelay $0x3  }
0xa: {  	_ =	strace s18  }
0xb: {  	s1 =	sld [smem:$0x3FFC];
	_ =	sdelay $0x3  }
0xc: {  	_ =	strace s1  }
0xd: {  	s1 =	sld [smem:$0x3FFD];
	_ =	sdelay $0x3  }
0xe: {  	_ =	strace s1  }
0xf: {  	_ =	strace $0x8FFFFFFF  }
0x10: {  	s19 =	sld [smem:$0x3FDB];
	_ =	sdelay $0x1  }
0x11: {  	s20 =	simm.s32 $_scs_section_size  }
0x12: {  	s4 =	simm.s32 $_size__tile_overlayer_lowered;
	s5 =	simm.s32 $_tile_overlayer_lowered  }
0x13: {  	s23 =	simm.s32 $0x1BFF;
	s22 =	sshll.u32 s5, $0x1;
	s1 =	sadd.s32 s20, s19  }
0x14: {  	s6 =	simm.s32 $0x0;
	s21 =	sshll.u32 s4, $0x1;
	s4 =	sadd.s32 s22, s1  }
0x15: {  	[timem:s6], [sflag:s23] =	dma.local [hbm:s4], s21  }
0x16: {  	_ =	swait.ge [sflag:s23], s21  }
0x17: {  	s2 =	ssub.s32 $0x0, s21;
	[sflag:s23] =	ssyncset.done $0x0  }
0x18: {  	[sflag:s23] =	ssyncadd.s32 s2;
	_ =	sdelay $0x1  }
0x19: {  	s24 =	simm.s32 $0x1B8B  }
0x1a: {  	_ =	swait.ge [sflag:s24], $0x1  }
0x1b: {  	[sflag:s24] =	ssyncset.done $0x0  }
0x1c: {  	s26 =	simm.s32 $0x1B8E;
	s25 =	sld [smem:$0x3FFE];
	[sflag:s24] =	ssyncadd.s32 $0xFFFFFFFF  }
0x1d: {  	s27 =	simm.s32 $execute0_lowered;
	[smem:$0x3FD2] =	sst s26  }
0x1e: {  	s4 =	sshll.u32 s27, $0x1;
	_ =	strace $0x80000046;
	[dreg:$0x1] =	wrdreg $0xFFFFFFFF  }
0x1f: {  	s28 =	simm.s32 $_size_execute0_lowered;
	s1 =	sadd.s32 s1, s4;
	[dreg:$0x0] =	wrdreg $0x0  }
0x20: {  	s4 =	sshll.u32 s28, $0x1;
	[dreg:$0x2] =	wrdreg s1  }
0x21: {  	[dreg:$0x3] =	wrdreg s4  }
0x22: {  	[dreg:$0x4] =	wrdreg $0xC0  }
0x23: {  	_ =	task [dreg:s6], $0x5FFFF  }
0x24: {  	[dreg:$0x1] =	wrdreg $0xFFFFFFFF  }
0x25: {  	[dreg:$0x0] =	wrdreg $0x60  }
0x26: {  	[dreg:$0x2] =	wrdreg s25  }
0x27: {  	[dreg:$0x3] =	wrdreg $0x9  }
0x28: {  	_ =	task.clear_ibuf [dreg:s6], $0x4FFFF;
	_ =	strace $0x90000046  }
0x29: {  	s29 =	simm.s32 $0x9;
	_ =	strace $0x80000048  }
0x2a: {  	_ =	swait.ge [sflag:s29], $0x1  }
0x2b: {  	[sflag:s29] =	ssyncadd.s32 $0xFFFFFFFF  }
0x2c: {  	_ =	strace $0x90000048  }
0x2d: {  	_ =	sfence  }
0x2e: {  	s30 =	sld [smem:$0x0];
	_ =	sdelay $0x2  }
0x2f: {  	s31 =	sshll.u32 s3, $0xD;
	s3 =	sshrl.u32 s3, $0x2  }
0x30: {  	s2 =	sand.u32 $0x4000, s31;
	s1 =	sadd.s32 s3, s30  }
0x31: {  	s0 =	sor.u32 s2, s0;
	s1 =	sshll.u32 s1, $0x11  }
0x32: {  	s0 =	sor.u32 s1, s0  }
0x33: {  	s0 =	sadd.s32 $0x8F2B, s0  }
0x34: {  	[sflag:s0] =	ssyncadd.remote.s32 $0x1  }
0x35: {  	_ =	sfence.sel $0xFFFF  }
0x36: {  	[dreg:$0x0] =	wrdreg $0xFFFFFFFF;
	(pc) =	sbr.abs _section_cstart, $3  }
0x37: {  	[dreg:$0x1] =	wrdreg $0xFFFFFFFF  }
0x38: {  	_ =	task.clear_ibuf [dreg:s6], $0x2FFFF;
	_ =	strace $0x9FFFFFFF  }
0x39: {  	(tm) =	ssettm $0x7FFFFFFF  }
tec
execute0_lowered:
.L_overlay_start_1:
0x0: {  	(tag) =	ssettag $0x1  }
0x1: {  	s0 =	srdreg.scid;
	s4 =	rddreg [dreg:$0x0]  }
0x2: {  	s7 =	simm.s32 $0x1;
	s8 =	simm.s32 $0x2;
	s1 =	sshll.u32 s0, $0x4  }
0x3: {  	s14 =	simm.s32 $0x0;
	s0 =	stileid.u32;
	s1 =	sand.u32 $0x10, s1  }
0x4: {  	s9 =	simm.s32 $0x30D400;
	s10 =	simm.s32 $0x0;
	s2 =	sor.u32 s0, s1  }
0x5: {  	s15 =	simm.s32 $0x0;
	s12 =	simm.s32 $0x0;
	s2 =	sshll.u32 s2, $0x3  }
0x6: {  	s13 =	simm.s32 $0x0;
	s3 =	sadd.s32 $0x30D4A00, s4;
	s6 =	ssub.s32 $0x61A8, s2  }
.Ltmp0:
0x7: {  	s4 =	sadd.s32 $0xA00, s4;
	s5 =	sand.u32 $0xF8, s6;
	(pc) =	sbr.rel .LBB1_1-.Ltmp0, $4  }
0x8: {  	s1 =	rddreg [dreg:$0x1];
	_ =	strace $0x80000047;
	p0 =	sne.s32 s5, $0x0  }
0x9: {  	s6 =	sshrl.u32 s6, $0x8;
	s5 =	simm.s32 $0x1;
	s7 =	simm.s32 @!p0 $0x0  }
0xa: {  	s11 =	smov.u32 s2;
	[sflag:s5] =	ssyncpa.u1 $0x0;
	s6 =	sadd.s32 s7, s6  }
0xb: {  	[sflag:s8] =	ssyncpa.u1 $0x0;
	s8 =	simm.s32 $0x400;
	s7 =	sadd.s32 $0x1, s6  }
.LBB1_9:
0xc: {  	s16 =	sadd.s32 $0x100, s11  }
0xd: {  	s14 =	sadd.s32 $0x2, s12;
	s18 =	smov.u32 s12;
	p1 =	sgt.s32 s16, $0x61A7  }
0xe: {  	s18 =	smov.u32 @p1 s14  }
0xf: {  	s16 =	smov.u32 @p1 s2;
	p1 =	sgt.s32 s18, $0x1  }
0x10: {  	s18 =	simm.s32 @p1 $0x0;
	p1 =	sne.s32 s13, s7  }
.Ltmp1:
0x11: {  	p0 =	slt.u32 s13, $0x2;
	(pc) =	sbr.rel @!p1 .LBB1_10-.Ltmp1, $4  }
0x12: {  	s17 =	simm.s32 @!p0 $0x2  }
0x13: {  	s15 =	smov.u32 s12;
	s10 =	sadd.s32 $0x4000, s10;
	_ =	swait.ge @!p0 [sflag:s17], $0x4000  }
0x14: {  	s14 =	smov.u32 s11;
	[sflag:s17] =	ssyncset.done @!p0 $0x0;
	s11 =	smov.u32 s16  }
0x15: {  	s13 =	sadd.s32 $0x1, s13;
	[sflag:s17] =	ssyncadd.s32 @!p0 $0xFFFFC000;
	s12 =	smov.u32 s18  }
.LBB1_1:
0x16: {  	p0 =	sge.u32 s13, s6  }
0x17: {  	s17 =	smul.u32 @!p0 $0x30D400, s12  }
0x18: {  	s31 =	sadd.s32 $0xFFFFFFFF, s13;
	s16 =	sxor.u32 @!p0 $0xFFFFFFFF, s13;
	s18 =	sshll.u32 @!p0 s11, $0x7  }
0x19: {  	s19 =	simm.s32 @!p0 $0x186A000;
	s16 =	sshll.u32 @!p0 s16, $0xE;
	s17 =	sadd.s32 @!p0 s3, s17  }
0x1a: {  	s16 =	sand.u32 @!p0 $0x4000, s16;
	s17 =	sadd.s32 @!p0 s18, s17;
	s18 =	simm.s32 @!p0 $0x2000  }
0x1b: {  	[tilespmem:s16], [sflag:$0x1] =	stream.strided.gather @!p0 [hbm4b:s17+s18], $0x4000, s19, s18, $0x38;
	[tilespmem:$0x10000] =	vst v63  }
0x1c: {  	p0 =	sge.u32 s31, s6  }
.Ltmp2:
0x1d: {  	_ = 	snop;
	(pc) =	sbr.rel @p0 .LBB1_9-.Ltmp2, $1  }
0x1e: {  	_ =	sdelay $0x3  }
0x1f: {  	s16 =	sshll.u32 s10, $0x2  }
0x20: {  	_ =	swait.ge [sflag:s5], $0x4000;
	s17 =	sshll.u32 s13, $0xE;
	s19 =	simm.s32 $0x0  }
0x21: {  	p1 =	por $0x1, $0x1;
	s16 =	sand.u32 $0x10000, s16;
	[sflag:s5] =	ssyncset.done $0x0  }
0x22: {  	s17 =	sand.u32 $0x4000, s17;
	s18 =	sshrl.u32 s16, $0x2;
	[sflag:s5] =	ssyncadd.s32 $0xFFFFC000  }
0x23: {  	s16 =	sor.u32 $0x8000, s17;
	s17 =	sadd.s32 $0x8040, s18;
	s18 =	sadd.s32 $0x40, s18  }
.LBB1_3:
0x24: {  	s19 =	sshll.u32 s19, $0x2  }
0x25: {  	p0 =	por p1, p1;
	s20 =	sshra.s32 s19, $0x2  }
0x26: {  	s21 =	simm.s32 $0x0;
	s19 =	sadd.s32 s20, s17;
	s20 =	sadd.s32 s20, s18  }
.LBB1_4:
0x27: {  	v0 =	vmov s20;
	_ =	sdelay $0x3  }
0x28: {  	s23 =	simm.s32 $0x0  }
0x29: {  	v6 =	vld.idx.msk [tilespmem:v0+s23+$0x30 ss:$0x1], $0xffff  }
0x2a: {  	v7 =	vld.idx.msk [tilespmem:v0+s23+$0xFFFFFFC0 ss:$0x1], $0xffff  }
0x2b: {  	v5 =	vld.idx.msk [tilespmem:v0+s23+$0xFFFFFFD0 ss:$0x1], $0xffff  }
0x2c: {  	v4 =	vld.idx.msk [tilespmem:v0+s23+$0xFFFFFFE0 ss:$0x1], $0xffff  }
0x2d: {  	v3 =	vld.idx.msk [tilespmem:v0+s23+$0xFFFFFFF0 ss:$0x1], $0xffff  }
0x2e: {  	v1 =	vld.idx.msk [tilespmem:v0+s23+$0x0 ss:$0x1], $0xffff  }
0x2f: {  	v2 =	vld.idx.msk [tilespmem:v0+s23+$0x10 ss:$0x1], $0xffff;
	[tilespmem:s19+$0x30] =	vst v6  }
0x30: {  	s22 =	simm.s32 $0x80;
	s24 =	simm.s32 $0x400;
	[tilespmem:s19+$0xFFFFFFC0] =	vst v7;
	v6 =	vld.idx.msk [tilespmem:v0+s23+$0x20 ss:$0x1], $0xffff;
	s23 =	smov.u32 s19  }
.LBB1_5:
0x31: {  	p1 =	sne.s32 s24, $0xE00;
	v7 =	vld.idx.msk [tilespmem:v0+s22+$0x30 ss:$0x1], $0xffff;
	[tilespmem:s23+$0xFFFFFFD0] =	vst v5  }
0x32: {  	v8 =	vld.idx.msk [tilespmem:v0+s22+$0xFFFFFFC0 ss:$0x1], $0xffff;
	[tilespmem:s23+$0xFFFFFFE0] =	vst v4  }
0x33: {  	v5 =	vld.idx.msk [tilespmem:v0+s22+$0xFFFFFFD0 ss:$0x1], $0xffff;
	[tilespmem:s23+$0xFFFFFFF0] =	vst v3  }
.Ltmp3:
0x34: {  	v4 =	vld.idx.msk [tilespmem:v0+s22+$0xFFFFFFE0 ss:$0x1], $0xffff;
	[tilespmem:s23+$0x0] =	vst v1;
	(pc) =	sbr.rel @p1 .LBB1_5-.Ltmp3, $4  }
0x35: {  	v3 =	vld.idx.msk [tilespmem:v0+s22+$0xFFFFFFF0 ss:$0x1], $0xffff;
	[tilespmem:s23+$0x10] =	vst v2  }
0x36: {  	v1 =	vld.idx.msk [tilespmem:v0+s22+$0x0 ss:$0x1], $0xffff;
	[tilespmem:s23+$0x20] =	vst v6;
	s23 =	sadd.s32 $0x400, s23  }
0x37: {  	v2 =	vld.idx.msk [tilespmem:v0+s22+$0x10 ss:$0x1], $0xffff;
	[tilespmem:s23+$0x30] =	vst v7  }
0x38: {  	[tilespmem:s23+$0xFFFFFFC0] =	vst v8;
	v6 =	vld.idx.msk [tilespmem:v0+s22+$0x20 ss:$0x1], $0xffff;
	s22 =	sshra.s32 s24, $0x2;
	s24 =	sadd.s32 $0x200, s24  }
0x39: {  	_ =	sdelay $0x2  }
0x3a: {  	[tilespmem:s23+$0xFFFFFFD0] =	vst v5  }
0x3b: {  	v56 =	vld.idx.msk [tilespmem:v0+s22+$0x30 ss:$0x1], $0xffff;
	[tilespmem:s23+$0xFFFFFFE0] =	vst v4  }
0x3c: {  	v57 =	vld.idx.msk [tilespmem:v0+s22+$0xFFFFFFC0 ss:$0x1], $0xffff;
	[tilespmem:s23+$0xFFFFFFF0] =	vst v3  }
0x3d: {  	v58 =	vld.idx.msk [tilespmem:v0+s22+$0xFFFFFFD0 ss:$0x1], $0xffff;
	[tilespmem:s23+$0x0] =	vst v1  }
0x3e: {  	v59 =	vld.idx.msk [tilespmem:v0+s22+$0xFFFFFFE0 ss:$0x1], $0xffff;
	[tilespmem:s23+$0x10] =	vst v2  }
0x3f: {  	v60 =	vld.idx.msk [tilespmem:v0+s22+$0xFFFFFFF0 ss:$0x1], $0xffff;
	s31 =	sadd.s32 $0x400, s23;
	[tilespmem:s23+$0x20] =	vst v6  }
0x40: {  	v61 =	vld.idx.msk [tilespmem:v0+s22+$0x0 ss:$0x1], $0xffff;
	[tilespmem:s31+$0x30] =	vst v56  }
0x41: {  	v62 =	vld.idx.msk [tilespmem:v0+s22+$0x10 ss:$0x1], $0xffff;
	s21 =	sadd.s32 $0x1, s21;
	[tilespmem:s31+$0xFFFFFFC0] =	vst v57  }
0x42: {  	v63 =	vld.idx.msk [tilespmem:v0+s22+$0x20 ss:$0x1], $0xffff;
	p1 =	sne.s32 s21, $0x8;
	[tilespmem:s31+$0xFFFFFFD0] =	vst v58  }
.Ltmp4:
0x43: {  	[tilespmem:s31+$0xFFFFFFE0] =	vst v59;
	(pc) =	sbr.rel @p1 .LBB1_4-.Ltmp4, $4  }
0x44: {  	[tilespmem:s31+$0xFFFFFFF0] =	vst v60  }
0x45: {  	[tilespmem:s31+$0x0] =	vst v61  }
0x46: {  	[tilespmem:s31+$0x10] =	vst v62  }
0x47: {  	s19 =	sadd.s32 $0x80, s19;
	s20 =	sadd.s32 $0x400, s20;
	[tilespmem:s31+$0x20] =	vst v63  }
.Ltmp5:
0x48: {  	(pc) =	sbr.rel @p0 .LBB1_3-.Ltmp5, $2  }
0x49: {  	_ =	sdelay $0x2  }
0x4a: {  	s19 =	simm.s32 $0x2000;
	p1 =	por $0x0, $0x0  }
0x4b: {  	s14 =	sand.u32 $0x1FFFFFF, s14  }
0x4c: {  	s17 =	smulhi.u32 $0x14F8B59, s14;
	_ =	sdelay $0x1  }
0x4d: {  	s15 =	smul.u32 $0x30D400, s15;
	s17 =	sshrl.u32 s17, $0x7  }
0x4e: {  	s17 =	smul.u32 $0x61A8, s17  }
.Ltmp6:
0x4f: {  	_ = 	snop;
	(pc) =	sbr.rel .LBB1_9-.Ltmp6, $4  }
0x50: {  	s14 =	ssub.s32 s14, s17  }
0x51: {  	s15 =	sadd.s32 s4, s15;
	s14 =	sshll.u32 s14, $0x4  }
0x52: {  	s14 =	sadd.s32 s14, s15  }
0x53: {  	[hbm4b:s14+s8] =	stream.strided.scatter [tilespmem:s16], [sflag:$0x2], $0x4000, s9, s8, $0x38;
	[tilespmem:$0x10000] =	vst v63  }
.LBB1_10:
0x54: {  	_ =	sfence.sel $0x180000  }
0x55: {  	s2 =	simm.s32 $0x1;
	[bflag:$0x0] =	sbarrier.arrive $0xFFFF  }
0x56: {  	s31 =	simm.s32 $0x2;
	[sflag:s2] =	ssyncpa.u1 $0x1  }
0x57: {  	[sflag:s31] =	ssyncpa.u1 $0x1  }
0x58: {  	p0 =	sne.s32 s0, $0x0;
	_ =	strace $0x90000047  }
0x59: {  	s0 =	sadd.s32 @!p0 $0x100000, s1;
	[bflag:$0x2] =	sbarrier.arrive $0xFFFF  }
0x5a: {  	[sflag:s0] =	ssyncadd.tile.s32 @!p0 $0x1;
	_ =	shalt  }
.Lfunc_end1:
_tile_overlayer_lowered:
.L_overlay_start_2:
0x5b: {  	(tag) =	ssettag $0x2  }
0x5c: {  	s0 =	rddreg [dreg:$0x0];
	s2 =	stileid.u32  }
0x5d: {  	s1 =	rddreg [dreg:$0x1];
	p0 =	sne.s32 s2, $0x0  }
0x5e: {  	s3 =	rddreg [dreg:$0x2];
	[bflag:$0x3] =	sbarrier.arrive $0xFFFF;
	s2 =	simm.s32 @!p0 $0x1C01  }
0x5f: {  	[timem:s3], [sflag:s2] =	dma.local @!p0 [hbm:s0], s1  }
0x60: {  	s0 =	simm.s32 @!p0 $0x1  }
0x61: {  	_ =	swait.ge @!p0 [sflag:s0], s1  }
0x62: {  	s1 =	ssub.s32 @!p0 $0x0, s1;
	[sflag:s0] =	ssyncset.done @!p0 $0x0  }
0x63: {  	[sflag:s0] =	ssyncadd.s32 @!p0 s1  }
0x64: {  	[bflag:$0x3] =	sbarrier.arrive $0xFFFF  }
0x65: {  	_ =	shalt  }

</sc_bundles>
